<compile_context>
chip_gen: v7x
topology: tpu7x:2x2x1
jax: 0.10.2.dev20260603
libtpu: 0.0.44.dev20260713+nightly
codegen_flags: <defaults>
</compile_context>

<pallas_src>
import functools


import jax
import jax.numpy as jnp
from jax import lax
from jax.experimental import pallas as pl
from jax.experimental.pallas import tpu as pltpu
from jax.experimental.pallas import tpu_sc as plsc

N = 10000
NPAD = 10240
E = 320000
EPAD = 327680
D = 128
H = 64

NC = 2
NS = 16
NW = NC * NS
EPW = EPAD // NW
CH = 128
NCHUNK = EPW // CH
RPW = NPAD // NS
NBUF = 12
LOOKAHEAD = 6
NPAIR = NPAD // 2

_MESH = plsc.VectorSubcoreMesh(
    core_axis_name="c", subcore_axis_name="s", num_cores=NC, num_subcores=NS
)



def _deg_body(dst_hbm, zeros_hbm, out_hbm, deg_sp, didx_v, ones_v, ssem):
    c = lax.axis_index("c")
    s = lax.axis_index("s")
    for j in range(8):
        ones_v[pl.ds(j * 16, 16)] = jnp.ones((16,), jnp.float32)
    pltpu.sync_copy(dst_hbm.at[pl.ds((c * NS + s) * NCHUNK, NCHUNK)], didx_v)
    pltpu.sync_copy(zeros_hbm.at[pl.ds(s * RPW, RPW)],
                    deg_sp.at[pl.ds(s * RPW, RPW)])
    plsc.subcore_barrier()

    def body(i, carry):
        pltpu.async_copy(ones_v, deg_sp.at[didx_v.at[i]], ssem, add=True)
        return carry

    lax.fori_loop(0, NCHUNK, body, 0)

    def drain(i, carry):
        pltpu.make_async_copy(ones_v, deg_sp.at[didx_v.at[0]], ssem).wait()
        return carry

    lax.fori_loop(0, NCHUNK, drain, 0)
    plsc.subcore_barrier()
    pltpu.sync_copy(deg_sp.at[pl.ds(s * RPW, RPW)],
                    out_hbm.at[c, pl.ds(s * RPW, RPW)])


_SC_PARAMS = pltpu.CompilerParams(use_tc_tiling_on_sc=False)

_deg_kernel = pl.kernel(
    _deg_body,
    out_type=jax.ShapeDtypeStruct((NC, NPAD), jnp.float32),
    mesh=_MESH,
    compiler_params=_SC_PARAMS,
    scratch_types=[
        pltpu.VMEM_SHARED((NPAD,), jnp.float32),
        pltpu.VMEM((NCHUNK, CH), jnp.int32),
        pltpu.VMEM((CH,), jnp.float32),
        pltpu.SemaphoreType.DMA,
    ],
)


def _seg_body(tab_hbm, src_hbm, dst_hbm, zeros_hbm, out_hbm,
              acc_sp, sidx_v, didx_v, rows_v, gsem, ssem):
    c = lax.axis_index("c")
    s = lax.axis_index("s")
    w = c * NS + s
    pltpu.sync_copy(src_hbm.at[pl.ds(w * NCHUNK, NCHUNK)], sidx_v)
    pltpu.sync_copy(dst_hbm.at[pl.ds(w * NCHUNK, NCHUNK)], didx_v)
    pltpu.sync_copy(zeros_hbm.at[pl.ds(s * RPW, RPW)],
                    acc_sp.at[pl.ds(s * RPW, RPW)])
    plsc.subcore_barrier()

    def wait_g(b):
        pltpu.make_async_copy(tab_hbm.at[sidx_v.at[0]], rows_v.at[b],
                              gsem).wait()

    def wait_s():
        pltpu.make_async_copy(rows_v.at[0], acc_sp.at[didx_v.at[0]],
                              ssem).wait()

    for k in range(LOOKAHEAD):
        pltpu.async_copy(tab_hbm.at[sidx_v.at[k]], rows_v.at[k], gsem)
    for i in range(LOOKAHEAD):
        wait_g(i)
        pltpu.async_copy(rows_v.at[i], acc_sp.at[didx_v.at[i]], ssem,
                         add=True)
        j = i + LOOKAHEAD
        pltpu.async_copy(tab_hbm.at[sidx_v.at[j]], rows_v.at[j % NBUF], gsem)

    def body(i, carry):
        b = i % NBUF
        wait_g(b)
        pltpu.async_copy(rows_v.at[b], acc_sp.at[didx_v.at[i]], ssem,
                         add=True)
        wait_s()
        j = i + LOOKAHEAD
        pltpu.async_copy(tab_hbm.at[sidx_v.at[j]], rows_v.at[j % NBUF], gsem)
        return carry

    lax.fori_loop(LOOKAHEAD, NCHUNK - LOOKAHEAD, body, 0)

    for i in range(NCHUNK - LOOKAHEAD, NCHUNK):
        wait_g(i % NBUF)
        pltpu.async_copy(rows_v.at[i % NBUF], acc_sp.at[didx_v.at[i]], ssem,
                         add=True)
    for _ in range(2 * LOOKAHEAD):
        wait_s()
    plsc.subcore_barrier()
    pltpu.sync_copy(acc_sp.at[pl.ds(s * RPW, RPW)],
                    out_hbm.at[c, pl.ds(s * RPW, RPW)])


_seg_kernel = pl.kernel(
    _seg_body,
    out_type=jax.ShapeDtypeStruct((NC, NPAD, H), jnp.bfloat16),
    mesh=_MESH,
    compiler_params=_SC_PARAMS,
    scratch_types=[
        pltpu.VMEM_SHARED((NPAD, H), jnp.bfloat16),
        pltpu.VMEM((NCHUNK, CH), jnp.int32),
        pltpu.VMEM((NCHUNK, CH), jnp.int32),
        pltpu.VMEM((NBUF, CH, H), jnp.bfloat16),
        pltpu.SemaphoreType.DMA,
        pltpu.SemaphoreType.DMA,
    ],
)



def _tc1_body(x_ref, w1_ref, degp_ref, ht_ref, dis_ref):
    deg2 = degp_ref[0] + degp_ref[1] + 1.0
    r = lax.broadcasted_iota(jnp.int32, (NPAIR, 2), 0)
    j = lax.broadcasted_iota(jnp.int32, (NPAIR, 2), 1)
    dis2 = jnp.where(r + j * NPAIR < N, lax.rsqrt(deg2), 0.0)
    dis_top = jnp.broadcast_to(dis2[:, 0:1], (NPAIR, H))
    dis_bot = jnp.broadcast_to(dis2[:, 1:2], (NPAIR, H))
    w1 = w1_ref[...]
    h_top = jnp.dot(x_ref[:NPAIR, :], w1, preferred_element_type=jnp.float32)
    h_bot = jnp.dot(x_ref[NPAIR:, :], w1, preferred_element_type=jnp.float32)
    ht = jnp.concatenate([h_top * dis_top, h_bot * dis_bot], axis=1)
    ht_ref[...] = ht.astype(jnp.bfloat16)
    dis_ref[...] = jnp.concatenate([dis_top, dis_bot], axis=1)


def _tc2_body(acc_ref, ht1_ref, dis_ref, b1_ref, w2_ref, ht2_ref):
    dis = dis_ref[...]
    agg = (acc_ref[0].astype(jnp.float32) + acc_ref[1].astype(jnp.float32)
           + ht1_ref[...].astype(jnp.float32)) * dis + b1_ref[...]
    a1 = jnp.maximum(agg, 0.0)
    w2 = w2_ref[...]
    m_ev = jnp.dot(a1[:, :H], w2, preferred_element_type=jnp.float32)
    m_od = jnp.dot(a1[:, H:], w2, preferred_element_type=jnp.float32)
    ht2 = jnp.concatenate([m_ev, m_od], axis=1) * dis
    ht2_ref[...] = ht2.astype(jnp.bfloat16)


def _tc3_body(acc_ref, ht2_ref, dis_ref, b2_ref, wc1_ref, bc1_ref,
              wc2_ref, bc2_ref, out_ref):
    contrib = (acc_ref[0].astype(jnp.float32) + acc_ref[1].astype(jnp.float32)
               + ht2_ref[...].astype(jnp.float32)) * dis_ref[...]
    srow = jnp.sum(contrib, axis=0, keepdims=True)
    g = (srow[:, :H] + srow[:, H:]) * (1.0 / N) + b2_ref[...]
    z = jnp.maximum(
        jnp.dot(g, wc1_ref[...], preferred_element_type=jnp.float32)
        + bc1_ref[...], 0.0)
    out_ref[...] = (jnp.dot(z, wc2_ref[...],
                            preferred_element_type=jnp.float32)
                    + bc2_ref[...])


def _tc_call(body, out_shape):
    return pl.pallas_call(body, out_shape=out_shape)



@jax.jit
def kernel(x, edge_index, W1, b1, W2, b2, Wc1, bc1, Wc2, bc2):
    pad = (N + (jnp.arange(EPAD - E, dtype=jnp.int32) % (NPAD - N)))
    dst = jnp.concatenate([edge_index[1].astype(jnp.int32), pad])
    dst_p = jnp.where(dst < NPAIR, 2 * dst,
                      2 * dst - (NPAD - 1)).reshape(EPAD // CH, CH)
    src = jnp.concatenate([edge_index[0].astype(jnp.int32), pad])
    src_p = jnp.where(src < NPAIR, 2 * src,
                      2 * src - (NPAD - 1)).reshape(EPAD // CH, CH)
    x_p = jnp.pad(x, ((0, NPAD - N), (0, 0)))

    zeros_n = jnp.zeros((NPAD,), jnp.float32)
    zeros_nh = jnp.zeros((NPAD, H), jnp.bfloat16)

    deg_parts = _deg_kernel(dst_p, zeros_n)

    ht1, dis = _tc_call(
        _tc1_body,
        [jax.ShapeDtypeStruct((NPAIR, 2 * H), jnp.bfloat16),
         jax.ShapeDtypeStruct((NPAIR, 2 * H), jnp.float32)],
    )(x_p, W1, deg_parts.reshape(NC, NPAIR, 2))

    acc1 = _seg_kernel(ht1.reshape(NPAD, H), src_p, dst_p, zeros_nh)

    ht2 = _tc_call(
        _tc2_body, jax.ShapeDtypeStruct((NPAIR, 2 * H), jnp.bfloat16)
    )(acc1.reshape(NC, NPAIR, 2 * H), ht1, dis,
      jnp.concatenate([b1, b1]).reshape(1, 2 * H), W2)

    acc2 = _seg_kernel(ht2.reshape(NPAD, H), src_p, dst_p, zeros_nh)

    logits = _tc_call(
        _tc3_body, jax.ShapeDtypeStruct((1, 2), jnp.float32)
    )(acc2.reshape(NC, NPAIR, 2 * H), ht2, dis, b2.reshape(1, H),
      Wc1, bc1.reshape(1, H // 2), Wc2, bc2.reshape(1, 2))
    return logits

# --- scband reference (transcript-rebuilt; emitter-appended) ---
"""Pipeline reference for scband-basic-gcnnetwork-76046690943380 (READ-ONLY COPY).

The authoritative reference and input builder live on the scoring server;
editing this copy changes nothing except your own understanding.
"""

import jax, jax.numpy as jnp
import numpy as np

N = 10000
E = 320000
D = 128
H = 64
OUT = 2


def setup_inputs(seed: int = 0) -> dict:
    key = jax.random.key(seed)
    ks = jax.random.split(key, 12)
    x = jax.random.normal(ks[0], (N, D), dtype=jnp.float32)
    edge_index = jax.random.randint(ks[1], (2, E), 0, N)
    W1 = jax.random.normal(ks[2], (D, H), dtype=jnp.float32) * 0.05
    b1 = jnp.zeros((H,), dtype=jnp.float32)
    W2 = jax.random.normal(ks[3], (H, H), dtype=jnp.float32) * 0.05
    b2 = jnp.zeros((H,), dtype=jnp.float32)
    Wc1 = jax.random.normal(ks[4], (H, H // 2), dtype=jnp.float32) * 0.05
    bc1 = jnp.zeros((H // 2,), dtype=jnp.float32)
    Wc2 = jax.random.normal(ks[5], (H // 2, OUT), dtype=jnp.float32) * 0.05
    bc2 = jnp.zeros((OUT,), dtype=jnp.float32)
    return {"x": x, "edge_index": edge_index, "W1": W1, "b1": b1, "W2": W2,
            "b2": b2, "Wc1": Wc1, "bc1": bc1, "Wc2": Wc2, "bc2": bc2}


def _gcn_conv(x, edge_index, W, b):
    # PyG GCNConv: D^{-1/2} (A + I) D^{-1/2} X W + b
    src = edge_index[0]
    dst = edge_index[1]
    loop = jnp.arange(N, dtype=src.dtype)
    src = jnp.concatenate([src, loop])
    dst = jnp.concatenate([dst, loop])
    deg = jnp.zeros((N,), dtype=x.dtype).at[dst].add(1.0)
    deg_inv_sqrt = jnp.where(deg > 0, 1.0 / jnp.sqrt(deg), 0.0)
    norm = deg_inv_sqrt[src] * deg_inv_sqrt[dst]
    h = x @ W
    msg = h[src] * norm[:, None]
    out = jnp.zeros((N, W.shape[1]), dtype=x.dtype).at[dst].add(msg)
    return out + b


def reference(x, edge_index, W1, b1, W2, b2, Wc1, bc1, Wc2, bc2):
    # layer 1 + relu (dropout is identity in eval mode)
    h = _gcn_conv(x, edge_index, W1, b1)
    h = jax.nn.relu(h)
    # layer 2 (last layer: no relu/dropout)
    h = _gcn_conv(h, edge_index, W2, b2)
    # batch is None -> mean over all nodes
    g = jnp.mean(h, axis=0, keepdims=True)
    # classifier MLP
    z = jax.nn.relu(g @ Wc1 + bc1)
    logits = z @ Wc2 + bc2
    return logits

if __name__ == "__main__":
    import jax
    _d = setup_inputs()
    print(jax.jit(kernel)(*tuple(_d.values())))

</pallas_src>

<mosaic_0001>
#map = affine_map<(d0, d1) -> (0, 0)>
#map1 = affine_map<(d0, d1) -> (0)>
module attributes {stable_mosaic.version = 14 : i64} {
  func.func @_deg_body(%arg0: i32, %arg1: i32, %arg2: memref<2560x128xi32, #tpu.memory_space<hbm>>, %arg3: memref<10240xf32, #tpu.memory_space<hbm>>, %arg4: memref<2x10240xf32, #tpu.memory_space<hbm>>, %arg5: memref<10240xf32, #tpu.memory_space<vmem_shared>>, %arg6: memref<80x128xi32, #tpu.memory_space<vmem>>, %arg7: memref<128xf32, #tpu.memory_space<vmem>>, %arg8: memref<!tpu.dma_semaphore, #tpu.memory_space<semaphore_mem>>) attributes {dimension_semantics = [#tpu.dimension_semantics<core_parallel>, #tpu.dimension_semantics<subcore_parallel>], iteration_bounds = array<i64: 2, 16>, scalar_prefetch = 0 : i64, scratch_operands = 4 : i64, tpu.core_type = #tpu.core_type<sc_vector_subcore>, window_params = [{transform_indices = #map}, {transform_indices = #map1}, {transform_indices = #map}]} {
    %broadcast_in_dim3A = arith.constant 1.000000e+00 : f32
    %broadcast_in_dim3A_0 = vector.broadcast %broadcast_in_dim3A : f32 to vector<16xf32>
    %swap3A = arith.constant 0 : index
    %swap3A_1 = tpu.vector_load %arg7[%swap3A] {strides = array<i32>} : memref<128xf32, #tpu.memory_space<vmem>>, vector<16xf32>,
    %swap3A_2 = vector.shape_cast %swap3A_1 : vector<16xf32> to vector<16xf32>
    %swap3A_3 = vector.shape_cast %broadcast_in_dim3A_0 : vector<16xf32> to vector<16xf32>
    tpu.vector_store %arg7[%swap3A], %swap3A_3 {strides = array<i32>} : memref<128xf32, #tpu.memory_space<vmem>>, vector<16xf32>,
    %broadcast_in_dim3A_4 = arith.constant 1.000000e+00 : f32
    %broadcast_in_dim3A_5 = vector.broadcast %broadcast_in_dim3A_4 : f32 to vector<16xf32>
    %swap3A_6 = arith.constant 16 : index
    %swap3A_7 = tpu.vector_load %arg7[%swap3A_6] {strides = array<i32>} : memref<128xf32, #tpu.memory_space<vmem>>, vector<16xf32>,
    %swap3A_8 = vector.shape_cast %swap3A_7 : vector<16xf32> to vector<16xf32>
    %swap3A_9 = vector.shape_cast %broadcast_in_dim3A_5 : vector<16xf32> to vector<16xf32>
    tpu.vector_store %arg7[%swap3A_6], %swap3A_9 {strides = array<i32>} : memref<128xf32, #tpu.memory_space<vmem>>, vector<16xf32>,
    %broadcast_in_dim3A_10 = arith.constant 1.000000e+00 : f32
    %broadcast_in_dim3A_11 = vector.broadcast %broadcast_in_dim3A_10 : f32 to vector<16xf32>
    %swap3A_12 = arith.constant 32 : index
    %swap3A_13 = tpu.vector_load %arg7[%swap3A_12] {strides = array<i32>} : memref<128xf32, #tpu.memory_space<vmem>>, vector<16xf32>,
    %swap3A_14 = vector.shape_cast %swap3A_13 : vector<16xf32> to vector<16xf32>
    %swap3A_15 = vector.shape_cast %broadcast_in_dim3A_11 : vector<16xf32> to vector<16xf32>
    tpu.vector_store %arg7[%swap3A_12], %swap3A_15 {strides = array<i32>} : memref<128xf32, #tpu.memory_space<vmem>>, vector<16xf32>,
    %broadcast_in_dim3A_16 = arith.constant 1.000000e+00 : f32
    %broadcast_in_dim3A_17 = vector.broadcast %broadcast_in_dim3A_16 : f32 to vector<16xf32>
    %swap3A_18 = arith.constant 48 : index
    %swap3A_19 = tpu.vector_load %arg7[%swap3A_18] {strides = array<i32>} : memref<128xf32, #tpu.memory_space<vmem>>, vector<16xf32>,
    %swap3A_20 = vector.shape_cast %swap3A_19 : vector<16xf32> to vector<16xf32>
    %swap3A_21 = vector.shape_cast %broadcast_in_dim3A_17 : vector<16xf32> to vector<16xf32>
    tpu.vector_store %arg7[%swap3A_18], %swap3A_21 {strides = array<i32>} : memref<128xf32, #tpu.memory_space<vmem>>, vector<16xf32>,
    %broadcast_in_dim3A_22 = arith.constant 1.000000e+00 : f32
    %broadcast_in_dim3A_23 = vector.broadcast %broadcast_in_dim3A_22 : f32 to vector<16xf32>
    %swap3A_24 = arith.constant 64 : index
    %swap3A_25 = tpu.vector_load %arg7[%swap3A_24] {strides = array<i32>} : memref<128xf32, #tpu.memory_space<vmem>>, vector<16xf32>,
    %swap3A_26 = vector.shape_cast %swap3A_25 : vector<16xf32> to vector<16xf32>
    %swap3A_27 = vector.shape_cast %broadcast_in_dim3A_23 : vector<16xf32> to vector<16xf32>
    tpu.vector_store %arg7[%swap3A_24], %swap3A_27 {strides = array<i32>} : memref<128xf32, #tpu.memory_space<vmem>>, vector<16xf32>,
    %broadcast_in_dim3A_28 = arith.constant 1.000000e+00 : f32
    %broadcast_in_dim3A_29 = vector.broadcast %broadcast_in_dim3A_28 : f32 to vector<16xf32>
    %swap3A_30 = arith.constant 80 : index
    %swap3A_31 = tpu.vector_load %arg7[%swap3A_30] {strides = array<i32>} : memref<128xf32, #tpu.memory_space<vmem>>, vector<16xf32>,
    %swap3A_32 = vector.shape_cast %swap3A_31 : vector<16xf32> to vector<16xf32>
    %swap3A_33 = vector.shape_cast %broadcast_in_dim3A_29 : vector<16xf32> to vector<16xf32>
    tpu.vector_store %arg7[%swap3A_30], %swap3A_33 {strides = array<i32>} : memref<128xf32, #tpu.memory_space<vmem>>, vector<16xf32>,
    %broadcast_in_dim3A_34 = arith.constant 1.000000e+00 : f32
    %broadcast_in_dim3A_35 = vector.broadcast %broadcast_in_dim3A_34 : f32 to vector<16xf32>
    %swap3A_36 = arith.constant 96 : index
    %swap3A_37 = tpu.vector_load %arg7[%swap3A_36] {strides = array<i32>} : memref<128xf32, #tpu.memory_space<vmem>>, vector<16xf32>,
    %swap3A_38 = vector.shape_cast %swap3A_37 : vector<16xf32> to vector<16xf32>
    %swap3A_39 = vector.shape_cast %broadcast_in_dim3A_35 : vector<16xf32> to vector<16xf32>
    tpu.vector_store %arg7[%swap3A_36], %swap3A_39 {strides = array<i32>} : memref<128xf32, #tpu.memory_space<vmem>>, vector<16xf32>,
    %broadcast_in_dim3A_40 = arith.constant 1.000000e+00 : f32
    %broadcast_in_dim3A_41 = vector.broadcast %broadcast_in_dim3A_40 : f32 to vector<16xf32>
    %swap3A_42 = arith.constant 112 : index
    %swap3A_43 = tpu.vector_load %arg7[%swap3A_42] {strides = array<i32>} : memref<128xf32, #tpu.memory_space<vmem>>, vector<16xf32>,
    %swap3A_44 = vector.shape_cast %swap3A_43 : vector<16xf32> to vector<16xf32>
    %swap3A_45 = vector.shape_cast %broadcast_in_dim3A_41 : vector<16xf32> to vector<16xf32>
    tpu.vector_store %arg7[%swap3A_42], %swap3A_45 {strides = array<i32>} : memref<128xf32, #tpu.memory_space<vmem>>, vector<16xf32>,
    %mul3A = arith.constant 16 : i32
    %mul3A_46 = arith.muli %arg0, %mul3A : i32
    %add3A = arith.addi %mul3A_46, %arg1 : i32
    %mul3A_47 = arith.constant 80 : i32
    %mul3A_48 = arith.muli %add3A, %mul3A_47 : i32
    "tpu.region"() ({
      %run_scoped3A = tpu.sem_alloc : memref<!tpu.dma_semaphore, #tpu.memory_space<semaphore_mem>>
      %dma_start3A = arith.constant 0 : i32
      %dma_start3A_69 = tpu.memref_slice %arg2[%mul3A_48, %dma_start3A] : memref<2560x128xi32, #tpu.memory_space<hbm>> -> memref<80x128xi32, #tpu.memory_space<hbm>>
      %dma_start3A_70 = arith.constant 0 : i32
      %dma_start3A_71 = tpu.memref_slice %arg2[%mul3A_48, %dma_start3A_70] : memref<2560x128xi32, #tpu.memory_space<hbm>> -> memref<80x128xi32, #tpu.memory_space<hbm>>
      tpu.enqueue_dma source(%dma_start3A_71 : memref<80x128xi32, #tpu.memory_space<hbm>>) target(%arg6 : memref<80x128xi32, #tpu.memory_space<vmem>>) target_semaphore(%run_scoped3A : memref<!tpu.dma_semaphore, #tpu.memory_space<semaphore_mem>>)
      %dma_wait3A = arith.constant 0 : i32
      %dma_wait3A_72 = tpu.memref_slice %arg2[%mul3A_48, %dma_wait3A] : memref<2560x128xi32, #tpu.memory_space<hbm>> -> memref<80x128xi32, #tpu.memory_space<hbm>>
      %dma_wait3A_73 = arith.constant 0 : i32
      %dma_wait3A_74 = tpu.memref_slice %arg2[%mul3A_48, %dma_wait3A_73] : memref<2560x128xi32, #tpu.memory_space<hbm>> -> memref<80x128xi32, #tpu.memory_space<hbm>>
      tpu.wait_dma2 semaphore(%run_scoped3A : memref<!tpu.dma_semaphore, #tpu.memory_space<semaphore_mem>>) src(%dma_wait3A_74 : memref<80x128xi32, #tpu.memory_space<hbm>>) dst(%arg6 : memref<80x128xi32, #tpu.memory_space<vmem>>)
      tpu.yield
    }) : () -> ()
    %mul3A_49 = arith.constant 640 : i32
    %mul3A_50 = arith.muli %arg1, %mul3A_49 : i32
    %mul3A_51 = arith.constant 640 : i32
    %mul3A_52 = arith.muli %arg1, %mul3A_51 : i32
    "tpu.region"() ({
      %run_scoped3A = tpu.sem_alloc : memref<!tpu.dma_semaphore, #tpu.memory_space<semaphore_mem>>
      %dma_start3A = tpu.memref_slice %arg5[%mul3A_52] : memref<10240xf32, #tpu.memory_space<vmem_shared>> -> memref<640xf32, #tpu.memory_space<vmem_shared>>
      %dma_start3A_69 = tpu.memref_slice %arg3[%mul3A_50] : memref<10240xf32, #tpu.memory_space<hbm>> -> memref<640xf32, #tpu.memory_space<hbm>>
      tpu.enqueue_dma source(%dma_start3A_69 : memref<640xf32, #tpu.memory_space<hbm>>) target(%dma_start3A : memref<640xf32, #tpu.memory_space<vmem_shared>>) target_semaphore(%run_scoped3A : memref<!tpu.dma_semaphore, #tpu.memory_space<semaphore_mem>>)
      %dma_wait3A = tpu.memref_slice %arg5[%mul3A_52] : memref<10240xf32, #tpu.memory_space<vmem_shared>> -> memref<640xf32, #tpu.memory_space<vmem_shared>>
      %dma_wait3A_70 = tpu.memref_slice %arg3[%mul3A_50] : memref<10240xf32, #tpu.memory_space<hbm>> -> memref<640xf32, #tpu.memory_space<hbm>>
      tpu.wait_dma2 semaphore(%run_scoped3A : memref<!tpu.dma_semaphore, #tpu.memory_space<semaphore_mem>>) src(%dma_wait3A_70 : memref<640xf32, #tpu.memory_space<hbm>>) dst(%dma_wait3A : memref<640xf32, #tpu.memory_space<vmem_shared>>)
      tpu.yield
    }) : () -> ()
    %barrier3A = arith.constant 0 : index
    tpu.barrier barrier_id(%barrier3A)
    %scan3A = arith.constant 0 : i32
    %scan3A_53 = arith.constant 0 : i32
    %scan3A_54 = arith.constant 80 : i32
    %scan3A_55 = arith.addi %scan3A_53, %scan3A_54 : i32
    %scan3A_56 = arith.constant 1 : i32
    scf.for %scan3A_69 = %scan3A_53 to %scan3A_55 step %scan3A_56  : i32 {
      %dma_start3A = arith.constant 0 : i32
      %dma_start3A_70 = tpu.memref_slice %arg6[%scan3A_69, %dma_start3A] : memref<80x128xi32, #tpu.memory_space<vmem>> -> memref<1x128xi32, #tpu.memory_space<vmem>>
      %dma_start3A_71 = tpu.memref_squeeze %dma_start3A_70 : memref<1x128xi32, #tpu.memory_space<vmem>> -> memref<128xi32, #tpu.memory_space<vmem>>
      %dma_start3A_72 = arith.constant 0 : i32
      %dma_start3A_73 = tpu.memref_slice %arg5[%dma_start3A_72] : memref<10240xf32, #tpu.memory_space<vmem_shared>> -> memref<10240xf32, #tpu.memory_space<vmem_shared>>
      tpu.enqueue_indirect_dma source(%arg7 : memref<128xf32, #tpu.memory_space<vmem>>) target(%dma_start3A_73 : memref<10240xf32, #tpu.memory_space<vmem_shared>>) offsets(%dma_start3A_71 : memref<128xi32, #tpu.memory_space<vmem>>) semaphore(%arg8 : memref<!tpu.dma_semaphore, #tpu.memory_space<semaphore_mem>>) {add = true}
    }
    %scan3A_57 = arith.constant 80 : i32
    %scan3A_58 = arith.constant 0 : i32
    %scan3A_59 = arith.constant 0 : i32
    %scan3A_60 = arith.constant 80 : i32
    %scan3A_61 = arith.addi %scan3A_59, %scan3A_60 : i32
    %scan3A_62 = arith.constant 1 : i32
    scf.for %scan3A_69 = %scan3A_59 to %scan3A_61 step %scan3A_62  : i32 {
      %dma_wait3A = arith.constant 0 : i32
      %dma_wait3A_70 = arith.constant 0 : i32
      %dma_wait3A_71 = tpu.memref_slice %arg6[%dma_wait3A, %dma_wait3A_70] : memref<80x128xi32, #tpu.memory_space<vmem>> -> memref<1x128xi32, #tpu.memory_space<vmem>>
      %dma_wait3A_72 = tpu.memref_squeeze %dma_wait3A_71 : memref<1x128xi32, #tpu.memory_space<vmem>> -> memref<128xi32, #tpu.memory_space<vmem>>
      %dma_wait3A_73 = arith.constant 0 : i32
      %dma_wait3A_74 = tpu.memref_slice %arg5[%dma_wait3A_73] : memref<10240xf32, #tpu.memory_space<vmem_shared>> -> memref<10240xf32, #tpu.memory_space<vmem_shared>>
      tpu.wait_indirect_dma semaphore(%arg8 : memref<!tpu.dma_semaphore, #tpu.memory_space<semaphore_mem>>) src(%arg7 : memref<128xf32, #tpu.memory_space<vmem>>) dst(%dma_wait3A_74 : memref<10240xf32, #tpu.memory_space<vmem_shared>>)
    }
    %scan3A_63 = arith.constant 80 : i32
    %barrier3A_64 = arith.constant 0 : index
    tpu.barrier barrier_id(%barrier3A_64)
    %mul3A_65 = arith.constant 640 : i32
    %mul3A_66 = arith.muli %arg1, %mul3A_65 : i32
    %mul3A_67 = arith.constant 640 : i32
    %mul3A_68 = arith.muli %arg1, %mul3A_67 : i32
    "tpu.region"() ({
      %run_scoped3A = tpu.sem_alloc : memref<!tpu.dma_semaphore, #tpu.memory_space<semaphore_mem>>
      %dma_start3A = tpu.memref_slice %arg4[%arg0, %mul3A_68] : memref<2x10240xf32, #tpu.memory_space<hbm>> -> memref<1x640xf32, #tpu.memory_space<hbm>>
      %dma_start3A_69 = tpu.memref_squeeze %dma_start3A : memref<1x640xf32, #tpu.memory_space<hbm>> -> memref<640xf32, #tpu.memory_space<hbm>>
      %dma_start3A_70 = tpu.memref_slice %arg5[%mul3A_66] : memref<10240xf32, #tpu.memory_space<vmem_shared>> -> memref<640xf32, #tpu.memory_space<vmem_shared>>
      tpu.enqueue_dma source(%dma_start3A_70 : memref<640xf32, #tpu.memory_space<vmem_shared>>) target(%dma_start3A_69 : memref<640xf32, #tpu.memory_space<hbm>>) target_semaphore(%run_scoped3A : memref<!tpu.dma_semaphore, #tpu.memory_space<semaphore_mem>>)
      %dma_wait3A = tpu.memref_slice %arg4[%arg0, %mul3A_68] : memref<2x10240xf32, #tpu.memory_space<hbm>> -> memref<1x640xf32, #tpu.memory_space<hbm>>
      %dma_wait3A_71 = tpu.memref_squeeze %dma_wait3A : memref<1x640xf32, #tpu.memory_space<hbm>> -> memref<640xf32, #tpu.memory_space<hbm>>
      %dma_wait3A_72 = tpu.memref_slice %arg5[%mul3A_66] : memref<10240xf32, #tpu.memory_space<vmem_shared>> -> memref<640xf32, #tpu.memory_space<vmem_shared>>
      tpu.wait_dma2 semaphore(%run_scoped3A : memref<!tpu.dma_semaphore, #tpu.memory_space<semaphore_mem>>) src(%dma_wait3A_72 : memref<640xf32, #tpu.memory_space<vmem_shared>>) dst(%dma_wait3A_71 : memref<640xf32, #tpu.memory_space<hbm>>)
      tpu.yield
    }) : () -> ()
    return
  }
}

#map = affine_map<(d0, d1) -> (0, 0)>
#map1 = affine_map<(d0, d1) -> (0, 0, 0)>
module attributes {stable_mosaic.version = 14 : i64} {
  func.func @_seg_body(%arg0: i32, %arg1: i32, %arg2: memref<10240x64xbf16, #tpu.memory_space<hbm>>, %arg3: memref<2560x128xi32, #tpu.memory_space<hbm>>, %arg4: memref<2560x128xi32, #tpu.memory_space<hbm>>, %arg5: memref<10240x64xbf16, #tpu.memory_space<hbm>>, %arg6: memref<2x10240x64xbf16, #tpu.memory_space<hbm>>, %arg7: memref<10240x64xbf16, #tpu.memory_space<vmem_shared>>, %arg8: memref<80x128xi32, #tpu.memory_space<vmem>>, %arg9: memref<80x128xi32, #tpu.memory_space<vmem>>, %arg10: memref<12x128x64xbf16, #tpu.memory_space<vmem>>, %arg11: memref<!tpu.dma_semaphore, #tpu.memory_space<semaphore_mem>>, %arg12: memref<!tpu.dma_semaphore, #tpu.memory_space<semaphore_mem>>) attributes {dimension_semantics = [#tpu.dimension_semantics<core_parallel>, #tpu.dimension_semantics<subcore_parallel>], iteration_bounds = array<i64: 2, 16>, scalar_prefetch = 0 : i64, scratch_operands = 6 : i64, tpu.core_type = #tpu.core_type<sc_vector_subcore>, window_params = [{transform_indices = #map}, {transform_indices = #map}, {transform_indices = #map}, {transform_indices = #map}, {transform_indices = #map1}]} {
    %mul3A = arith.constant 16 : i32
    %mul3A_0 = arith.muli %arg0, %mul3A : i32
    %add3A = arith.addi %mul3A_0, %arg1 : i32
    %mul3A_1 = arith.constant 80 : i32
    %mul3A_2 = arith.muli %add3A, %mul3A_1 : i32
    "tpu.region"() ({
      %run_scoped3A = tpu.sem_alloc : memref<!tpu.dma_semaphore, #tpu.memory_space<semaphore_mem>>
      %dma_start3A_593 = arith.constant 0 : i32
      %dma_start3A_594 = tpu.memref_slice %arg3[%mul3A_2, %dma_start3A_593] : memref<2560x128xi32, #tpu.memory_space<hbm>> -> memref<80x128xi32, #tpu.memory_space<hbm>>
      %dma_start3A_595 = arith.constant 0 : i32
      %dma_start3A_596 = tpu.memref_slice %arg3[%mul3A_2, %dma_start3A_595] : memref<2560x128xi32, #tpu.memory_space<hbm>> -> memref<80x128xi32, #tpu.memory_space<hbm>>
      tpu.enqueue_dma source(%dma_start3A_596 : memref<80x128xi32, #tpu.memory_space<hbm>>) target(%arg8 : memref<80x128xi32, #tpu.memory_space<vmem>>) target_semaphore(%run_scoped3A : memref<!tpu.dma_semaphore, #tpu.memory_space<semaphore_mem>>)
      %dma_wait3A_597 = arith.constant 0 : i32
      %dma_wait3A_598 = tpu.memref_slice %arg3[%mul3A_2, %dma_wait3A_597] : memref<2560x128xi32, #tpu.memory_space<hbm>> -> memref<80x128xi32, #tpu.memory_space<hbm>>
      %dma_wait3A_599 = arith.constant 0 : i32
      %dma_wait3A_600 = tpu.memref_slice %arg3[%mul3A_2, %dma_wait3A_599] : memref<2560x128xi32, #tpu.memory_space<hbm>> -> memref<80x128xi32, #tpu.memory_space<hbm>>
      tpu.wait_dma2 semaphore(%run_scoped3A : memref<!tpu.dma_semaphore, #tpu.memory_space<semaphore_mem>>) src(%dma_wait3A_600 : memref<80x128xi32, #tpu.memory_space<hbm>>) dst(%arg8 : memref<80x128xi32, #tpu.memory_space<vmem>>)
      tpu.yield
    }) : () -> ()
    %mul3A_3 = arith.constant 80 : i32
    %mul3A_4 = arith.muli %add3A, %mul3A_3 : i32
    "tpu.region"() ({
      %run_scoped3A = tpu.sem_alloc : memref<!tpu.dma_semaphore, #tpu.memory_space<semaphore_mem>>
      %dma_start3A_593 = arith.constant 0 : i32
      %dma_start3A_594 = tpu.memref_slice %arg4[%mul3A_4, %dma_start3A_593] : memref<2560x128xi32, #tpu.memory_space<hbm>> -> memref<80x128xi32, #tpu.memory_space<hbm>>
      %dma_start3A_595 = arith.constant 0 : i32
      %dma_start3A_596 = tpu.memref_slice %arg4[%mul3A_4, %dma_start3A_595] : memref<2560x128xi32, #tpu.memory_space<hbm>> -> memref<80x128xi32, #tpu.memory_space<hbm>>
      tpu.enqueue_dma source(%dma_start3A_596 : memref<80x128xi32, #tpu.memory_space<hbm>>) target(%arg9 : memref<80x128xi32, #tpu.memory_space<vmem>>) target_semaphore(%run_scoped3A : memref<!tpu.dma_semaphore, #tpu.memory_space<semaphore_mem>>)
      %dma_wait3A_597 = arith.constant 0 : i32
      %dma_wait3A_598 = tpu.memref_slice %arg4[%mul3A_4, %dma_wait3A_597] : memref<2560x128xi32, #tpu.memory_space<hbm>> -> memref<80x128xi32, #tpu.memory_space<hbm>>
      %dma_wait3A_599 = arith.constant 0 : i32
      %dma_wait3A_600 = tpu.memref_slice %arg4[%mul3A_4, %dma_wait3A_599] : memref<2560x128xi32, #tpu.memory_space<hbm>> -> memref<80x128xi32, #tpu.memory_space<hbm>>
      tpu.wait_dma2 semaphore(%run_scoped3A : memref<!tpu.dma_semaphore, #tpu.memory_space<semaphore_mem>>) src(%dma_wait3A_600 : memref<80x128xi32, #tpu.memory_space<hbm>>) dst(%arg9 : memref<80x128xi32, #tpu.memory_space<vmem>>)
      tpu.yield
    }) : () -> ()
    %mul3A_5 = arith.constant 640 : i32
    %mul3A_6 = arith.muli %arg1, %mul3A_5 : i32
    %mul3A_7 = arith.constant 640 : i32
    %mul3A_8 = arith.muli %arg1, %mul3A_7 : i32
    "tpu.region"() ({
      %run_scoped3A = tpu.sem_alloc : memref<!tpu.dma_semaphore, #tpu.memory_space<semaphore_mem>>
      %dma_start3A_593 = arith.constant 0 : i32
      %dma_start3A_594 = tpu.memref_slice %arg7[%mul3A_8, %dma_start3A_593] : memref<10240x64xbf16, #tpu.memory_space<vmem_shared>> -> memref<640x64xbf16, #tpu.memory_space<vmem_shared>>
      %dma_start3A_595 = arith.constant 0 : i32
      %dma_start3A_596 = tpu.memref_slice %arg5[%mul3A_6, %dma_start3A_595] : memref<10240x64xbf16, #tpu.memory_space<hbm>> -> memref<640x64xbf16, #tpu.memory_space<hbm>>
      tpu.enqueue_dma source(%dma_start3A_596 : memref<640x64xbf16, #tpu.memory_space<hbm>>) target(%dma_start3A_594 : memref<640x64xbf16, #tpu.memory_space<vmem_shared>>) target_semaphore(%run_scoped3A : memref<!tpu.dma_semaphore, #tpu.memory_space<semaphore_mem>>)
      %dma_wait3A_597 = arith.constant 0 : i32
      %dma_wait3A_598 = tpu.memref_slice %arg7[%mul3A_8, %dma_wait3A_597] : memref<10240x64xbf16, #tpu.memory_space<vmem_shared>> -> memref<640x64xbf16, #tpu.memory_space<vmem_shared>>
      %dma_wait3A_599 = arith.constant 0 : i32
      %dma_wait3A_600 = tpu.memref_slice %arg5[%mul3A_6, %dma_wait3A_599] : memref<10240x64xbf16, #tpu.memory_space<hbm>> -> memref<640x64xbf16, #tpu.memory_space<hbm>>
      tpu.wait_dma2 semaphore(%run_scoped3A : memref<!tpu.dma_semaphore, #tpu.memory_space<semaphore_mem>>) src(%dma_wait3A_600 : memref<640x64xbf16, #tpu.memory_space<hbm>>) dst(%dma_wait3A_598 : memref<640x64xbf16, #tpu.memory_space<vmem_shared>>)
      tpu.yield
    }) : () -> ()
    %barrier3A = arith.constant 0 : index
    tpu.barrier barrier_id(%barrier3A)
    %dma_start3A = arith.constant 0 : i32
    %dma_start3A_9 = arith.constant 0 : i32
    %dma_start3A_10 = arith.constant 0 : i32
    %dma_start3A_11 = arith.constant 0 : i32
    %dma_start3A_12 = tpu.memref_slice %arg10[%dma_start3A_9, %dma_start3A_10, %dma_start3A_11] : memref<12x128x64xbf16, #tpu.memory_space<vmem>> -> memref<1x128x64xbf16, #tpu.memory_space<vmem>>
    %dma_start3A_13 = tpu.memref_squeeze %dma_start3A_12 : memref<1x128x64xbf16, #tpu.memory_space<vmem>> -> memref<128x64xbf16, #tpu.memory_space<vmem>>
    %dma_start3A_14 = arith.constant 0 : i32
    %dma_start3A_15 = tpu.memref_slice %arg8[%dma_start3A, %dma_start3A_14] : memref<80x128xi32, #tpu.memory_space<vmem>> -> memref<1x128xi32, #tpu.memory_space<vmem>>
    %dma_start3A_16 = tpu.memref_squeeze %dma_start3A_15 : memref<1x128xi32, #tpu.memory_space<vmem>> -> memref<128xi32, #tpu.memory_space<vmem>>
    %dma_start3A_17 = arith.constant 0 : i32
    %dma_start3A_18 = arith.constant 0 : i32
    %dma_start3A_19 = tpu.memref_slice %arg2[%dma_start3A_17, %dma_start3A_18] : memref<10240x64xbf16, #tpu.memory_space<hbm>> -> memref<10240x64xbf16, #tpu.memory_space<hbm>>
    tpu.enqueue_indirect_dma source(%dma_start3A_19 : memref<10240x64xbf16, #tpu.memory_space<hbm>>) target(%dma_start3A_13 : memref<128x64xbf16, #tpu.memory_space<vmem>>) offsets(%dma_start3A_16 : memref<128xi32, #tpu.memory_space<vmem>>) semaphore(%arg11 : memref<!tpu.dma_semaphore, #tpu.memory_space<semaphore_mem>>)
    %dma_start3A_20 = arith.constant 1 : i32
    %dma_start3A_21 = arith.constant 1 : i32
    %dma_start3A_22 = arith.constant 0 : i32
    %dma_start3A_23 = arith.constant 0 : i32
    %dma_start3A_24 = tpu.memref_slice %arg10[%dma_start3A_21, %dma_start3A_22, %dma_start3A_23] : memref<12x128x64xbf16, #tpu.memory_space<vmem>> -> memref<1x128x64xbf16, #tpu.memory_space<vmem>>
    %dma_start3A_25 = tpu.memref_squeeze %dma_start3A_24 : memref<1x128x64xbf16, #tpu.memory_space<vmem>> -> memref<128x64xbf16, #tpu.memory_space<vmem>>
    %dma_start3A_26 = arith.constant 0 : i32
    %dma_start3A_27 = tpu.memref_slice %arg8[%dma_start3A_20, %dma_start3A_26] : memref<80x128xi32, #tpu.memory_space<vmem>> -> memref<1x128xi32, #tpu.memory_space<vmem>>
    %dma_start3A_28 = tpu.memref_squeeze %dma_start3A_27 : memref<1x128xi32, #tpu.memory_space<vmem>> -> memref<128xi32, #tpu.memory_space<vmem>>
    %dma_start3A_29 = arith.constant 0 : i32
    %dma_start3A_30 = arith.constant 0 : i32
    %dma_start3A_31 = tpu.memref_slice %arg2[%dma_start3A_29, %dma_start3A_30] : memref<10240x64xbf16, #tpu.memory_space<hbm>> -> memref<10240x64xbf16, #tpu.memory_space<hbm>>
    tpu.enqueue_indirect_dma source(%dma_start3A_31 : memref<10240x64xbf16, #tpu.memory_space<hbm>>) target(%dma_start3A_25 : memref<128x64xbf16, #tpu.memory_space<vmem>>) offsets(%dma_start3A_28 : memref<128xi32, #tpu.memory_space<vmem>>) semaphore(%arg11 : memref<!tpu.dma_semaphore, #tpu.memory_space<semaphore_mem>>)
    %dma_start3A_32 = arith.constant 2 : i32
    %dma_start3A_33 = arith.constant 2 : i32
    %dma_start3A_34 = arith.constant 0 : i32
    %dma_start3A_35 = arith.constant 0 : i32
    %dma_start3A_36 = tpu.memref_slice %arg10[%dma_start3A_33, %dma_start3A_34, %dma_start3A_35] : memref<12x128x64xbf16, #tpu.memory_space<vmem>> -> memref<1x128x64xbf16, #tpu.memory_space<vmem>>
    %dma_start3A_37 = tpu.memref_squeeze %dma_start3A_36 : memref<1x128x64xbf16, #tpu.memory_space<vmem>> -> memref<128x64xbf16, #tpu.memory_space<vmem>>
    %dma_start3A_38 = arith.constant 0 : i32
    %dma_start3A_39 = tpu.memref_slice %arg8[%dma_start3A_32, %dma_start3A_38] : memref<80x128xi32, #tpu.memory_space<vmem>> -> memref<1x128xi32, #tpu.memory_space<vmem>>
    %dma_start3A_40 = tpu.memref_squeeze %dma_start3A_39 : memref<1x128xi32, #tpu.memory_space<vmem>> -> memref<128xi32, #tpu.memory_space<vmem>>
    %dma_start3A_41 = arith.constant 0 : i32
    %dma_start3A_42 = arith.constant 0 : i32
    %dma_start3A_43 = tpu.memref_slice %arg2[%dma_start3A_41, %dma_start3A_42] : memref<10240x64xbf16, #tpu.memory_space<hbm>> -> memref<10240x64xbf16, #tpu.memory_space<hbm>>
    tpu.enqueue_indirect_dma source(%dma_start3A_43 : memref<10240x64xbf16, #tpu.memory_space<hbm>>) target(%dma_start3A_37 : memref<128x64xbf16, #tpu.memory_space<vmem>>) offsets(%dma_start3A_40 : memref<128xi32, #tpu.memory_space<vmem>>) semaphore(%arg11 : memref<!tpu.dma_semaphore, #tpu.memory_space<semaphore_mem>>)
    %dma_start3A_44 = arith.constant 3 : i32
    %dma_start3A_45 = arith.constant 3 : i32
    %dma_start3A_46 = arith.constant 0 : i32
    %dma_start3A_47 = arith.constant 0 : i32
    %dma_start3A_48 = tpu.memref_slice %arg10[%dma_start3A_45, %dma_start3A_46, %dma_start3A_47] : memref<12x128x64xbf16, #tpu.memory_space<vmem>> -> memref<1x128x64xbf16, #tpu.memory_space<vmem>>
    %dma_start3A_49 = tpu.memref_squeeze %dma_start3A_48 : memref<1x128x64xbf16, #tpu.memory_space<vmem>> -> memref<128x64xbf16, #tpu.memory_space<vmem>>
    %dma_start3A_50 = arith.constant 0 : i32
    %dma_start3A_51 = tpu.memref_slice %arg8[%dma_start3A_44, %dma_start3A_50] : memref<80x128xi32, #tpu.memory_space<vmem>> -> memref<1x128xi32, #tpu.memory_space<vmem>>
    %dma_start3A_52 = tpu.memref_squeeze %dma_start3A_51 : memref<1x128xi32, #tpu.memory_space<vmem>> -> memref<128xi32, #tpu.memory_space<vmem>>
    %dma_start3A_53 = arith.constant 0 : i32
    %dma_start3A_54 = arith.constant 0 : i32
    %dma_start3A_55 = tpu.memref_slice %arg2[%dma_start3A_53, %dma_start3A_54] : memref<10240x64xbf16, #tpu.memory_space<hbm>> -> memref<10240x64xbf16, #tpu.memory_space<hbm>>
    tpu.enqueue_indirect_dma source(%dma_start3A_55 : memref<10240x64xbf16, #tpu.memory_space<hbm>>) target(%dma_start3A_49 : memref<128x64xbf16, #tpu.memory_space<vmem>>) offsets(%dma_start3A_52 : memref<128xi32, #tpu.memory_space<vmem>>) semaphore(%arg11 : memref<!tpu.dma_semaphore, #tpu.memory_space<semaphore_mem>>)
    %dma_start3A_56 = arith.constant 4 : i32
    %dma_start3A_57 = arith.constant 4 : i32
    %dma_start3A_58 = arith.constant 0 : i32
    %dma_start3A_59 = arith.constant 0 : i32
    %dma_start3A_60 = tpu.memref_slice %arg10[%dma_start3A_57, %dma_start3A_58, %dma_start3A_59] : memref<12x128x64xbf16, #tpu.memory_space<vmem>> -> memref<1x128x64xbf16, #tpu.memory_space<vmem>>
    %dma_start3A_61 = tpu.memref_squeeze %dma_start3A_60 : memref<1x128x64xbf16, #tpu.memory_space<vmem>> -> memref<128x64xbf16, #tpu.memory_space<vmem>>
    %dma_start3A_62 = arith.constant 0 : i32
    %dma_start3A_63 = tpu.memref_slice %arg8[%dma_start3A_56, %dma_start3A_62] : memref<80x128xi32, #tpu.memory_space<vmem>> -> memref<1x128xi32, #tpu.memory_space<vmem>>
    %dma_start3A_64 = tpu.memref_squeeze %dma_start3A_63 : memref<1x128xi32, #tpu.memory_space<vmem>> -> memref<128xi32, #tpu.memory_space<vmem>>
    %dma_start3A_65 = arith.constant 0 : i32
    %dma_start3A_66 = arith.constant 0 : i32
    %dma_start3A_67 = tpu.memref_slice %arg2[%dma_start3A_65, %dma_start3A_66] : memref<10240x64xbf16, #tpu.memory_space<hbm>> -> memref<10240x64xbf16, #tpu.memory_space<hbm>>
    tpu.enqueue_indirect_dma source(%dma_start3A_67 : memref<10240x64xbf16, #tpu.memory_space<hbm>>) target(%dma_start3A_61 : memref<128x64xbf16, #tpu.memory_space<vmem>>) offsets(%dma_start3A_64 : memref<128xi32, #tpu.memory_space<vmem>>) semaphore(%arg11 : memref<!tpu.dma_semaphore, #tpu.memory_space<semaphore_mem>>)
    %dma_start3A_68 = arith.constant 5 : i32
    %dma_start3A_69 = arith.constant 5 : i32
    %dma_start3A_70 = arith.constant 0 : i32
    %dma_start3A_71 = arith.constant 0 : i32
    %dma_start3A_72 = tpu.memref_slice %arg10[%dma_start3A_69, %dma_start3A_70, %dma_start3A_71] : memref<12x128x64xbf16, #tpu.memory_space<vmem>> -> memref<1x128x64xbf16, #tpu.memory_space<vmem>>
    %dma_start3A_73 = tpu.memref_squeeze %dma_start3A_72 : memref<1x128x64xbf16, #tpu.memory_space<vmem>> -> memref<128x64xbf16, #tpu.memory_space<vmem>>
    %dma_start3A_74 = arith.constant 0 : i32
    %dma_start3A_75 = tpu.memref_slice %arg8[%dma_start3A_68, %dma_start3A_74] : memref<80x128xi32, #tpu.memory_space<vmem>> -> memref<1x128xi32, #tpu.memory_space<vmem>>
    %dma_start3A_76 = tpu.memref_squeeze %dma_start3A_75 : memref<1x128xi32, #tpu.memory_space<vmem>> -> memref<128xi32, #tpu.memory_space<vmem>>
    %dma_start3A_77 = arith.constant 0 : i32
    %dma_start3A_78 = arith.constant 0 : i32
    %dma_start3A_79 = tpu.memref_slice %arg2[%dma_start3A_77, %dma_start3A_78] : memref<10240x64xbf16, #tpu.memory_space<hbm>> -> memref<10240x64xbf16, #tpu.memory_space<hbm>>
    tpu.enqueue_indirect_dma source(%dma_start3A_79 : memref<10240x64xbf16, #tpu.memory_space<hbm>>) target(%dma_start3A_73 : memref<128x64xbf16, #tpu.memory_space<vmem>>) offsets(%dma_start3A_76 : memref<128xi32, #tpu.memory_space<vmem>>) semaphore(%arg11 : memref<!tpu.dma_semaphore, #tpu.memory_space<semaphore_mem>>)
    %dma_wait3A = arith.constant 0 : i32
    %dma_wait3A_80 = arith.constant 0 : i32
    %dma_wait3A_81 = arith.constant 0 : i32
    %dma_wait3A_82 = arith.constant 0 : i32
    %dma_wait3A_83 = tpu.memref_slice %arg10[%dma_wait3A_80, %dma_wait3A_81, %dma_wait3A_82] : memref<12x128x64xbf16, #tpu.memory_space<vmem>> -> memref<1x128x64xbf16, #tpu.memory_space<vmem>>
    %dma_wait3A_84 = tpu.memref_squeeze %dma_wait3A_83 : memref<1x128x64xbf16, #tpu.memory_space<vmem>> -> memref<128x64xbf16, #tpu.memory_space<vmem>>
    %dma_wait3A_85 = arith.constant 0 : i32
    %dma_wait3A_86 = tpu.memref_slice %arg8[%dma_wait3A, %dma_wait3A_85] : memref<80x128xi32, #tpu.memory_space<vmem>> -> memref<1x128xi32, #tpu.memory_space<vmem>>
    %dma_wait3A_87 = tpu.memref_squeeze %dma_wait3A_86 : memref<1x128xi32, #tpu.memory_space<vmem>> -> memref<128xi32, #tpu.memory_space<vmem>>
    %dma_wait3A_88 = arith.constant 0 : i32
    %dma_wait3A_89 = arith.constant 0 : i32
    %dma_wait3A_90 = tpu.memref_slice %arg2[%dma_wait3A_88, %dma_wait3A_89] : memref<10240x64xbf16, #tpu.memory_space<hbm>> -> memref<10240x64xbf16, #tpu.memory_space<hbm>>
    tpu.wait_indirect_dma semaphore(%arg11 : memref<!tpu.dma_semaphore, #tpu.memory_space<semaphore_mem>>) src(%dma_wait3A_90 : memref<10240x64xbf16, #tpu.memory_space<hbm>>) dst(%dma_wait3A_84 : memref<128x64xbf16, #tpu.memory_space<vmem>>)
    %dma_start3A_91 = arith.constant 0 : i32
    %dma_start3A_92 = arith.constant 0 : i32
    %dma_start3A_93 = arith.constant 0 : i32
    %dma_start3A_94 = arith.constant 0 : i32
    %dma_start3A_95 = tpu.memref_slice %arg10[%dma_start3A_91, %dma_start3A_93, %dma_start3A_94] : memref<12x128x64xbf16, #tpu.memory_space<vmem>> -> memref<1x128x64xbf16, #tpu.memory_space<vmem>>
    %dma_start3A_96 = tpu.memref_squeeze %dma_start3A_95 : memref<1x128x64xbf16, #tpu.memory_space<vmem>> -> memref<128x64xbf16, #tpu.memory_space<vmem>>
    %dma_start3A_97 = arith.constant 0 : i32
    %dma_start3A_98 = tpu.memref_slice %arg9[%dma_start3A_92, %dma_start3A_97] : memref<80x128xi32, #tpu.memory_space<vmem>> -> memref<1x128xi32, #tpu.memory_space<vmem>>
    %dma_start3A_99 = tpu.memref_squeeze %dma_start3A_98 : memref<1x128xi32, #tpu.memory_space<vmem>> -> memref<128xi32, #tpu.memory_space<vmem>>
    %dma_start3A_100 = arith.constant 0 : i32
    %dma_start3A_101 = arith.constant 0 : i32
    %dma_start3A_102 = tpu.memref_slice %arg7[%dma_start3A_100, %dma_start3A_101] : memref<10240x64xbf16, #tpu.memory_space<vmem_shared>> -> memref<10240x64xbf16, #tpu.memory_space<vmem_shared>>
    tpu.enqueue_indirect_dma source(%dma_start3A_96 : memref<128x64xbf16, #tpu.memory_space<vmem>>) target(%dma_start3A_102 : memref<10240x64xbf16, #tpu.memory_space<vmem_shared>>) offsets(%dma_start3A_99 : memref<128xi32, #tpu.memory_space<vmem>>) semaphore(%arg12 : memref<!tpu.dma_semaphore, #tpu.memory_space<semaphore_mem>>) {add = true}
    %dma_start3A_103 = arith.constant 6 : i32
    %dma_start3A_104 = arith.constant 6 : i32
    %dma_start3A_105 = arith.constant 0 : i32
    %dma_start3A_106 = arith.constant 0 : i32
    %dma_start3A_107 = tpu.memref_slice %arg10[%dma_start3A_104, %dma_start3A_105, %dma_start3A_106] : memref<12x128x64xbf16, #tpu.memory_space<vmem>> -> memref<1x128x64xbf16, #tpu.memory_space<vmem>>
    %dma_start3A_108 = tpu.memref_squeeze %dma_start3A_107 : memref<1x128x64xbf16, #tpu.memory_space<vmem>> -> memref<128x64xbf16, #tpu.memory_space<vmem>>
    %dma_start3A_109 = arith.constant 0 : i32
    %dma_start3A_110 = tpu.memref_slice %arg8[%dma_start3A_103, %dma_start3A_109] : memref<80x128xi32, #tpu.memory_space<vmem>> -> memref<1x128xi32, #tpu.memory_space<vmem>>
    %dma_start3A_111 = tpu.memref_squeeze %dma_start3A_110 : memref<1x128xi32, #tpu.memory_space<vmem>> -> memref<128xi32, #tpu.memory_space<vmem>>
    %dma_start3A_112 = arith.constant 0 : i32
    %dma_start3A_113 = arith.constant 0 : i32
    %dma_start3A_114 = tpu.memref_slice %arg2[%dma_start3A_112, %dma_start3A_113] : memref<10240x64xbf16, #tpu.memory_space<hbm>> -> memref<10240x64xbf16, #tpu.memory_space<hbm>>
    tpu.enqueue_indirect_dma source(%dma_start3A_114 : memref<10240x64xbf16, #tpu.memory_space<hbm>>) target(%dma_start3A_108 : memref<128x64xbf16, #tpu.memory_space<vmem>>) offsets(%dma_start3A_111 : memref<128xi32, #tpu.memory_space<vmem>>) semaphore(%arg11 : memref<!tpu.dma_semaphore, #tpu.memory_space<semaphore_mem>>)
    %dma_wait3A_115 = arith.constant 0 : i32
    %dma_wait3A_116 = arith.constant 1 : i32
    %dma_wait3A_117 = arith.constant 0 : i32
    %dma_wait3A_118 = arith.constant 0 : i32
    %dma_wait3A_119 = tpu.memref_slice %arg10[%dma_wait3A_116, %dma_wait3A_117, %dma_wait3A_118] : memref<12x128x64xbf16, #tpu.memory_space<vmem>> -> memref<1x128x64xbf16, #tpu.memory_space<vmem>>
    %dma_wait3A_120 = tpu.memref_squeeze %dma_wait3A_119 : memref<1x128x64xbf16, #tpu.memory_space<vmem>> -> memref<128x64xbf16, #tpu.memory_space<vmem>>
    %dma_wait3A_121 = arith.constant 0 : i32
    %dma_wait3A_122 = tpu.memref_slice %arg8[%dma_wait3A_115, %dma_wait3A_121] : memref<80x128xi32, #tpu.memory_space<vmem>> -> memref<1x128xi32, #tpu.memory_space<vmem>>
    %dma_wait3A_123 = tpu.memref_squeeze %dma_wait3A_122 : memref<1x128xi32, #tpu.memory_space<vmem>> -> memref<128xi32, #tpu.memory_space<vmem>>
    %dma_wait3A_124 = arith.constant 0 : i32
    %dma_wait3A_125 = arith.constant 0 : i32
    %dma_wait3A_126 = tpu.memref_slice %arg2[%dma_wait3A_124, %dma_wait3A_125] : memref<10240x64xbf16, #tpu.memory_space<hbm>> -> memref<10240x64xbf16, #tpu.memory_space<hbm>>
    tpu.wait_indirect_dma semaphore(%arg11 : memref<!tpu.dma_semaphore, #tpu.memory_space<semaphore_mem>>) src(%dma_wait3A_126 : memref<10240x64xbf16, #tpu.memory_space<hbm>>) dst(%dma_wait3A_120 : memref<128x64xbf16, #tpu.memory_space<vmem>>)
    %dma_start3A_127 = arith.constant 1 : i32
    %dma_start3A_128 = arith.constant 1 : i32
    %dma_start3A_129 = arith.constant 0 : i32
    %dma_start3A_130 = arith.constant 0 : i32
    %dma_start3A_131 = tpu.memref_slice %arg10[%dma_start3A_127, %dma_start3A_129, %dma_start3A_130] : memref<12x128x64xbf16, #tpu.memory_space<vmem>> -> memref<1x128x64xbf16, #tpu.memory_space<vmem>>
    %dma_start3A_132 = tpu.memref_squeeze %dma_start3A_131 : memref<1x128x64xbf16, #tpu.memory_space<vmem>> -> memref<128x64xbf16, #tpu.memory_space<vmem>>
    %dma_start3A_133 = arith.constant 0 : i32
    %dma_start3A_134 = tpu.memref_slice %arg9[%dma_start3A_128, %dma_start3A_133] : memref<80x128xi32, #tpu.memory_space<vmem>> -> memref<1x128xi32, #tpu.memory_space<vmem>>
    %dma_start3A_135 = tpu.memref_squeeze %dma_start3A_134 : memref<1x128xi32, #tpu.memory_space<vmem>> -> memref<128xi32, #tpu.memory_space<vmem>>
    %dma_start3A_136 = arith.constant 0 : i32
    %dma_start3A_137 = arith.constant 0 : i32
    %dma_start3A_138 = tpu.memref_slice %arg7[%dma_start3A_136, %dma_start3A_137] : memref<10240x64xbf16, #tpu.memory_space<vmem_shared>> -> memref<10240x64xbf16, #tpu.memory_space<vmem_shared>>
    tpu.enqueue_indirect_dma source(%dma_start3A_132 : memref<128x64xbf16, #tpu.memory_space<vmem>>) target(%dma_start3A_138 : memref<10240x64xbf16, #tpu.memory_space<vmem_shared>>) offsets(%dma_start3A_135 : memref<128xi32, #tpu.memory_space<vmem>>) semaphore(%arg12 : memref<!tpu.dma_semaphore, #tpu.memory_space<semaphore_mem>>) {add = true}
    %dma_start3A_139 = arith.constant 7 : i32
    %dma_start3A_140 = arith.constant 7 : i32
    %dma_start3A_141 = arith.constant 0 : i32
    %dma_start3A_142 = arith.constant 0 : i32
    %dma_start3A_143 = tpu.memref_slice %arg10[%dma_start3A_140, %dma_start3A_141, %dma_start3A_142] : memref<12x128x64xbf16, #tpu.memory_space<vmem>> -> memref<1x128x64xbf16, #tpu.memory_space<vmem>>
    %dma_start3A_144 = tpu.memref_squeeze %dma_start3A_143 : memref<1x128x64xbf16, #tpu.memory_space<vmem>> -> memref<128x64xbf16, #tpu.memory_space<vmem>>
    %dma_start3A_145 = arith.constant 0 : i32
    %dma_start3A_146 = tpu.memref_slice %arg8[%dma_start3A_139, %dma_start3A_145] : memref<80x128xi32, #tpu.memory_space<vmem>> -> memref<1x128xi32, #tpu.memory_space<vmem>>
    %dma_start3A_147 = tpu.memref_squeeze %dma_start3A_146 : memref<1x128xi32, #tpu.memory_space<vmem>> -> memref<128xi32, #tpu.memory_space<vmem>>
    %dma_start3A_148 = arith.constant 0 : i32
    %dma_start3A_149 = arith.constant 0 : i32
    %dma_start3A_150 = tpu.memref_slice %arg2[%dma_start3A_148, %dma_start3A_149] : memref<10240x64xbf16, #tpu.memory_space<hbm>> -> memref<10240x64xbf16, #tpu.memory_space<hbm>>
    tpu.enqueue_indirect_dma source(%dma_start3A_150 : memref<10240x64xbf16, #tpu.memory_space<hbm>>) target(%dma_start3A_144 : memref<128x64xbf16, #tpu.memory_space<vmem>>) offsets(%dma_start3A_147 : memref<128xi32, #tpu.memory_space<vmem>>) semaphore(%arg11 : memref<!tpu.dma_semaphore, #tpu.memory_space<semaphore_mem>>)
    %dma_wait3A_151 = arith.constant 0 : i32
    %dma_wait3A_152 = arith.constant 2 : i32
    %dma_wait3A_153 = arith.constant 0 : i32
    %dma_wait3A_154 = arith.constant 0 : i32
    %dma_wait3A_155 = tpu.memref_slice %arg10[%dma_wait3A_152, %dma_wait3A_153, %dma_wait3A_154] : memref<12x128x64xbf16, #tpu.memory_space<vmem>> -> memref<1x128x64xbf16, #tpu.memory_space<vmem>>
    %dma_wait3A_156 = tpu.memref_squeeze %dma_wait3A_155 : memref<1x128x64xbf16, #tpu.memory_space<vmem>> -> memref<128x64xbf16, #tpu.memory_space<vmem>>
    %dma_wait3A_157 = arith.constant 0 : i32
    %dma_wait3A_158 = tpu.memref_slice %arg8[%dma_wait3A_151, %dma_wait3A_157] : memref<80x128xi32, #tpu.memory_space<vmem>> -> memref<1x128xi32, #tpu.memory_space<vmem>>
    %dma_wait3A_159 = tpu.memref_squeeze %dma_wait3A_158 : memref<1x128xi32, #tpu.memory_space<vmem>> -> memref<128xi32, #tpu.memory_space<vmem>>
    %dma_wait3A_160 = arith.constant 0 : i32
    %dma_wait3A_161 = arith.constant 0 : i32
    %dma_wait3A_162 = tpu.memref_slice %arg2[%dma_wait3A_160, %dma_wait3A_161] : memref<10240x64xbf16, #tpu.memory_space<hbm>> -> memref<10240x64xbf16, #tpu.memory_space<hbm>>
    tpu.wait_indirect_dma semaphore(%arg11 : memref<!tpu.dma_semaphore, #tpu.memory_space<semaphore_mem>>) src(%dma_wait3A_162 : memref<10240x64xbf16, #tpu.memory_space<hbm>>) dst(%dma_wait3A_156 : memref<128x64xbf16, #tpu.memory_space<vmem>>)
    %dma_start3A_163 = arith.constant 2 : i32
    %dma_start3A_164 = arith.constant 2 : i32
    %dma_start3A_165 = arith.constant 0 : i32
    %dma_start3A_166 = arith.constant 0 : i32
    %dma_start3A_167 = tpu.memref_slice %arg10[%dma_start3A_163, %dma_start3A_165, %dma_start3A_166] : memref<12x128x64xbf16, #tpu.memory_space<vmem>> -> memref<1x128x64xbf16, #tpu.memory_space<vmem>>
    %dma_start3A_168 = tpu.memref_squeeze %dma_start3A_167 : memref<1x128x64xbf16, #tpu.memory_space<vmem>> -> memref<128x64xbf16, #tpu.memory_space<vmem>>
    %dma_start3A_169 = arith.constant 0 : i32
    %dma_start3A_170 = tpu.memref_slice %arg9[%dma_start3A_164, %dma_start3A_169] : memref<80x128xi32, #tpu.memory_space<vmem>> -> memref<1x128xi32, #tpu.memory_space<vmem>>
    %dma_start3A_171 = tpu.memref_squeeze %dma_start3A_170 : memref<1x128xi32, #tpu.memory_space<vmem>> -> memref<128xi32, #tpu.memory_space<vmem>>
    %dma_start3A_172 = arith.constant 0 : i32
    %dma_start3A_173 = arith.constant 0 : i32
    %dma_start3A_174 = tpu.memref_slice %arg7[%dma_start3A_172, %dma_start3A_173] : memref<10240x64xbf16, #tpu.memory_space<vmem_shared>> -> memref<10240x64xbf16, #tpu.memory_space<vmem_shared>>
    tpu.enqueue_indirect_dma source(%dma_start3A_168 : memref<128x64xbf16, #tpu.memory_space<vmem>>) target(%dma_start3A_174 : memref<10240x64xbf16, #tpu.memory_space<vmem_shared>>) offsets(%dma_start3A_171 : memref<128xi32, #tpu.memory_space<vmem>>) semaphore(%arg12 : memref<!tpu.dma_semaphore, #tpu.memory_space<semaphore_mem>>) {add = true}
    %dma_start3A_175 = arith.constant 8 : i32
    %dma_start3A_176 = arith.constant 8 : i32
    %dma_start3A_177 = arith.constant 0 : i32
    %dma_start3A_178 = arith.constant 0 : i32
    %dma_start3A_179 = tpu.memref_slice %arg10[%dma_start3A_176, %dma_start3A_177, %dma_start3A_178] : memref<12x128x64xbf16, #tpu.memory_space<vmem>> -> memref<1x128x64xbf16, #tpu.memory_space<vmem>>
    %dma_start3A_180 = tpu.memref_squeeze %dma_start3A_179 : memref<1x128x64xbf16, #tpu.memory_space<vmem>> -> memref<128x64xbf16, #tpu.memory_space<vmem>>
    %dma_start3A_181 = arith.constant 0 : i32
    %dma_start3A_182 = tpu.memref_slice %arg8[%dma_start3A_175, %dma_start3A_181] : memref<80x128xi32, #tpu.memory_space<vmem>> -> memref<1x128xi32, #tpu.memory_space<vmem>>
    %dma_start3A_183 = tpu.memref_squeeze %dma_start3A_182 : memref<1x128xi32, #tpu.memory_space<vmem>> -> memref<128xi32, #tpu.memory_space<vmem>>
    %dma_start3A_184 = arith.constant 0 : i32
    %dma_start3A_185 = arith.constant 0 : i32
    %dma_start3A_186 = tpu.memref_slice %arg2[%dma_start3A_184, %dma_start3A_185] : memref<10240x64xbf16, #tpu.memory_space<hbm>> -> memref<10240x64xbf16, #tpu.memory_space<hbm>>
    tpu.enqueue_indirect_dma source(%dma_start3A_186 : memref<10240x64xbf16, #tpu.memory_space<hbm>>) target(%dma_start3A_180 : memref<128x64xbf16, #tpu.memory_space<vmem>>) offsets(%dma_start3A_183 : memref<128xi32, #tpu.memory_space<vmem>>) semaphore(%arg11 : memref<!tpu.dma_semaphore, #tpu.memory_space<semaphore_mem>>)
    %dma_wait3A_187 = arith.constant 0 : i32
    %dma_wait3A_188 = arith.constant 3 : i32
    %dma_wait3A_189 = arith.constant 0 : i32
    %dma_wait3A_190 = arith.constant 0 : i32
    %dma_wait3A_191 = tpu.memref_slice %arg10[%dma_wait3A_188, %dma_wait3A_189, %dma_wait3A_190] : memref<12x128x64xbf16, #tpu.memory_space<vmem>> -> memref<1x128x64xbf16, #tpu.memory_space<vmem>>
    %dma_wait3A_192 = tpu.memref_squeeze %dma_wait3A_191 : memref<1x128x64xbf16, #tpu.memory_space<vmem>> -> memref<128x64xbf16, #tpu.memory_space<vmem>>
    %dma_wait3A_193 = arith.constant 0 : i32
    %dma_wait3A_194 = tpu.memref_slice %arg8[%dma_wait3A_187, %dma_wait3A_193] : memref<80x128xi32, #tpu.memory_space<vmem>> -> memref<1x128xi32, #tpu.memory_space<vmem>>
    %dma_wait3A_195 = tpu.memref_squeeze %dma_wait3A_194 : memref<1x128xi32, #tpu.memory_space<vmem>> -> memref<128xi32, #tpu.memory_space<vmem>>
    %dma_wait3A_196 = arith.constant 0 : i32
    %dma_wait3A_197 = arith.constant 0 : i32
    %dma_wait3A_198 = tpu.memref_slice %arg2[%dma_wait3A_196, %dma_wait3A_197] : memref<10240x64xbf16, #tpu.memory_space<hbm>> -> memref<10240x64xbf16, #tpu.memory_space<hbm>>
    tpu.wait_indirect_dma semaphore(%arg11 : memref<!tpu.dma_semaphore, #tpu.memory_space<semaphore_mem>>) src(%dma_wait3A_198 : memref<10240x64xbf16, #tpu.memory_space<hbm>>) dst(%dma_wait3A_192 : memref<128x64xbf16, #tpu.memory_space<vmem>>)
    %dma_start3A_199 = arith.constant 3 : i32
    %dma_start3A_200 = arith.constant 3 : i32
    %dma_start3A_201 = arith.constant 0 : i32
    %dma_start3A_202 = arith.constant 0 : i32
    %dma_start3A_203 = tpu.memref_slice %arg10[%dma_start3A_199, %dma_start3A_201, %dma_start3A_202] : memref<12x128x64xbf16, #tpu.memory_space<vmem>> -> memref<1x128x64xbf16, #tpu.memory_space<vmem>>
    %dma_start3A_204 = tpu.memref_squeeze %dma_start3A_203 : memref<1x128x64xbf16, #tpu.memory_space<vmem>> -> memref<128x64xbf16, #tpu.memory_space<vmem>>
    %dma_start3A_205 = arith.constant 0 : i32
    %dma_start3A_206 = tpu.memref_slice %arg9[%dma_start3A_200, %dma_start3A_205] : memref<80x128xi32, #tpu.memory_space<vmem>> -> memref<1x128xi32, #tpu.memory_space<vmem>>
    %dma_start3A_207 = tpu.memref_squeeze %dma_start3A_206 : memref<1x128xi32, #tpu.memory_space<vmem>> -> memref<128xi32, #tpu.memory_space<vmem>>
    %dma_start3A_208 = arith.constant 0 : i32
    %dma_start3A_209 = arith.constant 0 : i32
    %dma_start3A_210 = tpu.memref_slice %arg7[%dma_start3A_208, %dma_start3A_209] : memref<10240x64xbf16, #tpu.memory_space<vmem_shared>> -> memref<10240x64xbf16, #tpu.memory_space<vmem_shared>>
    tpu.enqueue_indirect_dma source(%dma_start3A_204 : memref<128x64xbf16, #tpu.memory_space<vmem>>) target(%dma_start3A_210 : memref<10240x64xbf16, #tpu.memory_space<vmem_shared>>) offsets(%dma_start3A_207 : memref<128xi32, #tpu.memory_space<vmem>>) semaphore(%arg12 : memref<!tpu.dma_semaphore, #tpu.memory_space<semaphore_mem>>) {add = true}
    %dma_start3A_211 = arith.constant 9 : i32
    %dma_start3A_212 = arith.constant 9 : i32
    %dma_start3A_213 = arith.constant 0 : i32
    %dma_start3A_214 = arith.constant 0 : i32
    %dma_start3A_215 = tpu.memref_slice %arg10[%dma_start3A_212, %dma_start3A_213, %dma_start3A_214] : memref<12x128x64xbf16, #tpu.memory_space<vmem>> -> memref<1x128x64xbf16, #tpu.memory_space<vmem>>
    %dma_start3A_216 = tpu.memref_squeeze %dma_start3A_215 : memref<1x128x64xbf16, #tpu.memory_space<vmem>> -> memref<128x64xbf16, #tpu.memory_space<vmem>>
    %dma_start3A_217 = arith.constant 0 : i32
    %dma_start3A_218 = tpu.memref_slice %arg8[%dma_start3A_211, %dma_start3A_217] : memref<80x128xi32, #tpu.memory_space<vmem>> -> memref<1x128xi32, #tpu.memory_space<vmem>>
    %dma_start3A_219 = tpu.memref_squeeze %dma_start3A_218 : memref<1x128xi32, #tpu.memory_space<vmem>> -> memref<128xi32, #tpu.memory_space<vmem>>
    %dma_start3A_220 = arith.constant 0 : i32
    %dma_start3A_221 = arith.constant 0 : i32
    %dma_start3A_222 = tpu.memref_slice %arg2[%dma_start3A_220, %dma_start3A_221] : memref<10240x64xbf16, #tpu.memory_space<hbm>> -> memref<10240x64xbf16, #tpu.memory_space<hbm>>
    tpu.enqueue_indirect_dma source(%dma_start3A_222 : memref<10240x64xbf16, #tpu.memory_space<hbm>>) target(%dma_start3A_216 : memref<128x64xbf16, #tpu.memory_space<vmem>>) offsets(%dma_start3A_219 : memref<128xi32, #tpu.memory_space<vmem>>) semaphore(%arg11 : memref<!tpu.dma_semaphore, #tpu.memory_space<semaphore_mem>>)
    %dma_wait3A_223 = arith.constant 0 : i32
    %dma_wait3A_224 = arith.constant 4 : i32
    %dma_wait3A_225 = arith.constant 0 : i32
    %dma_wait3A_226 = arith.constant 0 : i32
    %dma_wait3A_227 = tpu.memref_slice %arg10[%dma_wait3A_224, %dma_wait3A_225, %dma_wait3A_226] : memref<12x128x64xbf16, #tpu.memory_space<vmem>> -> memref<1x128x64xbf16, #tpu.memory_space<vmem>>
    %dma_wait3A_228 = tpu.memref_squeeze %dma_wait3A_227 : memref<1x128x64xbf16, #tpu.memory_space<vmem>> -> memref<128x64xbf16, #tpu.memory_space<vmem>>
    %dma_wait3A_229 = arith.constant 0 : i32
    %dma_wait3A_230 = tpu.memref_slice %arg8[%dma_wait3A_223, %dma_wait3A_229] : memref<80x128xi32, #tpu.memory_space<vmem>> -> memref<1x128xi32, #tpu.memory_space<vmem>>
    %dma_wait3A_231 = tpu.memref_squeeze %dma_wait3A_230 : memref<1x128xi32, #tpu.memory_space<vmem>> -> memref<128xi32, #tpu.memory_space<vmem>>
    %dma_wait3A_232 = arith.constant 0 : i32
    %dma_wait3A_233 = arith.constant 0 : i32
    %dma_wait3A_234 = tpu.memref_slice %arg2[%dma_wait3A_232, %dma_wait3A_233] : memref<10240x64xbf16, #tpu.memory_space<hbm>> -> memref<10240x64xbf16, #tpu.memory_space<hbm>>
    tpu.wait_indirect_dma semaphore(%arg11 : memref<!tpu.dma_semaphore, #tpu.memory_space<semaphore_mem>>) src(%dma_wait3A_234 : memref<10240x64xbf16, #tpu.memory_space<hbm>>) dst(%dma_wait3A_228 : memref<128x64xbf16, #tpu.memory_space<vmem>>)
    %dma_start3A_235 = arith.constant 4 : i32
    %dma_start3A_236 = arith.constant 4 : i32
    %dma_start3A_237 = arith.constant 0 : i32
    %dma_start3A_238 = arith.constant 0 : i32
    %dma_start3A_239 = tpu.memref_slice %arg10[%dma_start3A_235, %dma_start3A_237, %dma_start3A_238] : memref<12x128x64xbf16, #tpu.memory_space<vmem>> -> memref<1x128x64xbf16, #tpu.memory_space<vmem>>
    %dma_start3A_240 = tpu.memref_squeeze %dma_start3A_239 : memref<1x128x64xbf16, #tpu.memory_space<vmem>> -> memref<128x64xbf16, #tpu.memory_space<vmem>>
    %dma_start3A_241 = arith.constant 0 : i32
    %dma_start3A_242 = tpu.memref_slice %arg9[%dma_start3A_236, %dma_start3A_241] : memref<80x128xi32, #tpu.memory_space<vmem>> -> memref<1x128xi32, #tpu.memory_space<vmem>>
    %dma_start3A_243 = tpu.memref_squeeze %dma_start3A_242 : memref<1x128xi32, #tpu.memory_space<vmem>> -> memref<128xi32, #tpu.memory_space<vmem>>
    %dma_start3A_244 = arith.constant 0 : i32
    %dma_start3A_245 = arith.constant 0 : i32
    %dma_start3A_246 = tpu.memref_slice %arg7[%dma_start3A_244, %dma_start3A_245] : memref<10240x64xbf16, #tpu.memory_space<vmem_shared>> -> memref<10240x64xbf16, #tpu.memory_space<vmem_shared>>
    tpu.enqueue_indirect_dma source(%dma_start3A_240 : memref<128x64xbf16, #tpu.memory_space<vmem>>) target(%dma_start3A_246 : memref<10240x64xbf16, #tpu.memory_space<vmem_shared>>) offsets(%dma_start3A_243 : memref<128xi32, #tpu.memory_space<vmem>>) semaphore(%arg12 : memref<!tpu.dma_semaphore, #tpu.memory_space<semaphore_mem>>) {add = true}
    %dma_start3A_247 = arith.constant 10 : i32
    %dma_start3A_248 = arith.constant 10 : i32
    %dma_start3A_249 = arith.constant 0 : i32
    %dma_start3A_250 = arith.constant 0 : i32
    %dma_start3A_251 = tpu.memref_slice %arg10[%dma_start3A_248, %dma_start3A_249, %dma_start3A_250] : memref<12x128x64xbf16, #tpu.memory_space<vmem>> -> memref<1x128x64xbf16, #tpu.memory_space<vmem>>
    %dma_start3A_252 = tpu.memref_squeeze %dma_start3A_251 : memref<1x128x64xbf16, #tpu.memory_space<vmem>> -> memref<128x64xbf16, #tpu.memory_space<vmem>>
    %dma_start3A_253 = arith.constant 0 : i32
    %dma_start3A_254 = tpu.memref_slice %arg8[%dma_start3A_247, %dma_start3A_253] : memref<80x128xi32, #tpu.memory_space<vmem>> -> memref<1x128xi32, #tpu.memory_space<vmem>>
    %dma_start3A_255 = tpu.memref_squeeze %dma_start3A_254 : memref<1x128xi32, #tpu.memory_space<vmem>> -> memref<128xi32, #tpu.memory_space<vmem>>
    %dma_start3A_256 = arith.constant 0 : i32
    %dma_start3A_257 = arith.constant 0 : i32
    %dma_start3A_258 = tpu.memref_slice %arg2[%dma_start3A_256, %dma_start3A_257] : memref<10240x64xbf16, #tpu.memory_space<hbm>> -> memref<10240x64xbf16, #tpu.memory_space<hbm>>
    tpu.enqueue_indirect_dma source(%dma_start3A_258 : memref<10240x64xbf16, #tpu.memory_space<hbm>>) target(%dma_start3A_252 : memref<128x64xbf16, #tpu.memory_space<vmem>>) offsets(%dma_start3A_255 : memref<128xi32, #tpu.memory_space<vmem>>) semaphore(%arg11 : memref<!tpu.dma_semaphore, #tpu.memory_space<semaphore_mem>>)
    %dma_wait3A_259 = arith.constant 0 : i32
    %dma_wait3A_260 = arith.constant 5 : i32
    %dma_wait3A_261 = arith.constant 0 : i32
    %dma_wait3A_262 = arith.constant 0 : i32
    %dma_wait3A_263 = tpu.memref_slice %arg10[%dma_wait3A_260, %dma_wait3A_261, %dma_wait3A_262] : memref<12x128x64xbf16, #tpu.memory_space<vmem>> -> memref<1x128x64xbf16, #tpu.memory_space<vmem>>
    %dma_wait3A_264 = tpu.memref_squeeze %dma_wait3A_263 : memref<1x128x64xbf16, #tpu.memory_space<vmem>> -> memref<128x64xbf16, #tpu.memory_space<vmem>>
    %dma_wait3A_265 = arith.constant 0 : i32
    %dma_wait3A_266 = tpu.memref_slice %arg8[%dma_wait3A_259, %dma_wait3A_265] : memref<80x128xi32, #tpu.memory_space<vmem>> -> memref<1x128xi32, #tpu.memory_space<vmem>>
    %dma_wait3A_267 = tpu.memref_squeeze %dma_wait3A_266 : memref<1x128xi32, #tpu.memory_space<vmem>> -> memref<128xi32, #tpu.memory_space<vmem>>
    %dma_wait3A_268 = arith.constant 0 : i32
    %dma_wait3A_269 = arith.constant 0 : i32
    %dma_wait3A_270 = tpu.memref_slice %arg2[%dma_wait3A_268, %dma_wait3A_269] : memref<10240x64xbf16, #tpu.memory_space<hbm>> -> memref<10240x64xbf16, #tpu.memory_space<hbm>>
    tpu.wait_indirect_dma semaphore(%arg11 : memref<!tpu.dma_semaphore, #tpu.memory_space<semaphore_mem>>) src(%dma_wait3A_270 : memref<10240x64xbf16, #tpu.memory_space<hbm>>) dst(%dma_wait3A_264 : memref<128x64xbf16, #tpu.memory_space<vmem>>)
    %dma_start3A_271 = arith.constant 5 : i32
    %dma_start3A_272 = arith.constant 5 : i32
    %dma_start3A_273 = arith.constant 0 : i32
    %dma_start3A_274 = arith.constant 0 : i32
    %dma_start3A_275 = tpu.memref_slice %arg10[%dma_start3A_271, %dma_start3A_273, %dma_start3A_274] : memref<12x128x64xbf16, #tpu.memory_space<vmem>> -> memref<1x128x64xbf16, #tpu.memory_space<vmem>>
    %dma_start3A_276 = tpu.memref_squeeze %dma_start3A_275 : memref<1x128x64xbf16, #tpu.memory_space<vmem>> -> memref<128x64xbf16, #tpu.memory_space<vmem>>
    %dma_start3A_277 = arith.constant 0 : i32
    %dma_start3A_278 = tpu.memref_slice %arg9[%dma_start3A_272, %dma_start3A_277] : memref<80x128xi32, #tpu.memory_space<vmem>> -> memref<1x128xi32, #tpu.memory_space<vmem>>
    %dma_start3A_279 = tpu.memref_squeeze %dma_start3A_278 : memref<1x128xi32, #tpu.memory_space<vmem>> -> memref<128xi32, #tpu.memory_space<vmem>>
    %dma_start3A_280 = arith.constant 0 : i32
    %dma_start3A_281 = arith.constant 0 : i32
    %dma_start3A_282 = tpu.memref_slice %arg7[%dma_start3A_280, %dma_start3A_281] : memref<10240x64xbf16, #tpu.memory_space<vmem_shared>> -> memref<10240x64xbf16, #tpu.memory_space<vmem_shared>>
    tpu.enqueue_indirect_dma source(%dma_start3A_276 : memref<128x64xbf16, #tpu.memory_space<vmem>>) target(%dma_start3A_282 : memref<10240x64xbf16, #tpu.memory_space<vmem_shared>>) offsets(%dma_start3A_279 : memref<128xi32, #tpu.memory_space<vmem>>) semaphore(%arg12 : memref<!tpu.dma_semaphore, #tpu.memory_space<semaphore_mem>>) {add = true}
    %dma_start3A_283 = arith.constant 11 : i32
    %dma_start3A_284 = arith.constant 11 : i32
    %dma_start3A_285 = arith.constant 0 : i32
    %dma_start3A_286 = arith.constant 0 : i32
    %dma_start3A_287 = tpu.memref_slice %arg10[%dma_start3A_284, %dma_start3A_285, %dma_start3A_286] : memref<12x128x64xbf16, #tpu.memory_space<vmem>> -> memref<1x128x64xbf16, #tpu.memory_space<vmem>>
    %dma_start3A_288 = tpu.memref_squeeze %dma_start3A_287 : memref<1x128x64xbf16, #tpu.memory_space<vmem>> -> memref<128x64xbf16, #tpu.memory_space<vmem>>
    %dma_start3A_289 = arith.constant 0 : i32
    %dma_start3A_290 = tpu.memref_slice %arg8[%dma_start3A_283, %dma_start3A_289] : memref<80x128xi32, #tpu.memory_space<vmem>> -> memref<1x128xi32, #tpu.memory_space<vmem>>
    %dma_start3A_291 = tpu.memref_squeeze %dma_start3A_290 : memref<1x128xi32, #tpu.memory_space<vmem>> -> memref<128xi32, #tpu.memory_space<vmem>>
    %dma_start3A_292 = arith.constant 0 : i32
    %dma_start3A_293 = arith.constant 0 : i32
    %dma_start3A_294 = tpu.memref_slice %arg2[%dma_start3A_292, %dma_start3A_293] : memref<10240x64xbf16, #tpu.memory_space<hbm>> -> memref<10240x64xbf16, #tpu.memory_space<hbm>>
    tpu.enqueue_indirect_dma source(%dma_start3A_294 : memref<10240x64xbf16, #tpu.memory_space<hbm>>) target(%dma_start3A_288 : memref<128x64xbf16, #tpu.memory_space<vmem>>) offsets(%dma_start3A_291 : memref<128xi32, #tpu.memory_space<vmem>>) semaphore(%arg11 : memref<!tpu.dma_semaphore, #tpu.memory_space<semaphore_mem>>)
    %scan3A = arith.constant 0 : i32
    %scan3A_295 = arith.constant 6 : i32
    %scan3A_296 = arith.constant 68 : i32
    %scan3A_297 = arith.addi %scan3A_295, %scan3A_296 : i32
    %scan3A_298 = arith.constant 1 : i32
    scf.for %scan3A_593 = %scan3A_295 to %scan3A_297 step %scan3A_298  : i32 {
      %jit3A = arith.constant 12 : i32
      %eq3A = arith.constant 0 : i32
      %eq3A_594 = arith.cmpi eq, %jit3A, %eq3A : i32
      %jit3A_595 = arith.constant 1 : i32
      %select_n3A = arith.select %eq3A_594, %jit3A_595, %jit3A : i32
      %rem3A = arith.remsi %scan3A_593, %select_n3A : i32
      %ne3A = arith.constant 0 : i32
      %ne3A_596 = arith.cmpi ne, %rem3A, %ne3A : i32
      %lt3A = arith.constant 0 : i32
      %lt3A_597 = arith.cmpi slt, %rem3A, %lt3A : i32
      %lt3A_598 = arith.constant 0 : i32
      %lt3A_599 = arith.cmpi slt, %select_n3A, %lt3A_598 : i32
      %ne3A_600 = arith.xori %lt3A_597, %lt3A_599 : i1
      %and3A = arith.andi %ne3A_600, %ne3A_596 : i1
      %add3A_601 = arith.addi %rem3A, %select_n3A : i32
      %select_n3A_602 = arith.select %and3A, %add3A_601, %rem3A : i32
      %dma_wait3A_603 = arith.constant 0 : i32
      %dma_wait3A_604 = arith.constant 0 : i32
      %dma_wait3A_605 = arith.constant 0 : i32
      %dma_wait3A_606 = tpu.memref_slice %arg10[%select_n3A_602, %dma_wait3A_604, %dma_wait3A_605] : memref<12x128x64xbf16, #tpu.memory_space<vmem>> -> memref<1x128x64xbf16, #tpu.memory_space<vmem>>
      %dma_wait3A_607 = tpu.memref_squeeze %dma_wait3A_606 : memref<1x128x64xbf16, #tpu.memory_space<vmem>> -> memref<128x64xbf16, #tpu.memory_space<vmem>>
      %dma_wait3A_608 = arith.constant 0 : i32
      %dma_wait3A_609 = tpu.memref_slice %arg8[%dma_wait3A_603, %dma_wait3A_608] : memref<80x128xi32, #tpu.memory_space<vmem>> -> memref<1x128xi32, #tpu.memory_space<vmem>>
      %dma_wait3A_610 = tpu.memref_squeeze %dma_wait3A_609 : memref<1x128xi32, #tpu.memory_space<vmem>> -> memref<128xi32, #tpu.memory_space<vmem>>
      %dma_wait3A_611 = arith.constant 0 : i32
      %dma_wait3A_612 = arith.constant 0 : i32
      %dma_wait3A_613 = tpu.memref_slice %arg2[%dma_wait3A_611, %dma_wait3A_612] : memref<10240x64xbf16, #tpu.memory_space<hbm>> -> memref<10240x64xbf16, #tpu.memory_space<hbm>>
      tpu.wait_indirect_dma semaphore(%arg11 : memref<!tpu.dma_semaphore, #tpu.memory_space<semaphore_mem>>) src(%dma_wait3A_613 : memref<10240x64xbf16, #tpu.memory_space<hbm>>) dst(%dma_wait3A_607 : memref<128x64xbf16, #tpu.memory_space<vmem>>)
      %dma_start3A_614 = arith.constant 0 : i32
      %dma_start3A_615 = arith.constant 0 : i32
      %dma_start3A_616 = tpu.memref_slice %arg10[%select_n3A_602, %dma_start3A_614, %dma_start3A_615] : memref<12x128x64xbf16, #tpu.memory_space<vmem>> -> memref<1x128x64xbf16, #tpu.memory_space<vmem>>
      %dma_start3A_617 = tpu.memref_squeeze %dma_start3A_616 : memref<1x128x64xbf16, #tpu.memory_space<vmem>> -> memref<128x64xbf16, #tpu.memory_space<vmem>>
      %dma_start3A_618 = arith.constant 0 : i32
      %dma_start3A_619 = tpu.memref_slice %arg9[%scan3A_593, %dma_start3A_618] : memref<80x128xi32, #tpu.memory_space<vmem>> -> memref<1x128xi32, #tpu.memory_space<vmem>>
      %dma_start3A_620 = tpu.memref_squeeze %dma_start3A_619 : memref<1x128xi32, #tpu.memory_space<vmem>> -> memref<128xi32, #tpu.memory_space<vmem>>
      %dma_start3A_621 = arith.constant 0 : i32
      %dma_start3A_622 = arith.constant 0 : i32
      %dma_start3A_623 = tpu.memref_slice %arg7[%dma_start3A_621, %dma_start3A_622] : memref<10240x64xbf16, #tpu.memory_space<vmem_shared>> -> memref<10240x64xbf16, #tpu.memory_space<vmem_shared>>
      tpu.enqueue_indirect_dma source(%dma_start3A_617 : memref<128x64xbf16, #tpu.memory_space<vmem>>) target(%dma_start3A_623 : memref<10240x64xbf16, #tpu.memory_space<vmem_shared>>) offsets(%dma_start3A_620 : memref<128xi32, #tpu.memory_space<vmem>>) semaphore(%arg12 : memref<!tpu.dma_semaphore, #tpu.memory_space<semaphore_mem>>) {add = true}
      %dma_wait3A_624 = arith.constant 0 : i32
      %dma_wait3A_625 = arith.constant 0 : i32
      %dma_wait3A_626 = arith.constant 0 : i32
      %dma_wait3A_627 = arith.constant 0 : i32
      %dma_wait3A_628 = tpu.memref_slice %arg10[%dma_wait3A_624, %dma_wait3A_626, %dma_wait3A_627] : memref<12x128x64xbf16, #tpu.memory_space<vmem>> -> memref<1x128x64xbf16, #tpu.memory_space<vmem>>
      %dma_wait3A_629 = tpu.memref_squeeze %dma_wait3A_628 : memref<1x128x64xbf16, #tpu.memory_space<vmem>> -> memref<128x64xbf16, #tpu.memory_space<vmem>>
      %dma_wait3A_630 = arith.constant 0 : i32
      %dma_wait3A_631 = tpu.memref_slice %arg9[%dma_wait3A_625, %dma_wait3A_630] : memref<80x128xi32, #tpu.memory_space<vmem>> -> memref<1x128xi32, #tpu.memory_space<vmem>>
      %dma_wait3A_632 = tpu.memref_squeeze %dma_wait3A_631 : memref<1x128xi32, #tpu.memory_space<vmem>> -> memref<128xi32, #tpu.memory_space<vmem>>
      %dma_wait3A_633 = arith.constant 0 : i32
      %dma_wait3A_634 = arith.constant 0 : i32
      %dma_wait3A_635 = tpu.memref_slice %arg7[%dma_wait3A_633, %dma_wait3A_634] : memref<10240x64xbf16, #tpu.memory_space<vmem_shared>> -> memref<10240x64xbf16, #tpu.memory_space<vmem_shared>>
      tpu.wait_indirect_dma semaphore(%arg12 : memref<!tpu.dma_semaphore, #tpu.memory_space<semaphore_mem>>) src(%dma_wait3A_629 : memref<128x64xbf16, #tpu.memory_space<vmem>>) dst(%dma_wait3A_635 : memref<10240x64xbf16, #tpu.memory_space<vmem_shared>>)
      %add3A_636 = arith.constant 6 : i32
      %add3A_637 = arith.addi %scan3A_593, %add3A_636 : i32
      %jit3A_638 = arith.constant 12 : i32
      %eq3A_639 = arith.constant 0 : i32
      %eq3A_640 = arith.cmpi eq, %jit3A_638, %eq3A_639 : i32
      %jit3A_641 = arith.constant 1 : i32
      %select_n3A_642 = arith.select %eq3A_640, %jit3A_641, %jit3A_638 : i32
      %rem3A_643 = arith.remsi %add3A_637, %select_n3A_642 : i32
      %ne3A_644 = arith.constant 0 : i32
      %ne3A_645 = arith.cmpi ne, %rem3A_643, %ne3A_644 : i32
      %lt3A_646 = arith.constant 0 : i32
      %lt3A_647 = arith.cmpi slt, %rem3A_643, %lt3A_646 : i32
      %lt3A_648 = arith.constant 0 : i32
      %lt3A_649 = arith.cmpi slt, %select_n3A_642, %lt3A_648 : i32
      %ne3A_650 = arith.xori %lt3A_647, %lt3A_649 : i1
      %and3A_651 = arith.andi %ne3A_650, %ne3A_645 : i1
      %add3A_652 = arith.addi %rem3A_643, %select_n3A_642 : i32
      %select_n3A_653 = arith.select %and3A_651, %add3A_652, %rem3A_643 : i32
      %dma_start3A_654 = arith.constant 0 : i32
      %dma_start3A_655 = arith.constant 0 : i32
      %dma_start3A_656 = tpu.memref_slice %arg10[%select_n3A_653, %dma_start3A_654, %dma_start3A_655] : memref<12x128x64xbf16, #tpu.memory_space<vmem>> -> memref<1x128x64xbf16, #tpu.memory_space<vmem>>
      %dma_start3A_657 = tpu.memref_squeeze %dma_start3A_656 : memref<1x128x64xbf16, #tpu.memory_space<vmem>> -> memref<128x64xbf16, #tpu.memory_space<vmem>>
      %dma_start3A_658 = arith.constant 0 : i32
      %dma_start3A_659 = tpu.memref_slice %arg8[%add3A_637, %dma_start3A_658] : memref<80x128xi32, #tpu.memory_space<vmem>> -> memref<1x128xi32, #tpu.memory_space<vmem>>
      %dma_start3A_660 = tpu.memref_squeeze %dma_start3A_659 : memref<1x128xi32, #tpu.memory_space<vmem>> -> memref<128xi32, #tpu.memory_space<vmem>>
      %dma_start3A_661 = arith.constant 0 : i32
      %dma_start3A_662 = arith.constant 0 : i32
      %dma_start3A_663 = tpu.memref_slice %arg2[%dma_start3A_661, %dma_start3A_662] : memref<10240x64xbf16, #tpu.memory_space<hbm>> -> memref<10240x64xbf16, #tpu.memory_space<hbm>>
      tpu.enqueue_indirect_dma source(%dma_start3A_663 : memref<10240x64xbf16, #tpu.memory_space<hbm>>) target(%dma_start3A_657 : memref<128x64xbf16, #tpu.memory_space<vmem>>) offsets(%dma_start3A_660 : memref<128xi32, #tpu.memory_space<vmem>>) semaphore(%arg11 : memref<!tpu.dma_semaphore, #tpu.memory_space<semaphore_mem>>)
    }
    %scan3A_299 = arith.constant 68 : i32
    %dma_wait3A_300 = arith.constant 0 : i32
    %dma_wait3A_301 = arith.constant 2 : i32
    %dma_wait3A_302 = arith.constant 0 : i32
    %dma_wait3A_303 = arith.constant 0 : i32
    %dma_wait3A_304 = tpu.memref_slice %arg10[%dma_wait3A_301, %dma_wait3A_302, %dma_wait3A_303] : memref<12x128x64xbf16, #tpu.memory_space<vmem>> -> memref<1x128x64xbf16, #tpu.memory_space<vmem>>
    %dma_wait3A_305 = tpu.memref_squeeze %dma_wait3A_304 : memref<1x128x64xbf16, #tpu.memory_space<vmem>> -> memref<128x64xbf16, #tpu.memory_space<vmem>>
    %dma_wait3A_306 = arith.constant 0 : i32
    %dma_wait3A_307 = tpu.memref_slice %arg8[%dma_wait3A_300, %dma_wait3A_306] : memref<80x128xi32, #tpu.memory_space<vmem>> -> memref<1x128xi32, #tpu.memory_space<vmem>>
    %dma_wait3A_308 = tpu.memref_squeeze %dma_wait3A_307 : memref<1x128xi32, #tpu.memory_space<vmem>> -> memref<128xi32, #tpu.memory_space<vmem>>
    %dma_wait3A_309 = arith.constant 0 : i32
    %dma_wait3A_310 = arith.constant 0 : i32
    %dma_wait3A_311 = tpu.memref_slice %arg2[%dma_wait3A_309, %dma_wait3A_310] : memref<10240x64xbf16, #tpu.memory_space<hbm>> -> memref<10240x64xbf16, #tpu.memory_space<hbm>>
    tpu.wait_indirect_dma semaphore(%arg11 : memref<!tpu.dma_semaphore, #tpu.memory_space<semaphore_mem>>) src(%dma_wait3A_311 : memref<10240x64xbf16, #tpu.memory_space<hbm>>) dst(%dma_wait3A_305 : memref<128x64xbf16, #tpu.memory_space<vmem>>)
    %dma_start3A_312 = arith.constant 2 : i32
    %dma_start3A_313 = arith.constant 74 : i32
    %dma_start3A_314 = arith.constant 0 : i32
    %dma_start3A_315 = arith.constant 0 : i32
    %dma_start3A_316 = tpu.memref_slice %arg10[%dma_start3A_312, %dma_start3A_314, %dma_start3A_315] : memref<12x128x64xbf16, #tpu.memory_space<vmem>> -> memref<1x128x64xbf16, #tpu.memory_space<vmem>>
    %dma_start3A_317 = tpu.memref_squeeze %dma_start3A_316 : memref<1x128x64xbf16, #tpu.memory_space<vmem>> -> memref<128x64xbf16, #tpu.memory_space<vmem>>
    %dma_start3A_318 = arith.constant 0 : i32
    %dma_start3A_319 = tpu.memref_slice %arg9[%dma_start3A_313, %dma_start3A_318] : memref<80x128xi32, #tpu.memory_space<vmem>> -> memref<1x128xi32, #tpu.memory_space<vmem>>
    %dma_start3A_320 = tpu.memref_squeeze %dma_start3A_319 : memref<1x128xi32, #tpu.memory_space<vmem>> -> memref<128xi32, #tpu.memory_space<vmem>>
    %dma_start3A_321 = arith.constant 0 : i32
    %dma_start3A_322 = arith.constant 0 : i32
    %dma_start3A_323 = tpu.memref_slice %arg7[%dma_start3A_321, %dma_start3A_322] : memref<10240x64xbf16, #tpu.memory_space<vmem_shared>> -> memref<10240x64xbf16, #tpu.memory_space<vmem_shared>>
    tpu.enqueue_indirect_dma source(%dma_start3A_317 : memref<128x64xbf16, #tpu.memory_space<vmem>>) target(%dma_start3A_323 : memref<10240x64xbf16, #tpu.memory_space<vmem_shared>>) offsets(%dma_start3A_320 : memref<128xi32, #tpu.memory_space<vmem>>) semaphore(%arg12 : memref<!tpu.dma_semaphore, #tpu.memory_space<semaphore_mem>>) {add = true}
    %dma_wait3A_324 = arith.constant 0 : i32
    %dma_wait3A_325 = arith.constant 3 : i32
    %dma_wait3A_326 = arith.constant 0 : i32
    %dma_wait3A_327 = arith.constant 0 : i32
    %dma_wait3A_328 = tpu.memref_slice %arg10[%dma_wait3A_325, %dma_wait3A_326, %dma_wait3A_327] : memref<12x128x64xbf16, #tpu.memory_space<vmem>> -> memref<1x128x64xbf16, #tpu.memory_space<vmem>>
    %dma_wait3A_329 = tpu.memref_squeeze %dma_wait3A_328 : memref<1x128x64xbf16, #tpu.memory_space<vmem>> -> memref<128x64xbf16, #tpu.memory_space<vmem>>
    %dma_wait3A_330 = arith.constant 0 : i32
    %dma_wait3A_331 = tpu.memref_slice %arg8[%dma_wait3A_324, %dma_wait3A_330] : memref<80x128xi32, #tpu.memory_space<vmem>> -> memref<1x128xi32, #tpu.memory_space<vmem>>
    %dma_wait3A_332 = tpu.memref_squeeze %dma_wait3A_331 : memref<1x128xi32, #tpu.memory_space<vmem>> -> memref<128xi32, #tpu.memory_space<vmem>>
    %dma_wait3A_333 = arith.constant 0 : i32
    %dma_wait3A_334 = arith.constant 0 : i32
    %dma_wait3A_335 = tpu.memref_slice %arg2[%dma_wait3A_333, %dma_wait3A_334] : memref<10240x64xbf16, #tpu.memory_space<hbm>> -> memref<10240x64xbf16, #tpu.memory_space<hbm>>
    tpu.wait_indirect_dma semaphore(%arg11 : memref<!tpu.dma_semaphore, #tpu.memory_space<semaphore_mem>>) src(%dma_wait3A_335 : memref<10240x64xbf16, #tpu.memory_space<hbm>>) dst(%dma_wait3A_329 : memref<128x64xbf16, #tpu.memory_space<vmem>>)
    %dma_start3A_336 = arith.constant 3 : i32
    %dma_start3A_337 = arith.constant 75 : i32
    %dma_start3A_338 = arith.constant 0 : i32
    %dma_start3A_339 = arith.constant 0 : i32
    %dma_start3A_340 = tpu.memref_slice %arg10[%dma_start3A_336, %dma_start3A_338, %dma_start3A_339] : memref<12x128x64xbf16, #tpu.memory_space<vmem>> -> memref<1x128x64xbf16, #tpu.memory_space<vmem>>
    %dma_start3A_341 = tpu.memref_squeeze %dma_start3A_340 : memref<1x128x64xbf16, #tpu.memory_space<vmem>> -> memref<128x64xbf16, #tpu.memory_space<vmem>>
    %dma_start3A_342 = arith.constant 0 : i32
    %dma_start3A_343 = tpu.memref_slice %arg9[%dma_start3A_337, %dma_start3A_342] : memref<80x128xi32, #tpu.memory_space<vmem>> -> memref<1x128xi32, #tpu.memory_space<vmem>>
    %dma_start3A_344 = tpu.memref_squeeze %dma_start3A_343 : memref<1x128xi32, #tpu.memory_space<vmem>> -> memref<128xi32, #tpu.memory_space<vmem>>
    %dma_start3A_345 = arith.constant 0 : i32
    %dma_start3A_346 = arith.constant 0 : i32
    %dma_start3A_347 = tpu.memref_slice %arg7[%dma_start3A_345, %dma_start3A_346] : memref<10240x64xbf16, #tpu.memory_space<vmem_shared>> -> memref<10240x64xbf16, #tpu.memory_space<vmem_shared>>
    tpu.enqueue_indirect_dma source(%dma_start3A_341 : memref<128x64xbf16, #tpu.memory_space<vmem>>) target(%dma_start3A_347 : memref<10240x64xbf16, #tpu.memory_space<vmem_shared>>) offsets(%dma_start3A_344 : memref<128xi32, #tpu.memory_space<vmem>>) semaphore(%arg12 : memref<!tpu.dma_semaphore, #tpu.memory_space<semaphore_mem>>) {add = true}
    %dma_wait3A_348 = arith.constant 0 : i32
    %dma_wait3A_349 = arith.constant 4 : i32
    %dma_wait3A_350 = arith.constant 0 : i32
    %dma_wait3A_351 = arith.constant 0 : i32
    %dma_wait3A_352 = tpu.memref_slice %arg10[%dma_wait3A_349, %dma_wait3A_350, %dma_wait3A_351] : memref<12x128x64xbf16, #tpu.memory_space<vmem>> -> memref<1x128x64xbf16, #tpu.memory_space<vmem>>
    %dma_wait3A_353 = tpu.memref_squeeze %dma_wait3A_352 : memref<1x128x64xbf16, #tpu.memory_space<vmem>> -> memref<128x64xbf16, #tpu.memory_space<vmem>>
    %dma_wait3A_354 = arith.constant 0 : i32
    %dma_wait3A_355 = tpu.memref_slice %arg8[%dma_wait3A_348, %dma_wait3A_354] : memref<80x128xi32, #tpu.memory_space<vmem>> -> memref<1x128xi32, #tpu.memory_space<vmem>>
    %dma_wait3A_356 = tpu.memref_squeeze %dma_wait3A_355 : memref<1x128xi32, #tpu.memory_space<vmem>> -> memref<128xi32, #tpu.memory_space<vmem>>
    %dma_wait3A_357 = arith.constant 0 : i32
    %dma_wait3A_358 = arith.constant 0 : i32
    %dma_wait3A_359 = tpu.memref_slice %arg2[%dma_wait3A_357, %dma_wait3A_358] : memref<10240x64xbf16, #tpu.memory_space<hbm>> -> memref<10240x64xbf16, #tpu.memory_space<hbm>>
    tpu.wait_indirect_dma semaphore(%arg11 : memref<!tpu.dma_semaphore, #tpu.memory_space<semaphore_mem>>) src(%dma_wait3A_359 : memref<10240x64xbf16, #tpu.memory_space<hbm>>) dst(%dma_wait3A_353 : memref<128x64xbf16, #tpu.memory_space<vmem>>)
    %dma_start3A_360 = arith.constant 4 : i32
    %dma_start3A_361 = arith.constant 76 : i32
    %dma_start3A_362 = arith.constant 0 : i32
    %dma_start3A_363 = arith.constant 0 : i32
    %dma_start3A_364 = tpu.memref_slice %arg10[%dma_start3A_360, %dma_start3A_362, %dma_start3A_363] : memref<12x128x64xbf16, #tpu.memory_space<vmem>> -> memref<1x128x64xbf16, #tpu.memory_space<vmem>>
    %dma_start3A_365 = tpu.memref_squeeze %dma_start3A_364 : memref<1x128x64xbf16, #tpu.memory_space<vmem>> -> memref<128x64xbf16, #tpu.memory_space<vmem>>
    %dma_start3A_366 = arith.constant 0 : i32
    %dma_start3A_367 = tpu.memref_slice %arg9[%dma_start3A_361, %dma_start3A_366] : memref<80x128xi32, #tpu.memory_space<vmem>> -> memref<1x128xi32, #tpu.memory_space<vmem>>
    %dma_start3A_368 = tpu.memref_squeeze %dma_start3A_367 : memref<1x128xi32, #tpu.memory_space<vmem>> -> memref<128xi32, #tpu.memory_space<vmem>>
    %dma_start3A_369 = arith.constant 0 : i32
    %dma_start3A_370 = arith.constant 0 : i32
    %dma_start3A_371 = tpu.memref_slice %arg7[%dma_start3A_369, %dma_start3A_370] : memref<10240x64xbf16, #tpu.memory_space<vmem_shared>> -> memref<10240x64xbf16, #tpu.memory_space<vmem_shared>>
    tpu.enqueue_indirect_dma source(%dma_start3A_365 : memref<128x64xbf16, #tpu.memory_space<vmem>>) target(%dma_start3A_371 : memref<10240x64xbf16, #tpu.memory_space<vmem_shared>>) offsets(%dma_start3A_368 : memref<128xi32, #tpu.memory_space<vmem>>) semaphore(%arg12 : memref<!tpu.dma_semaphore, #tpu.memory_space<semaphore_mem>>) {add = true}
    %dma_wait3A_372 = arith.constant 0 : i32
    %dma_wait3A_373 = arith.constant 5 : i32
    %dma_wait3A_374 = arith.constant 0 : i32
    %dma_wait3A_375 = arith.constant 0 : i32
    %dma_wait3A_376 = tpu.memref_slice %arg10[%dma_wait3A_373, %dma_wait3A_374, %dma_wait3A_375] : memref<12x128x64xbf16, #tpu.memory_space<vmem>> -> memref<1x128x64xbf16, #tpu.memory_space<vmem>>
    %dma_wait3A_377 = tpu.memref_squeeze %dma_wait3A_376 : memref<1x128x64xbf16, #tpu.memory_space<vmem>> -> memref<128x64xbf16, #tpu.memory_space<vmem>>
    %dma_wait3A_378 = arith.constant 0 : i32
    %dma_wait3A_379 = tpu.memref_slice %arg8[%dma_wait3A_372, %dma_wait3A_378] : memref<80x128xi32, #tpu.memory_space<vmem>> -> memref<1x128xi32, #tpu.memory_space<vmem>>
    %dma_wait3A_380 = tpu.memref_squeeze %dma_wait3A_379 : memref<1x128xi32, #tpu.memory_space<vmem>> -> memref<128xi32, #tpu.memory_space<vmem>>
    %dma_wait3A_381 = arith.constant 0 : i32
    %dma_wait3A_382 = arith.constant 0 : i32
    %dma_wait3A_383 = tpu.memref_slice %arg2[%dma_wait3A_381, %dma_wait3A_382] : memref<10240x64xbf16, #tpu.memory_space<hbm>> -> memref<10240x64xbf16, #tpu.memory_space<hbm>>
    tpu.wait_indirect_dma semaphore(%arg11 : memref<!tpu.dma_semaphore, #tpu.memory_space<semaphore_mem>>) src(%dma_wait3A_383 : memref<10240x64xbf16, #tpu.memory_space<hbm>>) dst(%dma_wait3A_377 : memref<128x64xbf16, #tpu.memory_space<vmem>>)
    %dma_start3A_384 = arith.constant 5 : i32
    %dma_start3A_385 = arith.constant 77 : i32
    %dma_start3A_386 = arith.constant 0 : i32
    %dma_start3A_387 = arith.constant 0 : i32
    %dma_start3A_388 = tpu.memref_slice %arg10[%dma_start3A_384, %dma_start3A_386, %dma_start3A_387] : memref<12x128x64xbf16, #tpu.memory_space<vmem>> -> memref<1x128x64xbf16, #tpu.memory_space<vmem>>
    %dma_start3A_389 = tpu.memref_squeeze %dma_start3A_388 : memref<1x128x64xbf16, #tpu.memory_space<vmem>> -> memref<128x64xbf16, #tpu.memory_space<vmem>>
    %dma_start3A_390 = arith.constant 0 : i32
    %dma_start3A_391 = tpu.memref_slice %arg9[%dma_start3A_385, %dma_start3A_390] : memref<80x128xi32, #tpu.memory_space<vmem>> -> memref<1x128xi32, #tpu.memory_space<vmem>>
    %dma_start3A_392 = tpu.memref_squeeze %dma_start3A_391 : memref<1x128xi32, #tpu.memory_space<vmem>> -> memref<128xi32, #tpu.memory_space<vmem>>
    %dma_start3A_393 = arith.constant 0 : i32
    %dma_start3A_394 = arith.constant 0 : i32
    %dma_start3A_395 = tpu.memref_slice %arg7[%dma_start3A_393, %dma_start3A_394] : memref<10240x64xbf16, #tpu.memory_space<vmem_shared>> -> memref<10240x64xbf16, #tpu.memory_space<vmem_shared>>
    tpu.enqueue_indirect_dma source(%dma_start3A_389 : memref<128x64xbf16, #tpu.memory_space<vmem>>) target(%dma_start3A_395 : memref<10240x64xbf16, #tpu.memory_space<vmem_shared>>) offsets(%dma_start3A_392 : memref<128xi32, #tpu.memory_space<vmem>>) semaphore(%arg12 : memref<!tpu.dma_semaphore, #tpu.memory_space<semaphore_mem>>) {add = true}
    %dma_wait3A_396 = arith.constant 0 : i32
    %dma_wait3A_397 = arith.constant 6 : i32
    %dma_wait3A_398 = arith.constant 0 : i32
    %dma_wait3A_399 = arith.constant 0 : i32
    %dma_wait3A_400 = tpu.memref_slice %arg10[%dma_wait3A_397, %dma_wait3A_398, %dma_wait3A_399] : memref<12x128x64xbf16, #tpu.memory_space<vmem>> -> memref<1x128x64xbf16, #tpu.memory_space<vmem>>
    %dma_wait3A_401 = tpu.memref_squeeze %dma_wait3A_400 : memref<1x128x64xbf16, #tpu.memory_space<vmem>> -> memref<128x64xbf16, #tpu.memory_space<vmem>>
    %dma_wait3A_402 = arith.constant 0 : i32
    %dma_wait3A_403 = tpu.memref_slice %arg8[%dma_wait3A_396, %dma_wait3A_402] : memref<80x128xi32, #tpu.memory_space<vmem>> -> memref<1x128xi32, #tpu.memory_space<vmem>>
    %dma_wait3A_404 = tpu.memref_squeeze %dma_wait3A_403 : memref<1x128xi32, #tpu.memory_space<vmem>> -> memref<128xi32, #tpu.memory_space<vmem>>
    %dma_wait3A_405 = arith.constant 0 : i32
    %dma_wait3A_406 = arith.constant 0 : i32
    %dma_wait3A_407 = tpu.memref_slice %arg2[%dma_wait3A_405, %dma_wait3A_406] : memref<10240x64xbf16, #tpu.memory_space<hbm>> -> memref<10240x64xbf16, #tpu.memory_space<hbm>>
    tpu.wait_indirect_dma semaphore(%arg11 : memref<!tpu.dma_semaphore, #tpu.memory_space<semaphore_mem>>) src(%dma_wait3A_407 : memref<10240x64xbf16, #tpu.memory_space<hbm>>) dst(%dma_wait3A_401 : memref<128x64xbf16, #tpu.memory_space<vmem>>)
    %dma_start3A_408 = arith.constant 6 : i32
    %dma_start3A_409 = arith.constant 78 : i32
    %dma_start3A_410 = arith.constant 0 : i32
    %dma_start3A_411 = arith.constant 0 : i32
    %dma_start3A_412 = tpu.memref_slice %arg10[%dma_start3A_408, %dma_start3A_410, %dma_start3A_411] : memref<12x128x64xbf16, #tpu.memory_space<vmem>> -> memref<1x128x64xbf16, #tpu.memory_space<vmem>>
    %dma_start3A_413 = tpu.memref_squeeze %dma_start3A_412 : memref<1x128x64xbf16, #tpu.memory_space<vmem>> -> memref<128x64xbf16, #tpu.memory_space<vmem>>
    %dma_start3A_414 = arith.constant 0 : i32
    %dma_start3A_415 = tpu.memref_slice %arg9[%dma_start3A_409, %dma_start3A_414] : memref<80x128xi32, #tpu.memory_space<vmem>> -> memref<1x128xi32, #tpu.memory_space<vmem>>
    %dma_start3A_416 = tpu.memref_squeeze %dma_start3A_415 : memref<1x128xi32, #tpu.memory_space<vmem>> -> memref<128xi32, #tpu.memory_space<vmem>>
    %dma_start3A_417 = arith.constant 0 : i32
    %dma_start3A_418 = arith.constant 0 : i32
    %dma_start3A_419 = tpu.memref_slice %arg7[%dma_start3A_417, %dma_start3A_418] : memref<10240x64xbf16, #tpu.memory_space<vmem_shared>> -> memref<10240x64xbf16, #tpu.memory_space<vmem_shared>>
    tpu.enqueue_indirect_dma source(%dma_start3A_413 : memref<128x64xbf16, #tpu.memory_space<vmem>>) target(%dma_start3A_419 : memref<10240x64xbf16, #tpu.memory_space<vmem_shared>>) offsets(%dma_start3A_416 : memref<128xi32, #tpu.memory_space<vmem>>) semaphore(%arg12 : memref<!tpu.dma_semaphore, #tpu.memory_space<semaphore_mem>>) {add = true}
    %dma_wait3A_420 = arith.constant 0 : i32
    %dma_wait3A_421 = arith.constant 7 : i32
    %dma_wait3A_422 = arith.constant 0 : i32
    %dma_wait3A_423 = arith.constant 0 : i32
    %dma_wait3A_424 = tpu.memref_slice %arg10[%dma_wait3A_421, %dma_wait3A_422, %dma_wait3A_423] : memref<12x128x64xbf16, #tpu.memory_space<vmem>> -> memref<1x128x64xbf16, #tpu.memory_space<vmem>>
    %dma_wait3A_425 = tpu.memref_squeeze %dma_wait3A_424 : memref<1x128x64xbf16, #tpu.memory_space<vmem>> -> memref<128x64xbf16, #tpu.memory_space<vmem>>
    %dma_wait3A_426 = arith.constant 0 : i32
    %dma_wait3A_427 = tpu.memref_slice %arg8[%dma_wait3A_420, %dma_wait3A_426] : memref<80x128xi32, #tpu.memory_space<vmem>> -> memref<1x128xi32, #tpu.memory_space<vmem>>
    %dma_wait3A_428 = tpu.memref_squeeze %dma_wait3A_427 : memref<1x128xi32, #tpu.memory_space<vmem>> -> memref<128xi32, #tpu.memory_space<vmem>>
    %dma_wait3A_429 = arith.constant 0 : i32
    %dma_wait3A_430 = arith.constant 0 : i32
    %dma_wait3A_431 = tpu.memref_slice %arg2[%dma_wait3A_429, %dma_wait3A_430] : memref<10240x64xbf16, #tpu.memory_space<hbm>> -> memref<10240x64xbf16, #tpu.memory_space<hbm>>
    tpu.wait_indirect_dma semaphore(%arg11 : memref<!tpu.dma_semaphore, #tpu.memory_space<semaphore_mem>>) src(%dma_wait3A_431 : memref<10240x64xbf16, #tpu.memory_space<hbm>>) dst(%dma_wait3A_425 : memref<128x64xbf16, #tpu.memory_space<vmem>>)
    %dma_start3A_432 = arith.constant 7 : i32
    %dma_start3A_433 = arith.constant 79 : i32
    %dma_start3A_434 = arith.constant 0 : i32
    %dma_start3A_435 = arith.constant 0 : i32
    %dma_start3A_436 = tpu.memref_slice %arg10[%dma_start3A_432, %dma_start3A_434, %dma_start3A_435] : memref<12x128x64xbf16, #tpu.memory_space<vmem>> -> memref<1x128x64xbf16, #tpu.memory_space<vmem>>
    %dma_start3A_437 = tpu.memref_squeeze %dma_start3A_436 : memref<1x128x64xbf16, #tpu.memory_space<vmem>> -> memref<128x64xbf16, #tpu.memory_space<vmem>>
    %dma_start3A_438 = arith.constant 0 : i32
    %dma_start3A_439 = tpu.memref_slice %arg9[%dma_start3A_433, %dma_start3A_438] : memref<80x128xi32, #tpu.memory_space<vmem>> -> memref<1x128xi32, #tpu.memory_space<vmem>>
    %dma_start3A_440 = tpu.memref_squeeze %dma_start3A_439 : memref<1x128xi32, #tpu.memory_space<vmem>> -> memref<128xi32, #tpu.memory_space<vmem>>
    %dma_start3A_441 = arith.constant 0 : i32
    %dma_start3A_442 = arith.constant 0 : i32
    %dma_start3A_443 = tpu.memref_slice %arg7[%dma_start3A_441, %dma_start3A_442] : memref<10240x64xbf16, #tpu.memory_space<vmem_shared>> -> memref<10240x64xbf16, #tpu.memory_space<vmem_shared>>
    tpu.enqueue_indirect_dma source(%dma_start3A_437 : memref<128x64xbf16, #tpu.memory_space<vmem>>) target(%dma_start3A_443 : memref<10240x64xbf16, #tpu.memory_space<vmem_shared>>) offsets(%dma_start3A_440 : memref<128xi32, #tpu.memory_space<vmem>>) semaphore(%arg12 : memref<!tpu.dma_semaphore, #tpu.memory_space<semaphore_mem>>) {add = true}
    %dma_wait3A_444 = arith.constant 0 : i32
    %dma_wait3A_445 = arith.constant 0 : i32
    %dma_wait3A_446 = arith.constant 0 : i32
    %dma_wait3A_447 = arith.constant 0 : i32
    %dma_wait3A_448 = tpu.memref_slice %arg10[%dma_wait3A_444, %dma_wait3A_446, %dma_wait3A_447] : memref<12x128x64xbf16, #tpu.memory_space<vmem>> -> memref<1x128x64xbf16, #tpu.memory_space<vmem>>
    %dma_wait3A_449 = tpu.memref_squeeze %dma_wait3A_448 : memref<1x128x64xbf16, #tpu.memory_space<vmem>> -> memref<128x64xbf16, #tpu.memory_space<vmem>>
    %dma_wait3A_450 = arith.constant 0 : i32
    %dma_wait3A_451 = tpu.memref_slice %arg9[%dma_wait3A_445, %dma_wait3A_450] : memref<80x128xi32, #tpu.memory_space<vmem>> -> memref<1x128xi32, #tpu.memory_space<vmem>>
    %dma_wait3A_452 = tpu.memref_squeeze %dma_wait3A_451 : memref<1x128xi32, #tpu.memory_space<vmem>> -> memref<128xi32, #tpu.memory_space<vmem>>
    %dma_wait3A_453 = arith.constant 0 : i32
    %dma_wait3A_454 = arith.constant 0 : i32
    %dma_wait3A_455 = tpu.memref_slice %arg7[%dma_wait3A_453, %dma_wait3A_454] : memref<10240x64xbf16, #tpu.memory_space<vmem_shared>> -> memref<10240x64xbf16, #tpu.memory_space<vmem_shared>>
    tpu.wait_indirect_dma semaphore(%arg12 : memref<!tpu.dma_semaphore, #tpu.memory_space<semaphore_mem>>) src(%dma_wait3A_449 : memref<128x64xbf16, #tpu.memory_space<vmem>>) dst(%dma_wait3A_455 : memref<10240x64xbf16, #tpu.memory_space<vmem_shared>>)
    %dma_wait3A_456 = arith.constant 0 : i32
    %dma_wait3A_457 = arith.constant 0 : i32
    %dma_wait3A_458 = arith.constant 0 : i32
    %dma_wait3A_459 = arith.constant 0 : i32
    %dma_wait3A_460 = tpu.memref_slice %arg10[%dma_wait3A_456, %dma_wait3A_458, %dma_wait3A_459] : memref<12x128x64xbf16, #tpu.memory_space<vmem>> -> memref<1x128x64xbf16, #tpu.memory_space<vmem>>
    %dma_wait3A_461 = tpu.memref_squeeze %dma_wait3A_460 : memref<1x128x64xbf16, #tpu.memory_space<vmem>> -> memref<128x64xbf16, #tpu.memory_space<vmem>>
    %dma_wait3A_462 = arith.constant 0 : i32
    %dma_wait3A_463 = tpu.memref_slice %arg9[%dma_wait3A_457, %dma_wait3A_462] : memref<80x128xi32, #tpu.memory_space<vmem>> -> memref<1x128xi32, #tpu.memory_space<vmem>>
    %dma_wait3A_464 = tpu.memref_squeeze %dma_wait3A_463 : memref<1x128xi32, #tpu.memory_space<vmem>> -> memref<128xi32, #tpu.memory_space<vmem>>
    %dma_wait3A_465 = arith.constant 0 : i32
    %dma_wait3A_466 = arith.constant 0 : i32
    %dma_wait3A_467 = tpu.memref_slice %arg7[%dma_wait3A_465, %dma_wait3A_466] : memref<10240x64xbf16, #tpu.memory_space<vmem_shared>> -> memref<10240x64xbf16, #tpu.memory_space<vmem_shared>>
    tpu.wait_indirect_dma semaphore(%arg12 : memref<!tpu.dma_semaphore, #tpu.memory_space<semaphore_mem>>) src(%dma_wait3A_461 : memref<128x64xbf16, #tpu.memory_space<vmem>>) dst(%dma_wait3A_467 : memref<10240x64xbf16, #tpu.memory_space<vmem_shared>>)
    %dma_wait3A_468 = arith.constant 0 : i32
    %dma_wait3A_469 = arith.constant 0 : i32
    %dma_wait3A_470 = arith.constant 0 : i32
    %dma_wait3A_471 = arith.constant 0 : i32
    %dma_wait3A_472 = tpu.memref_slice %arg10[%dma_wait3A_468, %dma_wait3A_470, %dma_wait3A_471] : memref<12x128x64xbf16, #tpu.memory_space<vmem>> -> memref<1x128x64xbf16, #tpu.memory_space<vmem>>
    %dma_wait3A_473 = tpu.memref_squeeze %dma_wait3A_472 : memref<1x128x64xbf16, #tpu.memory_space<vmem>> -> memref<128x64xbf16, #tpu.memory_space<vmem>>
    %dma_wait3A_474 = arith.constant 0 : i32
    %dma_wait3A_475 = tpu.memref_slice %arg9[%dma_wait3A_469, %dma_wait3A_474] : memref<80x128xi32, #tpu.memory_space<vmem>> -> memref<1x128xi32, #tpu.memory_space<vmem>>
    %dma_wait3A_476 = tpu.memref_squeeze %dma_wait3A_475 : memref<1x128xi32, #tpu.memory_space<vmem>> -> memref<128xi32, #tpu.memory_space<vmem>>
    %dma_wait3A_477 = arith.constant 0 : i32
    %dma_wait3A_478 = arith.constant 0 : i32
    %dma_wait3A_479 = tpu.memref_slice %arg7[%dma_wait3A_477, %dma_wait3A_478] : memref<10240x64xbf16, #tpu.memory_space<vmem_shared>> -> memref<10240x64xbf16, #tpu.memory_space<vmem_shared>>
    tpu.wait_indirect_dma semaphore(%arg12 : memref<!tpu.dma_semaphore, #tpu.memory_space<semaphore_mem>>) src(%dma_wait3A_473 : memref<128x64xbf16, #tpu.memory_space<vmem>>) dst(%dma_wait3A_479 : memref<10240x64xbf16, #tpu.memory_space<vmem_shared>>)
    %dma_wait3A_480 = arith.constant 0 : i32
    %dma_wait3A_481 = arith.constant 0 : i32
    %dma_wait3A_482 = arith.constant 0 : i32
    %dma_wait3A_483 = arith.constant 0 : i32
    %dma_wait3A_484 = tpu.memref_slice %arg10[%dma_wait3A_480, %dma_wait3A_482, %dma_wait3A_483] : memref<12x128x64xbf16, #tpu.memory_space<vmem>> -> memref<1x128x64xbf16, #tpu.memory_space<vmem>>
    %dma_wait3A_485 = tpu.memref_squeeze %dma_wait3A_484 : memref<1x128x64xbf16, #tpu.memory_space<vmem>> -> memref<128x64xbf16, #tpu.memory_space<vmem>>
    %dma_wait3A_486 = arith.constant 0 : i32
    %dma_wait3A_487 = tpu.memref_slice %arg9[%dma_wait3A_481, %dma_wait3A_486] : memref<80x128xi32, #tpu.memory_space<vmem>> -> memref<1x128xi32, #tpu.memory_space<vmem>>
    %dma_wait3A_488 = tpu.memref_squeeze %dma_wait3A_487 : memref<1x128xi32, #tpu.memory_space<vmem>> -> memref<128xi32, #tpu.memory_space<vmem>>
    %dma_wait3A_489 = arith.constant 0 : i32
    %dma_wait3A_490 = arith.constant 0 : i32
    %dma_wait3A_491 = tpu.memref_slice %arg7[%dma_wait3A_489, %dma_wait3A_490] : memref<10240x64xbf16, #tpu.memory_space<vmem_shared>> -> memref<10240x64xbf16, #tpu.memory_space<vmem_shared>>
    tpu.wait_indirect_dma semaphore(%arg12 : memref<!tpu.dma_semaphore, #tpu.memory_space<semaphore_mem>>) src(%dma_wait3A_485 : memref<128x64xbf16, #tpu.memory_space<vmem>>) dst(%dma_wait3A_491 : memref<10240x64xbf16, #tpu.memory_space<vmem_shared>>)
    %dma_wait3A_492 = arith.constant 0 : i32
    %dma_wait3A_493 = arith.constant 0 : i32
    %dma_wait3A_494 = arith.constant 0 : i32
    %dma_wait3A_495 = arith.constant 0 : i32
    %dma_wait3A_496 = tpu.memref_slice %arg10[%dma_wait3A_492, %dma_wait3A_494, %dma_wait3A_495] : memref<12x128x64xbf16, #tpu.memory_space<vmem>> -> memref<1x128x64xbf16, #tpu.memory_space<vmem>>
    %dma_wait3A_497 = tpu.memref_squeeze %dma_wait3A_496 : memref<1x128x64xbf16, #tpu.memory_space<vmem>> -> memref<128x64xbf16, #tpu.memory_space<vmem>>
    %dma_wait3A_498 = arith.constant 0 : i32
    %dma_wait3A_499 = tpu.memref_slice %arg9[%dma_wait3A_493, %dma_wait3A_498] : memref<80x128xi32, #tpu.memory_space<vmem>> -> memref<1x128xi32, #tpu.memory_space<vmem>>
    %dma_wait3A_500 = tpu.memref_squeeze %dma_wait3A_499 : memref<1x128xi32, #tpu.memory_space<vmem>> -> memref<128xi32, #tpu.memory_space<vmem>>
    %dma_wait3A_501 = arith.constant 0 : i32
    %dma_wait3A_502 = arith.constant 0 : i32
    %dma_wait3A_503 = tpu.memref_slice %arg7[%dma_wait3A_501, %dma_wait3A_502] : memref<10240x64xbf16, #tpu.memory_space<vmem_shared>> -> memref<10240x64xbf16, #tpu.memory_space<vmem_shared>>
    tpu.wait_indirect_dma semaphore(%arg12 : memref<!tpu.dma_semaphore, #tpu.memory_space<semaphore_mem>>) src(%dma_wait3A_497 : memref<128x64xbf16, #tpu.memory_space<vmem>>) dst(%dma_wait3A_503 : memref<10240x64xbf16, #tpu.memory_space<vmem_shared>>)
    %dma_wait3A_504 = arith.constant 0 : i32
    %dma_wait3A_505 = arith.constant 0 : i32
    %dma_wait3A_506 = arith.constant 0 : i32
    %dma_wait3A_507 = arith.constant 0 : i32
    %dma_wait3A_508 = tpu.memref_slice %arg10[%dma_wait3A_504, %dma_wait3A_506, %dma_wait3A_507] : memref<12x128x64xbf16, #tpu.memory_space<vmem>> -> memref<1x128x64xbf16, #tpu.memory_space<vmem>>
    %dma_wait3A_509 = tpu.memref_squeeze %dma_wait3A_508 : memref<1x128x64xbf16, #tpu.memory_space<vmem>> -> memref<128x64xbf16, #tpu.memory_space<vmem>>
    %dma_wait3A_510 = arith.constant 0 : i32
    %dma_wait3A_511 = tpu.memref_slice %arg9[%dma_wait3A_505, %dma_wait3A_510] : memref<80x128xi32, #tpu.memory_space<vmem>> -> memref<1x128xi32, #tpu.memory_space<vmem>>
    %dma_wait3A_512 = tpu.memref_squeeze %dma_wait3A_511 : memref<1x128xi32, #tpu.memory_space<vmem>> -> memref<128xi32, #tpu.memory_space<vmem>>
    %dma_wait3A_513 = arith.constant 0 : i32
    %dma_wait3A_514 = arith.constant 0 : i32
    %dma_wait3A_515 = tpu.memref_slice %arg7[%dma_wait3A_513, %dma_wait3A_514] : memref<10240x64xbf16, #tpu.memory_space<vmem_shared>> -> memref<10240x64xbf16, #tpu.memory_space<vmem_shared>>
    tpu.wait_indirect_dma semaphore(%arg12 : memref<!tpu.dma_semaphore, #tpu.memory_space<semaphore_mem>>) src(%dma_wait3A_509 : memref<128x64xbf16, #tpu.memory_space<vmem>>) dst(%dma_wait3A_515 : memref<10240x64xbf16, #tpu.memory_space<vmem_shared>>)
    %dma_wait3A_516 = arith.constant 0 : i32
    %dma_wait3A_517 = arith.constant 0 : i32
    %dma_wait3A_518 = arith.constant 0 : i32
    %dma_wait3A_519 = arith.constant 0 : i32
    %dma_wait3A_520 = tpu.memref_slice %arg10[%dma_wait3A_516, %dma_wait3A_518, %dma_wait3A_519] : memref<12x128x64xbf16, #tpu.memory_space<vmem>> -> memref<1x128x64xbf16, #tpu.memory_space<vmem>>
    %dma_wait3A_521 = tpu.memref_squeeze %dma_wait3A_520 : memref<1x128x64xbf16, #tpu.memory_space<vmem>> -> memref<128x64xbf16, #tpu.memory_space<vmem>>
    %dma_wait3A_522 = arith.constant 0 : i32
    %dma_wait3A_523 = tpu.memref_slice %arg9[%dma_wait3A_517, %dma_wait3A_522] : memref<80x128xi32, #tpu.memory_space<vmem>> -> memref<1x128xi32, #tpu.memory_space<vmem>>
    %dma_wait3A_524 = tpu.memref_squeeze %dma_wait3A_523 : memref<1x128xi32, #tpu.memory_space<vmem>> -> memref<128xi32, #tpu.memory_space<vmem>>
    %dma_wait3A_525 = arith.constant 0 : i32
    %dma_wait3A_526 = arith.constant 0 : i32
    %dma_wait3A_527 = tpu.memref_slice %arg7[%dma_wait3A_525, %dma_wait3A_526] : memref<10240x64xbf16, #tpu.memory_space<vmem_shared>> -> memref<10240x64xbf16, #tpu.memory_space<vmem_shared>>
    tpu.wait_indirect_dma semaphore(%arg12 : memref<!tpu.dma_semaphore, #tpu.memory_space<semaphore_mem>>) src(%dma_wait3A_521 : memref<128x64xbf16, #tpu.memory_space<vmem>>) dst(%dma_wait3A_527 : memref<10240x64xbf16, #tpu.memory_space<vmem_shared>>)
    %dma_wait3A_528 = arith.constant 0 : i32
    %dma_wait3A_529 = arith.constant 0 : i32
    %dma_wait3A_530 = arith.constant 0 : i32
    %dma_wait3A_531 = arith.constant 0 : i32
    %dma_wait3A_532 = tpu.memref_slice %arg10[%dma_wait3A_528, %dma_wait3A_530, %dma_wait3A_531] : memref<12x128x64xbf16, #tpu.memory_space<vmem>> -> memref<1x128x64xbf16, #tpu.memory_space<vmem>>
    %dma_wait3A_533 = tpu.memref_squeeze %dma_wait3A_532 : memref<1x128x64xbf16, #tpu.memory_space<vmem>> -> memref<128x64xbf16, #tpu.memory_space<vmem>>
    %dma_wait3A_534 = arith.constant 0 : i32
    %dma_wait3A_535 = tpu.memref_slice %arg9[%dma_wait3A_529, %dma_wait3A_534] : memref<80x128xi32, #tpu.memory_space<vmem>> -> memref<1x128xi32, #tpu.memory_space<vmem>>
    %dma_wait3A_536 = tpu.memref_squeeze %dma_wait3A_535 : memref<1x128xi32, #tpu.memory_space<vmem>> -> memref<128xi32, #tpu.memory_space<vmem>>
    %dma_wait3A_537 = arith.constant 0 : i32
    %dma_wait3A_538 = arith.constant 0 : i32
    %dma_wait3A_539 = tpu.memref_slice %arg7[%dma_wait3A_537, %dma_wait3A_538] : memref<10240x64xbf16, #tpu.memory_space<vmem_shared>> -> memref<10240x64xbf16, #tpu.memory_space<vmem_shared>>
    tpu.wait_indirect_dma semaphore(%arg12 : memref<!tpu.dma_semaphore, #tpu.memory_space<semaphore_mem>>) src(%dma_wait3A_533 : memref<128x64xbf16, #tpu.memory_space<vmem>>) dst(%dma_wait3A_539 : memref<10240x64xbf16, #tpu.memory_space<vmem_shared>>)
    %dma_wait3A_540 = arith.constant 0 : i32
    %dma_wait3A_541 = arith.constant 0 : i32
    %dma_wait3A_542 = arith.constant 0 : i32
    %dma_wait3A_543 = arith.constant 0 : i32
    %dma_wait3A_544 = tpu.memref_slice %arg10[%dma_wait3A_540, %dma_wait3A_542, %dma_wait3A_543] : memref<12x128x64xbf16, #tpu.memory_space<vmem>> -> memref<1x128x64xbf16, #tpu.memory_space<vmem>>
    %dma_wait3A_545 = tpu.memref_squeeze %dma_wait3A_544 : memref<1x128x64xbf16, #tpu.memory_space<vmem>> -> memref<128x64xbf16, #tpu.memory_space<vmem>>
    %dma_wait3A_546 = arith.constant 0 : i32
    %dma_wait3A_547 = tpu.memref_slice %arg9[%dma_wait3A_541, %dma_wait3A_546] : memref<80x128xi32, #tpu.memory_space<vmem>> -> memref<1x128xi32, #tpu.memory_space<vmem>>
    %dma_wait3A_548 = tpu.memref_squeeze %dma_wait3A_547 : memref<1x128xi32, #tpu.memory_space<vmem>> -> memref<128xi32, #tpu.memory_space<vmem>>
    %dma_wait3A_549 = arith.constant 0 : i32
    %dma_wait3A_550 = arith.constant 0 : i32
    %dma_wait3A_551 = tpu.memref_slice %arg7[%dma_wait3A_549, %dma_wait3A_550] : memref<10240x64xbf16, #tpu.memory_space<vmem_shared>> -> memref<10240x64xbf16, #tpu.memory_space<vmem_shared>>
    tpu.wait_indirect_dma semaphore(%arg12 : memref<!tpu.dma_semaphore, #tpu.memory_space<semaphore_mem>>) src(%dma_wait3A_545 : memref<128x64xbf16, #tpu.memory_space<vmem>>) dst(%dma_wait3A_551 : memref<10240x64xbf16, #tpu.memory_space<vmem_shared>>)
    %dma_wait3A_552 = arith.constant 0 : i32
    %dma_wait3A_553 = arith.constant 0 : i32
    %dma_wait3A_554 = arith.constant 0 : i32
    %dma_wait3A_555 = arith.constant 0 : i32
    %dma_wait3A_556 = tpu.memref_slice %arg10[%dma_wait3A_552, %dma_wait3A_554, %dma_wait3A_555] : memref<12x128x64xbf16, #tpu.memory_space<vmem>> -> memref<1x128x64xbf16, #tpu.memory_space<vmem>>
    %dma_wait3A_557 = tpu.memref_squeeze %dma_wait3A_556 : memref<1x128x64xbf16, #tpu.memory_space<vmem>> -> memref<128x64xbf16, #tpu.memory_space<vmem>>
    %dma_wait3A_558 = arith.constant 0 : i32
    %dma_wait3A_559 = tpu.memref_slice %arg9[%dma_wait3A_553, %dma_wait3A_558] : memref<80x128xi32, #tpu.memory_space<vmem>> -> memref<1x128xi32, #tpu.memory_space<vmem>>
    %dma_wait3A_560 = tpu.memref_squeeze %dma_wait3A_559 : memref<1x128xi32, #tpu.memory_space<vmem>> -> memref<128xi32, #tpu.memory_space<vmem>>
    %dma_wait3A_561 = arith.constant 0 : i32
    %dma_wait3A_562 = arith.constant 0 : i32
    %dma_wait3A_563 = tpu.memref_slice %arg7[%dma_wait3A_561, %dma_wait3A_562] : memref<10240x64xbf16, #tpu.memory_space<vmem_shared>> -> memref<10240x64xbf16, #tpu.memory_space<vmem_shared>>
    tpu.wait_indirect_dma semaphore(%arg12 : memref<!tpu.dma_semaphore, #tpu.memory_space<semaphore_mem>>) src(%dma_wait3A_557 : memref<128x64xbf16, #tpu.memory_space<vmem>>) dst(%dma_wait3A_563 : memref<10240x64xbf16, #tpu.memory_space<vmem_shared>>)
    %dma_wait3A_564 = arith.constant 0 : i32
    %dma_wait3A_565 = arith.constant 0 : i32
    %dma_wait3A_566 = arith.constant 0 : i32
    %dma_wait3A_567 = arith.constant 0 : i32
    %dma_wait3A_568 = tpu.memref_slice %arg10[%dma_wait3A_564, %dma_wait3A_566, %dma_wait3A_567] : memref<12x128x64xbf16, #tpu.memory_space<vmem>> -> memref<1x128x64xbf16, #tpu.memory_space<vmem>>
    %dma_wait3A_569 = tpu.memref_squeeze %dma_wait3A_568 : memref<1x128x64xbf16, #tpu.memory_space<vmem>> -> memref<128x64xbf16, #tpu.memory_space<vmem>>
    %dma_wait3A_570 = arith.constant 0 : i32
    %dma_wait3A_571 = tpu.memref_slice %arg9[%dma_wait3A_565, %dma_wait3A_570] : memref<80x128xi32, #tpu.memory_space<vmem>> -> memref<1x128xi32, #tpu.memory_space<vmem>>
    %dma_wait3A_572 = tpu.memref_squeeze %dma_wait3A_571 : memref<1x128xi32, #tpu.memory_space<vmem>> -> memref<128xi32, #tpu.memory_space<vmem>>
    %dma_wait3A_573 = arith.constant 0 : i32
    %dma_wait3A_574 = arith.constant 0 : i32
    %dma_wait3A_575 = tpu.memref_slice %arg7[%dma_wait3A_573, %dma_wait3A_574] : memref<10240x64xbf16, #tpu.memory_space<vmem_shared>> -> memref<10240x64xbf16, #tpu.memory_space<vmem_shared>>
    tpu.wait_indirect_dma semaphore(%arg12 : memref<!tpu.dma_semaphore, #tpu.memory_space<semaphore_mem>>) src(%dma_wait3A_569 : memref<128x64xbf16, #tpu.memory_space<vmem>>) dst(%dma_wait3A_575 : memref<10240x64xbf16, #tpu.memory_space<vmem_shared>>)
    %dma_wait3A_576 = arith.constant 0 : i32
    %dma_wait3A_577 = arith.constant 0 : i32
    %dma_wait3A_578 = arith.constant 0 : i32
    %dma_wait3A_579 = arith.constant 0 : i32
    %dma_wait3A_580 = tpu.memref_slice %arg10[%dma_wait3A_576, %dma_wait3A_578, %dma_wait3A_579] : memref<12x128x64xbf16, #tpu.memory_space<vmem>> -> memref<1x128x64xbf16, #tpu.memory_space<vmem>>
    %dma_wait3A_581 = tpu.memref_squeeze %dma_wait3A_580 : memref<1x128x64xbf16, #tpu.memory_space<vmem>> -> memref<128x64xbf16, #tpu.memory_space<vmem>>
    %dma_wait3A_582 = arith.constant 0 : i32
    %dma_wait3A_583 = tpu.memref_slice %arg9[%dma_wait3A_577, %dma_wait3A_582] : memref<80x128xi32, #tpu.memory_space<vmem>> -> memref<1x128xi32, #tpu.memory_space<vmem>>
    %dma_wait3A_584 = tpu.memref_squeeze %dma_wait3A_583 : memref<1x128xi32, #tpu.memory_space<vmem>> -> memref<128xi32, #tpu.memory_space<vmem>>
    %dma_wait3A_585 = arith.constant 0 : i32
    %dma_wait3A_586 = arith.constant 0 : i32
    %dma_wait3A_587 = tpu.memref_slice %arg7[%dma_wait3A_585, %dma_wait3A_586] : memref<10240x64xbf16, #tpu.memory_space<vmem_shared>> -> memref<10240x64xbf16, #tpu.memory_space<vmem_shared>>
    tpu.wait_indirect_dma semaphore(%arg12 : memref<!tpu.dma_semaphore, #tpu.memory_space<semaphore_mem>>) src(%dma_wait3A_581 : memref<128x64xbf16, #tpu.memory_space<vmem>>) dst(%dma_wait3A_587 : memref<10240x64xbf16, #tpu.memory_space<vmem_shared>>)
    %barrier3A_588 = arith.constant 0 : index
    tpu.barrier barrier_id(%barrier3A_588)
    %mul3A_589 = arith.constant 640 : i32
    %mul3A_590 = arith.muli %arg1, %mul3A_589 : i32
    %mul3A_591 = arith.constant 640 : i32
    %mul3A_592 = arith.muli %arg1, %mul3A_591 : i32
    "tpu.region"() ({
      %run_scoped3A = tpu.sem_alloc : memref<!tpu.dma_semaphore, #tpu.memory_space<semaphore_mem>>
      %dma_start3A_593 = arith.constant 0 : i32
      %dma_start3A_594 = tpu.memref_slice %arg6[%arg0, %mul3A_592, %dma_start3A_593] : memref<2x10240x64xbf16, #tpu.memory_space<hbm>> -> memref<1x640x64xbf16, #tpu.memory_space<hbm>>
      %dma_start3A_595 = tpu.memref_squeeze %dma_start3A_594 : memref<1x640x64xbf16, #tpu.memory_space<hbm>> -> memref<640x64xbf16, #tpu.memory_space<hbm>>
      %dma_start3A_596 = arith.constant 0 : i32
      %dma_start3A_597 = tpu.memref_slice %arg7[%mul3A_590, %dma_start3A_596] : memref<10240x64xbf16, #tpu.memory_space<vmem_shared>> -> memref<640x64xbf16, #tpu.memory_space<vmem_shared>>
      tpu.enqueue_dma source(%dma_start3A_597 : memref<640x64xbf16, #tpu.memory_space<vmem_shared>>) target(%dma_start3A_595 : memref<640x64xbf16, #tpu.memory_space<hbm>>) target_semaphore(%run_scoped3A : memref<!tpu.dma_semaphore, #tpu.memory_space<semaphore_mem>>)
      %dma_wait3A_598 = arith.constant 0 : i32
      %dma_wait3A_599 = tpu.memref_slice %arg6[%arg0, %mul3A_592, %dma_wait3A_598] : memref<2x10240x64xbf16, #tpu.memory_space<hbm>> -> memref<1x640x64xbf16, #tpu.memory_space<hbm>>
      %dma_wait3A_600 = tpu.memref_squeeze %dma_wait3A_599 : memref<1x640x64xbf16, #tpu.memory_space<hbm>> -> memref<640x64xbf16, #tpu.memory_space<hbm>>
      %dma_wait3A_601 = arith.constant 0 : i32
      %dma_wait3A_602 = tpu.memref_slice %arg7[%mul3A_590, %dma_wait3A_601] : memref<10240x64xbf16, #tpu.memory_space<vmem_shared>> -> memref<640x64xbf16, #tpu.memory_space<vmem_shared>>
      tpu.wait_dma2 semaphore(%run_scoped3A : memref<!tpu.dma_semaphore, #tpu.memory_space<semaphore_mem>>) src(%dma_wait3A_602 : memref<640x64xbf16, #tpu.memory_space<vmem_shared>>) dst(%dma_wait3A_600 : memref<640x64xbf16, #tpu.memory_space<hbm>>)
      tpu.yield
    }) : () -> ()
    return
  }
}

#map = affine_map<(d0, d1) -> (0, 0)>
#map1 = affine_map<(d0, d1) -> (0, 0, 0)>
module attributes {stable_mosaic.version = 14 : i64} {
  func.func @_seg_body(%arg0: i32, %arg1: i32, %arg2: memref<10240x64xbf16, #tpu.memory_space<hbm>>, %arg3: memref<2560x128xi32, #tpu.memory_space<hbm>>, %arg4: memref<2560x128xi32, #tpu.memory_space<hbm>>, %arg5: memref<10240x64xbf16, #tpu.memory_space<hbm>>, %arg6: memref<2x10240x64xbf16, #tpu.memory_space<hbm>>, %arg7: memref<10240x64xbf16, #tpu.memory_space<vmem_shared>>, %arg8: memref<80x128xi32, #tpu.memory_space<vmem>>, %arg9: memref<80x128xi32, #tpu.memory_space<vmem>>, %arg10: memref<12x128x64xbf16, #tpu.memory_space<vmem>>, %arg11: memref<!tpu.dma_semaphore, #tpu.memory_space<semaphore_mem>>, %arg12: memref<!tpu.dma_semaphore, #tpu.memory_space<semaphore_mem>>) attributes {dimension_semantics = [#tpu.dimension_semantics<core_parallel>, #tpu.dimension_semantics<subcore_parallel>], iteration_bounds = array<i64: 2, 16>, scalar_prefetch = 0 : i64, scratch_operands = 6 : i64, tpu.core_type = #tpu.core_type<sc_vector_subcore>, window_params = [{transform_indices = #map}, {transform_indices = #map}, {transform_indices = #map}, {transform_indices = #map}, {transform_indices = #map1}]} {
    %mul3A = arith.constant 16 : i32
    %mul3A_0 = arith.muli %arg0, %mul3A : i32
    %add3A = arith.addi %mul3A_0, %arg1 : i32
    %mul3A_1 = arith.constant 80 : i32
    %mul3A_2 = arith.muli %add3A, %mul3A_1 : i32
    "tpu.region"() ({
      %run_scoped3A = tpu.sem_alloc : memref<!tpu.dma_semaphore, #tpu.memory_space<semaphore_mem>>
      %dma_start3A_593 = arith.constant 0 : i32
      %dma_start3A_594 = tpu.memref_slice %arg3[%mul3A_2, %dma_start3A_593] : memref<2560x128xi32, #tpu.memory_space<hbm>> -> memref<80x128xi32, #tpu.memory_space<hbm>>
      %dma_start3A_595 = arith.constant 0 : i32
      %dma_start3A_596 = tpu.memref_slice %arg3[%mul3A_2, %dma_start3A_595] : memref<2560x128xi32, #tpu.memory_space<hbm>> -> memref<80x128xi32, #tpu.memory_space<hbm>>
      tpu.enqueue_dma source(%dma_start3A_596 : memref<80x128xi32, #tpu.memory_space<hbm>>) target(%arg8 : memref<80x128xi32, #tpu.memory_space<vmem>>) target_semaphore(%run_scoped3A : memref<!tpu.dma_semaphore, #tpu.memory_space<semaphore_mem>>)
      %dma_wait3A_597 = arith.constant 0 : i32
      %dma_wait3A_598 = tpu.memref_slice %arg3[%mul3A_2, %dma_wait3A_597] : memref<2560x128xi32, #tpu.memory_space<hbm>> -> memref<80x128xi32, #tpu.memory_space<hbm>>
      %dma_wait3A_599 = arith.constant 0 : i32
      %dma_wait3A_600 = tpu.memref_slice %arg3[%mul3A_2, %dma_wait3A_599] : memref<2560x128xi32, #tpu.memory_space<hbm>> -> memref<80x128xi32, #tpu.memory_space<hbm>>
      tpu.wait_dma2 semaphore(%run_scoped3A : memref<!tpu.dma_semaphore, #tpu.memory_space<semaphore_mem>>) src(%dma_wait3A_600 : memref<80x128xi32, #tpu.memory_space<hbm>>) dst(%arg8 : memref<80x128xi32, #tpu.memory_space<vmem>>)
      tpu.yield
    }) : () -> ()
    %mul3A_3 = arith.constant 80 : i32
    %mul3A_4 = arith.muli %add3A, %mul3A_3 : i32
    "tpu.region"() ({
      %run_scoped3A = tpu.sem_alloc : memref<!tpu.dma_semaphore, #tpu.memory_space<semaphore_mem>>
      %dma_start3A_593 = arith.constant 0 : i32
      %dma_start3A_594 = tpu.memref_slice %arg4[%mul3A_4, %dma_start3A_593] : memref<2560x128xi32, #tpu.memory_space<hbm>> -> memref<80x128xi32, #tpu.memory_space<hbm>>
      %dma_start3A_595 = arith.constant 0 : i32
      %dma_start3A_596 = tpu.memref_slice %arg4[%mul3A_4, %dma_start3A_595] : memref<2560x128xi32, #tpu.memory_space<hbm>> -> memref<80x128xi32, #tpu.memory_space<hbm>>
      tpu.enqueue_dma source(%dma_start3A_596 : memref<80x128xi32, #tpu.memory_space<hbm>>) target(%arg9 : memref<80x128xi32, #tpu.memory_space<vmem>>) target_semaphore(%run_scoped3A : memref<!tpu.dma_semaphore, #tpu.memory_space<semaphore_mem>>)
      %dma_wait3A_597 = arith.constant 0 : i32
      %dma_wait3A_598 = tpu.memref_slice %arg4[%mul3A_4, %dma_wait3A_597] : memref<2560x128xi32, #tpu.memory_space<hbm>> -> memref<80x128xi32, #tpu.memory_space<hbm>>
      %dma_wait3A_599 = arith.constant 0 : i32
      %dma_wait3A_600 = tpu.memref_slice %arg4[%mul3A_4, %dma_wait3A_599] : memref<2560x128xi32, #tpu.memory_space<hbm>> -> memref<80x128xi32, #tpu.memory_space<hbm>>
      tpu.wait_dma2 semaphore(%run_scoped3A : memref<!tpu.dma_semaphore, #tpu.memory_space<semaphore_mem>>) src(%dma_wait3A_600 : memref<80x128xi32, #tpu.memory_space<hbm>>) dst(%arg9 : memref<80x128xi32, #tpu.memory_space<vmem>>)
      tpu.yield
    }) : () -> ()
    %mul3A_5 = arith.constant 640 : i32
    %mul3A_6 = arith.muli %arg1, %mul3A_5 : i32
    %mul3A_7 = arith.constant 640 : i32
    %mul3A_8 = arith.muli %arg1, %mul3A_7 : i32
    "tpu.region"() ({
      %run_scoped3A = tpu.sem_alloc : memref<!tpu.dma_semaphore, #tpu.memory_space<semaphore_mem>>
      %dma_start3A_593 = arith.constant 0 : i32
      %dma_start3A_594 = tpu.memref_slice %arg7[%mul3A_8, %dma_start3A_593] : memref<10240x64xbf16, #tpu.memory_space<vmem_shared>> -> memref<640x64xbf16, #tpu.memory_space<vmem_shared>>
      %dma_start3A_595 = arith.constant 0 : i32
      %dma_start3A_596 = tpu.memref_slice %arg5[%mul3A_6, %dma_start3A_595] : memref<10240x64xbf16, #tpu.memory_space<hbm>> -> memref<640x64xbf16, #tpu.memory_space<hbm>>
      tpu.enqueue_dma source(%dma_start3A_596 : memref<640x64xbf16, #tpu.memory_space<hbm>>) target(%dma_start3A_594 : memref<640x64xbf16, #tpu.memory_space<vmem_shared>>) target_semaphore(%run_scoped3A : memref<!tpu.dma_semaphore, #tpu.memory_space<semaphore_mem>>)
      %dma_wait3A_597 = arith.constant 0 : i32
      %dma_wait3A_598 = tpu.memref_slice %arg7[%mul3A_8, %dma_wait3A_597] : memref<10240x64xbf16, #tpu.memory_space<vmem_shared>> -> memref<640x64xbf16, #tpu.memory_space<vmem_shared>>
      %dma_wait3A_599 = arith.constant 0 : i32
      %dma_wait3A_600 = tpu.memref_slice %arg5[%mul3A_6, %dma_wait3A_599] : memref<10240x64xbf16, #tpu.memory_space<hbm>> -> memref<640x64xbf16, #tpu.memory_space<hbm>>
      tpu.wait_dma2 semaphore(%run_scoped3A : memref<!tpu.dma_semaphore, #tpu.memory_space<semaphore_mem>>) src(%dma_wait3A_600 : memref<640x64xbf16, #tpu.memory_space<hbm>>) dst(%dma_wait3A_598 : memref<640x64xbf16, #tpu.memory_space<vmem_shared>>)
      tpu.yield
    }) : () -> ()
    %barrier3A = arith.constant 0 : index
    tpu.barrier barrier_id(%barrier3A)
    %dma_start3A = arith.constant 0 : i32
    %dma_start3A_9 = arith.constant 0 : i32
    %dma_start3A_10 = arith.constant 0 : i32
    %dma_start3A_11 = arith.constant 0 : i32
    %dma_start3A_12 = tpu.memref_slice %arg10[%dma_start3A_9, %dma_start3A_10, %dma_start3A_11] : memref<12x128x64xbf16, #tpu.memory_space<vmem>> -> memref<1x128x64xbf16, #tpu.memory_space<vmem>>
    %dma_start3A_13 = tpu.memref_squeeze %dma_start3A_12 : memref<1x128x64xbf16, #tpu.memory_space<vmem>> -> memref<128x64xbf16, #tpu.memory_space<vmem>>
    %dma_start3A_14 = arith.constant 0 : i32
    %dma_start3A_15 = tpu.memref_slice %arg8[%dma_start3A, %dma_start3A_14] : memref<80x128xi32, #tpu.memory_space<vmem>> -> memref<1x128xi32, #tpu.memory_space<vmem>>
    %dma_start3A_16 = tpu.memref_squeeze %dma_start3A_15 : memref<1x128xi32, #tpu.memory_space<vmem>> -> memref<128xi32, #tpu.memory_space<vmem>>
    %dma_start3A_17 = arith.constant 0 : i32
    %dma_start3A_18 = arith.constant 0 : i32
    %dma_start3A_19 = tpu.memref_slice %arg2[%dma_start3A_17, %dma_start3A_18] : memref<10240x64xbf16, #tpu.memory_space<hbm>> -> memref<10240x64xbf16, #tpu.memory_space<hbm>>
    tpu.enqueue_indirect_dma source(%dma_start3A_19 : memref<10240x64xbf16, #tpu.memory_space<hbm>>) target(%dma_start3A_13 : memref<128x64xbf16, #tpu.memory_space<vmem>>) offsets(%dma_start3A_16 : memref<128xi32, #tpu.memory_space<vmem>>) semaphore(%arg11 : memref<!tpu.dma_semaphore, #tpu.memory_space<semaphore_mem>>)
    %dma_start3A_20 = arith.constant 1 : i32
    %dma_start3A_21 = arith.constant 1 : i32
    %dma_start3A_22 = arith.constant 0 : i32
    %dma_start3A_23 = arith.constant 0 : i32
    %dma_start3A_24 = tpu.memref_slice %arg10[%dma_start3A_21, %dma_start3A_22, %dma_start3A_23] : memref<12x128x64xbf16, #tpu.memory_space<vmem>> -> memref<1x128x64xbf16, #tpu.memory_space<vmem>>
    %dma_start3A_25 = tpu.memref_squeeze %dma_start3A_24 : memref<1x128x64xbf16, #tpu.memory_space<vmem>> -> memref<128x64xbf16, #tpu.memory_space<vmem>>
    %dma_start3A_26 = arith.constant 0 : i32
    %dma_start3A_27 = tpu.memref_slice %arg8[%dma_start3A_20, %dma_start3A_26] : memref<80x128xi32, #tpu.memory_space<vmem>> -> memref<1x128xi32, #tpu.memory_space<vmem>>
    %dma_start3A_28 = tpu.memref_squeeze %dma_start3A_27 : memref<1x128xi32, #tpu.memory_space<vmem>> -> memref<128xi32, #tpu.memory_space<vmem>>
    %dma_start3A_29 = arith.constant 0 : i32
    %dma_start3A_30 = arith.constant 0 : i32
    %dma_start3A_31 = tpu.memref_slice %arg2[%dma_start3A_29, %dma_start3A_30] : memref<10240x64xbf16, #tpu.memory_space<hbm>> -> memref<10240x64xbf16, #tpu.memory_space<hbm>>
    tpu.enqueue_indirect_dma source(%dma_start3A_31 : memref<10240x64xbf16, #tpu.memory_space<hbm>>) target(%dma_start3A_25 : memref<128x64xbf16, #tpu.memory_space<vmem>>) offsets(%dma_start3A_28 : memref<128xi32, #tpu.memory_space<vmem>>) semaphore(%arg11 : memref<!tpu.dma_semaphore, #tpu.memory_space<semaphore_mem>>)
    %dma_start3A_32 = arith.constant 2 : i32
    %dma_start3A_33 = arith.constant 2 : i32
    %dma_start3A_34 = arith.constant 0 : i32
    %dma_start3A_35 = arith.constant 0 : i32
    %dma_start3A_36 = tpu.memref_slice %arg10[%dma_start3A_33, %dma_start3A_34, %dma_start3A_35] : memref<12x128x64xbf16, #tpu.memory_space<vmem>> -> memref<1x128x64xbf16, #tpu.memory_space<vmem>>
    %dma_start3A_37 = tpu.memref_squeeze %dma_start3A_36 : memref<1x128x64xbf16, #tpu.memory_space<vmem>> -> memref<128x64xbf16, #tpu.memory_space<vmem>>
    %dma_start3A_38 = arith.constant 0 : i32
    %dma_start3A_39 = tpu.memref_slice %arg8[%dma_start3A_32, %dma_start3A_38] : memref<80x128xi32, #tpu.memory_space<vmem>> -> memref<1x128xi32, #tpu.memory_space<vmem>>
    %dma_start3A_40 = tpu.memref_squeeze %dma_start3A_39 : memref<1x128xi32, #tpu.memory_space<vmem>> -> memref<128xi32, #tpu.memory_space<vmem>>
    %dma_start3A_41 = arith.constant 0 : i32
    %dma_start3A_42 = arith.constant 0 : i32
    %dma_start3A_43 = tpu.memref_slice %arg2[%dma_start3A_41, %dma_start3A_42] : memref<10240x64xbf16, #tpu.memory_space<hbm>> -> memref<10240x64xbf16, #tpu.memory_space<hbm>>
    tpu.enqueue_indirect_dma source(%dma_start3A_43 : memref<10240x64xbf16, #tpu.memory_space<hbm>>) target(%dma_start3A_37 : memref<128x64xbf16, #tpu.memory_space<vmem>>) offsets(%dma_start3A_40 : memref<128xi32, #tpu.memory_space<vmem>>) semaphore(%arg11 : memref<!tpu.dma_semaphore, #tpu.memory_space<semaphore_mem>>)
    %dma_start3A_44 = arith.constant 3 : i32
    %dma_start3A_45 = arith.constant 3 : i32
    %dma_start3A_46 = arith.constant 0 : i32
    %dma_start3A_47 = arith.constant 0 : i32
    %dma_start3A_48 = tpu.memref_slice %arg10[%dma_start3A_45, %dma_start3A_46, %dma_start3A_47] : memref<12x128x64xbf16, #tpu.memory_space<vmem>> -> memref<1x128x64xbf16, #tpu.memory_space<vmem>>
    %dma_start3A_49 = tpu.memref_squeeze %dma_start3A_48 : memref<1x128x64xbf16, #tpu.memory_space<vmem>> -> memref<128x64xbf16, #tpu.memory_space<vmem>>
    %dma_start3A_50 = arith.constant 0 : i32
    %dma_start3A_51 = tpu.memref_slice %arg8[%dma_start3A_44, %dma_start3A_50] : memref<80x128xi32, #tpu.memory_space<vmem>> -> memref<1x128xi32, #tpu.memory_space<vmem>>
    %dma_start3A_52 = tpu.memref_squeeze %dma_start3A_51 : memref<1x128xi32, #tpu.memory_space<vmem>> -> memref<128xi32, #tpu.memory_space<vmem>>
    %dma_start3A_53 = arith.constant 0 : i32
    %dma_start3A_54 = arith.constant 0 : i32
    %dma_start3A_55 = tpu.memref_slice %arg2[%dma_start3A_53, %dma_start3A_54] : memref<10240x64xbf16, #tpu.memory_space<hbm>> -> memref<10240x64xbf16, #tpu.memory_space<hbm>>
    tpu.enqueue_indirect_dma source(%dma_start3A_55 : memref<10240x64xbf16, #tpu.memory_space<hbm>>) target(%dma_start3A_49 : memref<128x64xbf16, #tpu.memory_space<vmem>>) offsets(%dma_start3A_52 : memref<128xi32, #tpu.memory_space<vmem>>) semaphore(%arg11 : memref<!tpu.dma_semaphore, #tpu.memory_space<semaphore_mem>>)
    %dma_start3A_56 = arith.constant 4 : i32
    %dma_start3A_57 = arith.constant 4 : i32
    %dma_start3A_58 = arith.constant 0 : i32
    %dma_start3A_59 = arith.constant 0 : i32
    %dma_start3A_60 = tpu.memref_slice %arg10[%dma_start3A_57, %dma_start3A_58, %dma_start3A_59] : memref<12x128x64xbf16, #tpu.memory_space<vmem>> -> memref<1x128x64xbf16, #tpu.memory_space<vmem>>
    %dma_start3A_61 = tpu.memref_squeeze %dma_start3A_60 : memref<1x128x64xbf16, #tpu.memory_space<vmem>> -> memref<128x64xbf16, #tpu.memory_space<vmem>>
    %dma_start3A_62 = arith.constant 0 : i32
    %dma_start3A_63 = tpu.memref_slice %arg8[%dma_start3A_56, %dma_start3A_62] : memref<80x128xi32, #tpu.memory_space<vmem>> -> memref<1x128xi32, #tpu.memory_space<vmem>>
    %dma_start3A_64 = tpu.memref_squeeze %dma_start3A_63 : memref<1x128xi32, #tpu.memory_space<vmem>> -> memref<128xi32, #tpu.memory_space<vmem>>
    %dma_start3A_65 = arith.constant 0 : i32
    %dma_start3A_66 = arith.constant 0 : i32
    %dma_start3A_67 = tpu.memref_slice %arg2[%dma_start3A_65, %dma_start3A_66] : memref<10240x64xbf16, #tpu.memory_space<hbm>> -> memref<10240x64xbf16, #tpu.memory_space<hbm>>
    tpu.enqueue_indirect_dma source(%dma_start3A_67 : memref<10240x64xbf16, #tpu.memory_space<hbm>>) target(%dma_start3A_61 : memref<128x64xbf16, #tpu.memory_space<vmem>>) offsets(%dma_start3A_64 : memref<128xi32, #tpu.memory_space<vmem>>) semaphore(%arg11 : memref<!tpu.dma_semaphore, #tpu.memory_space<semaphore_mem>>)
    %dma_start3A_68 = arith.constant 5 : i32
    %dma_start3A_69 = arith.constant 5 : i32
    %dma_start3A_70 = arith.constant 0 : i32
    %dma_start3A_71 = arith.constant 0 : i32
    %dma_start3A_72 = tpu.memref_slice %arg10[%dma_start3A_69, %dma_start3A_70, %dma_start3A_71] : memref<12x128x64xbf16, #tpu.memory_space<vmem>> -> memref<1x128x64xbf16, #tpu.memory_space<vmem>>
    %dma_start3A_73 = tpu.memref_squeeze %dma_start3A_72 : memref<1x128x64xbf16, #tpu.memory_space<vmem>> -> memref<128x64xbf16, #tpu.memory_space<vmem>>
    %dma_start3A_74 = arith.constant 0 : i32
    %dma_start3A_75 = tpu.memref_slice %arg8[%dma_start3A_68, %dma_start3A_74] : memref<80x128xi32, #tpu.memory_space<vmem>> -> memref<1x128xi32, #tpu.memory_space<vmem>>
    %dma_start3A_76 = tpu.memref_squeeze %dma_start3A_75 : memref<1x128xi32, #tpu.memory_space<vmem>> -> memref<128xi32, #tpu.memory_space<vmem>>
    %dma_start3A_77 = arith.constant 0 : i32
    %dma_start3A_78 = arith.constant 0 : i32
    %dma_start3A_79 = tpu.memref_slice %arg2[%dma_start3A_77, %dma_start3A_78] : memref<10240x64xbf16, #tpu.memory_space<hbm>> -> memref<10240x64xbf16, #tpu.memory_space<hbm>>
    tpu.enqueue_indirect_dma source(%dma_start3A_79 : memref<10240x64xbf16, #tpu.memory_space<hbm>>) target(%dma_start3A_73 : memref<128x64xbf16, #tpu.memory_space<vmem>>) offsets(%dma_start3A_76 : memref<128xi32, #tpu.memory_space<vmem>>) semaphore(%arg11 : memref<!tpu.dma_semaphore, #tpu.memory_space<semaphore_mem>>)
    %dma_wait3A = arith.constant 0 : i32
    %dma_wait3A_80 = arith.constant 0 : i32
    %dma_wait3A_81 = arith.constant 0 : i32
    %dma_wait3A_82 = arith.constant 0 : i32
    %dma_wait3A_83 = tpu.memref_slice %arg10[%dma_wait3A_80, %dma_wait3A_81, %dma_wait3A_82] : memref<12x128x64xbf16, #tpu.memory_space<vmem>> -> memref<1x128x64xbf16, #tpu.memory_space<vmem>>
    %dma_wait3A_84 = tpu.memref_squeeze %dma_wait3A_83 : memref<1x128x64xbf16, #tpu.memory_space<vmem>> -> memref<128x64xbf16, #tpu.memory_space<vmem>>
    %dma_wait3A_85 = arith.constant 0 : i32
    %dma_wait3A_86 = tpu.memref_slice %arg8[%dma_wait3A, %dma_wait3A_85] : memref<80x128xi32, #tpu.memory_space<vmem>> -> memref<1x128xi32, #tpu.memory_space<vmem>>
    %dma_wait3A_87 = tpu.memref_squeeze %dma_wait3A_86 : memref<1x128xi32, #tpu.memory_space<vmem>> -> memref<128xi32, #tpu.memory_space<vmem>>
    %dma_wait3A_88 = arith.constant 0 : i32
    %dma_wait3A_89 = arith.constant 0 : i32
    %dma_wait3A_90 = tpu.memref_slice %arg2[%dma_wait3A_88, %dma_wait3A_89] : memref<10240x64xbf16, #tpu.memory_space<hbm>> -> memref<10240x64xbf16, #tpu.memory_space<hbm>>
    tpu.wait_indirect_dma semaphore(%arg11 : memref<!tpu.dma_semaphore, #tpu.memory_space<semaphore_mem>>) src(%dma_wait3A_90 : memref<10240x64xbf16, #tpu.memory_space<hbm>>) dst(%dma_wait3A_84 : memref<128x64xbf16, #tpu.memory_space<vmem>>)
    %dma_start3A_91 = arith.constant 0 : i32
    %dma_start3A_92 = arith.constant 0 : i32
    %dma_start3A_93 = arith.constant 0 : i32
    %dma_start3A_94 = arith.constant 0 : i32
    %dma_start3A_95 = tpu.memref_slice %arg10[%dma_start3A_91, %dma_start3A_93, %dma_start3A_94] : memref<12x128x64xbf16, #tpu.memory_space<vmem>> -> memref<1x128x64xbf16, #tpu.memory_space<vmem>>
    %dma_start3A_96 = tpu.memref_squeeze %dma_start3A_95 : memref<1x128x64xbf16, #tpu.memory_space<vmem>> -> memref<128x64xbf16, #tpu.memory_space<vmem>>
    %dma_start3A_97 = arith.constant 0 : i32
    %dma_start3A_98 = tpu.memref_slice %arg9[%dma_start3A_92, %dma_start3A_97] : memref<80x128xi32, #tpu.memory_space<vmem>> -> memref<1x128xi32, #tpu.memory_space<vmem>>
    %dma_start3A_99 = tpu.memref_squeeze %dma_start3A_98 : memref<1x128xi32, #tpu.memory_space<vmem>> -> memref<128xi32, #tpu.memory_space<vmem>>
    %dma_start3A_100 = arith.constant 0 : i32
    %dma_start3A_101 = arith.constant 0 : i32
    %dma_start3A_102 = tpu.memref_slice %arg7[%dma_start3A_100, %dma_start3A_101] : memref<10240x64xbf16, #tpu.memory_space<vmem_shared>> -> memref<10240x64xbf16, #tpu.memory_space<vmem_shared>>
    tpu.enqueue_indirect_dma source(%dma_start3A_96 : memref<128x64xbf16, #tpu.memory_space<vmem>>) target(%dma_start3A_102 : memref<10240x64xbf16, #tpu.memory_space<vmem_shared>>) offsets(%dma_start3A_99 : memref<128xi32, #tpu.memory_space<vmem>>) semaphore(%arg12 : memref<!tpu.dma_semaphore, #tpu.memory_space<semaphore_mem>>) {add = true}
    %dma_start3A_103 = arith.constant 6 : i32
    %dma_start3A_104 = arith.constant 6 : i32
    %dma_start3A_105 = arith.constant 0 : i32
    %dma_start3A_106 = arith.constant 0 : i32
    %dma_start3A_107 = tpu.memref_slice %arg10[%dma_start3A_104, %dma_start3A_105, %dma_start3A_106] : memref<12x128x64xbf16, #tpu.memory_space<vmem>> -> memref<1x128x64xbf16, #tpu.memory_space<vmem>>
    %dma_start3A_108 = tpu.memref_squeeze %dma_start3A_107 : memref<1x128x64xbf16, #tpu.memory_space<vmem>> -> memref<128x64xbf16, #tpu.memory_space<vmem>>
    %dma_start3A_109 = arith.constant 0 : i32
    %dma_start3A_110 = tpu.memref_slice %arg8[%dma_start3A_103, %dma_start3A_109] : memref<80x128xi32, #tpu.memory_space<vmem>> -> memref<1x128xi32, #tpu.memory_space<vmem>>
    %dma_start3A_111 = tpu.memref_squeeze %dma_start3A_110 : memref<1x128xi32, #tpu.memory_space<vmem>> -> memref<128xi32, #tpu.memory_space<vmem>>
    %dma_start3A_112 = arith.constant 0 : i32
    %dma_start3A_113 = arith.constant 0 : i32
    %dma_start3A_114 = tpu.memref_slice %arg2[%dma_start3A_112, %dma_start3A_113] : memref<10240x64xbf16, #tpu.memory_space<hbm>> -> memref<10240x64xbf16, #tpu.memory_space<hbm>>
    tpu.enqueue_indirect_dma source(%dma_start3A_114 : memref<10240x64xbf16, #tpu.memory_space<hbm>>) target(%dma_start3A_108 : memref<128x64xbf16, #tpu.memory_space<vmem>>) offsets(%dma_start3A_111 : memref<128xi32, #tpu.memory_space<vmem>>) semaphore(%arg11 : memref<!tpu.dma_semaphore, #tpu.memory_space<semaphore_mem>>)
    %dma_wait3A_115 = arith.constant 0 : i32
    %dma_wait3A_116 = arith.constant 1 : i32
    %dma_wait3A_117 = arith.constant 0 : i32
    %dma_wait3A_118 = arith.constant 0 : i32
    %dma_wait3A_119 = tpu.memref_slice %arg10[%dma_wait3A_116, %dma_wait3A_117, %dma_wait3A_118] : memref<12x128x64xbf16, #tpu.memory_space<vmem>> -> memref<1x128x64xbf16, #tpu.memory_space<vmem>>
    %dma_wait3A_120 = tpu.memref_squeeze %dma_wait3A_119 : memref<1x128x64xbf16, #tpu.memory_space<vmem>> -> memref<128x64xbf16, #tpu.memory_space<vmem>>
    %dma_wait3A_121 = arith.constant 0 : i32
    %dma_wait3A_122 = tpu.memref_slice %arg8[%dma_wait3A_115, %dma_wait3A_121] : memref<80x128xi32, #tpu.memory_space<vmem>> -> memref<1x128xi32, #tpu.memory_space<vmem>>
    %dma_wait3A_123 = tpu.memref_squeeze %dma_wait3A_122 : memref<1x128xi32, #tpu.memory_space<vmem>> -> memref<128xi32, #tpu.memory_space<vmem>>
    %dma_wait3A_124 = arith.constant 0 : i32
    %dma_wait3A_125 = arith.constant 0 : i32
    %dma_wait3A_126 = tpu.memref_slice %arg2[%dma_wait3A_124, %dma_wait3A_125] : memref<10240x64xbf16, #tpu.memory_space<hbm>> -> memref<10240x64xbf16, #tpu.memory_space<hbm>>
    tpu.wait_indirect_dma semaphore(%arg11 : memref<!tpu.dma_semaphore, #tpu.memory_space<semaphore_mem>>) src(%dma_wait3A_126 : memref<10240x64xbf16, #tpu.memory_space<hbm>>) dst(%dma_wait3A_120 : memref<128x64xbf16, #tpu.memory_space<vmem>>)
    %dma_start3A_127 = arith.constant 1 : i32
    %dma_start3A_128 = arith.constant 1 : i32
    %dma_start3A_129 = arith.constant 0 : i32
    %dma_start3A_130 = arith.constant 0 : i32
    %dma_start3A_131 = tpu.memref_slice %arg10[%dma_start3A_127, %dma_start3A_129, %dma_start3A_130] : memref<12x128x64xbf16, #tpu.memory_space<vmem>> -> memref<1x128x64xbf16, #tpu.memory_space<vmem>>
    %dma_start3A_132 = tpu.memref_squeeze %dma_start3A_131 : memref<1x128x64xbf16, #tpu.memory_space<vmem>> -> memref<128x64xbf16, #tpu.memory_space<vmem>>
    %dma_start3A_133 = arith.constant 0 : i32
    %dma_start3A_134 = tpu.memref_slice %arg9[%dma_start3A_128, %dma_start3A_133] : memref<80x128xi32, #tpu.memory_space<vmem>> -> memref<1x128xi32, #tpu.memory_space<vmem>>
    %dma_start3A_135 = tpu.memref_squeeze %dma_start3A_134 : memref<1x128xi32, #tpu.memory_space<vmem>> -> memref<128xi32, #tpu.memory_space<vmem>>
    %dma_start3A_136 = arith.constant 0 : i32
    %dma_start3A_137 = arith.constant 0 : i32
    %dma_start3A_138 = tpu.memref_slice %arg7[%dma_start3A_136, %dma_start3A_137] : memref<10240x64xbf16, #tpu.memory_space<vmem_shared>> -> memref<10240x64xbf16, #tpu.memory_space<vmem_shared>>
    tpu.enqueue_indirect_dma source(%dma_start3A_132 : memref<128x64xbf16, #tpu.memory_space<vmem>>) target(%dma_start3A_138 : memref<10240x64xbf16, #tpu.memory_space<vmem_shared>>) offsets(%dma_start3A_135 : memref<128xi32, #tpu.memory_space<vmem>>) semaphore(%arg12 : memref<!tpu.dma_semaphore, #tpu.memory_space<semaphore_mem>>) {add = true}
    %dma_start3A_139 = arith.constant 7 : i32
    %dma_start3A_140 = arith.constant 7 : i32
    %dma_start3A_141 = arith.constant 0 : i32
    %dma_start3A_142 = arith.constant 0 : i32
    %dma_start3A_143 = tpu.memref_slice %arg10[%dma_start3A_140, %dma_start3A_141, %dma_start3A_142] : memref<12x128x64xbf16, #tpu.memory_space<vmem>> -> memref<1x128x64xbf16, #tpu.memory_space<vmem>>
    %dma_start3A_144 = tpu.memref_squeeze %dma_start3A_143 : memref<1x128x64xbf16, #tpu.memory_space<vmem>> -> memref<128x64xbf16, #tpu.memory_space<vmem>>
    %dma_start3A_145 = arith.constant 0 : i32
    %dma_start3A_146 = tpu.memref_slice %arg8[%dma_start3A_139, %dma_start3A_145] : memref<80x128xi32, #tpu.memory_space<vmem>> -> memref<1x128xi32, #tpu.memory_space<vmem>>
    %dma_start3A_147 = tpu.memref_squeeze %dma_start3A_146 : memref<1x128xi32, #tpu.memory_space<vmem>> -> memref<128xi32, #tpu.memory_space<vmem>>
    %dma_start3A_148 = arith.constant 0 : i32
    %dma_start3A_149 = arith.constant 0 : i32
    %dma_start3A_150 = tpu.memref_slice %arg2[%dma_start3A_148, %dma_start3A_149] : memref<10240x64xbf16, #tpu.memory_space<hbm>> -> memref<10240x64xbf16, #tpu.memory_space<hbm>>
    tpu.enqueue_indirect_dma source(%dma_start3A_150 : memref<10240x64xbf16, #tpu.memory_space<hbm>>) target(%dma_start3A_144 : memref<128x64xbf16, #tpu.memory_space<vmem>>) offsets(%dma_start3A_147 : memref<128xi32, #tpu.memory_space<vmem>>) semaphore(%arg11 : memref<!tpu.dma_semaphore, #tpu.memory_space<semaphore_mem>>)
    %dma_wait3A_151 = arith.constant 0 : i32
    %dma_wait3A_152 = arith.constant 2 : i32
    %dma_wait3A_153 = arith.constant 0 : i32
    %dma_wait3A_154 = arith.constant 0 : i32
    %dma_wait3A_155 = tpu.memref_slice %arg10[%dma_wait3A_152, %dma_wait3A_153, %dma_wait3A_154] : memref<12x128x64xbf16, #tpu.memory_space<vmem>> -> memref<1x128x64xbf16, #tpu.memory_space<vmem>>
    %dma_wait3A_156 = tpu.memref_squeeze %dma_wait3A_155 : memref<1x128x64xbf16, #tpu.memory_space<vmem>> -> memref<128x64xbf16, #tpu.memory_space<vmem>>
    %dma_wait3A_157 = arith.constant 0 : i32
    %dma_wait3A_158 = tpu.memref_slice %arg8[%dma_wait3A_151, %dma_wait3A_157] : memref<80x128xi32, #tpu.memory_space<vmem>> -> memref<1x128xi32, #tpu.memory_space<vmem>>
    %dma_wait3A_159 = tpu.memref_squeeze %dma_wait3A_158 : memref<1x128xi32, #tpu.memory_space<vmem>> -> memref<128xi32, #tpu.memory_space<vmem>>
    %dma_wait3A_160 = arith.constant 0 : i32
    %dma_wait3A_161 = arith.constant 0 : i32
    %dma_wait3A_162 = tpu.memref_slice %arg2[%dma_wait3A_160, %dma_wait3A_161] : memref<10240x64xbf16, #tpu.memory_space<hbm>> -> memref<10240x64xbf16, #tpu.memory_space<hbm>>
    tpu.wait_indirect_dma semaphore(%arg11 : memref<!tpu.dma_semaphore, #tpu.memory_space<semaphore_mem>>) src(%dma_wait3A_162 : memref<10240x64xbf16, #tpu.memory_space<hbm>>) dst(%dma_wait3A_156 : memref<128x64xbf16, #tpu.memory_space<vmem>>)
    %dma_start3A_163 = arith.constant 2 : i32
    %dma_start3A_164 = arith.constant 2 : i32
    %dma_start3A_165 = arith.constant 0 : i32
    %dma_start3A_166 = arith.constant 0 : i32
    %dma_start3A_167 = tpu.memref_slice %arg10[%dma_start3A_163, %dma_start3A_165, %dma_start3A_166] : memref<12x128x64xbf16, #tpu.memory_space<vmem>> -> memref<1x128x64xbf16, #tpu.memory_space<vmem>>
    %dma_start3A_168 = tpu.memref_squeeze %dma_start3A_167 : memref<1x128x64xbf16, #tpu.memory_space<vmem>> -> memref<128x64xbf16, #tpu.memory_space<vmem>>
    %dma_start3A_169 = arith.constant 0 : i32
    %dma_start3A_170 = tpu.memref_slice %arg9[%dma_start3A_164, %dma_start3A_169] : memref<80x128xi32, #tpu.memory_space<vmem>> -> memref<1x128xi32, #tpu.memory_space<vmem>>
    %dma_start3A_171 = tpu.memref_squeeze %dma_start3A_170 : memref<1x128xi32, #tpu.memory_space<vmem>> -> memref<128xi32, #tpu.memory_space<vmem>>
    %dma_start3A_172 = arith.constant 0 : i32
    %dma_start3A_173 = arith.constant 0 : i32
    %dma_start3A_174 = tpu.memref_slice %arg7[%dma_start3A_172, %dma_start3A_173] : memref<10240x64xbf16, #tpu.memory_space<vmem_shared>> -> memref<10240x64xbf16, #tpu.memory_space<vmem_shared>>
    tpu.enqueue_indirect_dma source(%dma_start3A_168 : memref<128x64xbf16, #tpu.memory_space<vmem>>) target(%dma_start3A_174 : memref<10240x64xbf16, #tpu.memory_space<vmem_shared>>) offsets(%dma_start3A_171 : memref<128xi32, #tpu.memory_space<vmem>>) semaphore(%arg12 : memref<!tpu.dma_semaphore, #tpu.memory_space<semaphore_mem>>) {add = true}
    %dma_start3A_175 = arith.constant 8 : i32
    %dma_start3A_176 = arith.constant 8 : i32
    %dma_start3A_177 = arith.constant 0 : i32
    %dma_start3A_178 = arith.constant 0 : i32
    %dma_start3A_179 = tpu.memref_slice %arg10[%dma_start3A_176, %dma_start3A_177, %dma_start3A_178] : memref<12x128x64xbf16, #tpu.memory_space<vmem>> -> memref<1x128x64xbf16, #tpu.memory_space<vmem>>
    %dma_start3A_180 = tpu.memref_squeeze %dma_start3A_179 : memref<1x128x64xbf16, #tpu.memory_space<vmem>> -> memref<128x64xbf16, #tpu.memory_space<vmem>>
    %dma_start3A_181 = arith.constant 0 : i32
    %dma_start3A_182 = tpu.memref_slice %arg8[%dma_start3A_175, %dma_start3A_181] : memref<80x128xi32, #tpu.memory_space<vmem>> -> memref<1x128xi32, #tpu.memory_space<vmem>>
    %dma_start3A_183 = tpu.memref_squeeze %dma_start3A_182 : memref<1x128xi32, #tpu.memory_space<vmem>> -> memref<128xi32, #tpu.memory_space<vmem>>
    %dma_start3A_184 = arith.constant 0 : i32
    %dma_start3A_185 = arith.constant 0 : i32
    %dma_start3A_186 = tpu.memref_slice %arg2[%dma_start3A_184, %dma_start3A_185] : memref<10240x64xbf16, #tpu.memory_space<hbm>> -> memref<10240x64xbf16, #tpu.memory_space<hbm>>
    tpu.enqueue_indirect_dma source(%dma_start3A_186 : memref<10240x64xbf16, #tpu.memory_space<hbm>>) target(%dma_start3A_180 : memref<128x64xbf16, #tpu.memory_space<vmem>>) offsets(%dma_start3A_183 : memref<128xi32, #tpu.memory_space<vmem>>) semaphore(%arg11 : memref<!tpu.dma_semaphore, #tpu.memory_space<semaphore_mem>>)
    %dma_wait3A_187 = arith.constant 0 : i32
    %dma_wait3A_188 = arith.constant 3 : i32
    %dma_wait3A_189 = arith.constant 0 : i32
    %dma_wait3A_190 = arith.constant 0 : i32
    %dma_wait3A_191 = tpu.memref_slice %arg10[%dma_wait3A_188, %dma_wait3A_189, %dma_wait3A_190] : memref<12x128x64xbf16, #tpu.memory_space<vmem>> -> memref<1x128x64xbf16, #tpu.memory_space<vmem>>
    %dma_wait3A_192 = tpu.memref_squeeze %dma_wait3A_191 : memref<1x128x64xbf16, #tpu.memory_space<vmem>> -> memref<128x64xbf16, #tpu.memory_space<vmem>>
    %dma_wait3A_193 = arith.constant 0 : i32
    %dma_wait3A_194 = tpu.memref_slice %arg8[%dma_wait3A_187, %dma_wait3A_193] : memref<80x128xi32, #tpu.memory_space<vmem>> -> memref<1x128xi32, #tpu.memory_space<vmem>>
    %dma_wait3A_195 = tpu.memref_squeeze %dma_wait3A_194 : memref<1x128xi32, #tpu.memory_space<vmem>> -> memref<128xi32, #tpu.memory_space<vmem>>
    %dma_wait3A_196 = arith.constant 0 : i32
    %dma_wait3A_197 = arith.constant 0 : i32
    %dma_wait3A_198 = tpu.memref_slice %arg2[%dma_wait3A_196, %dma_wait3A_197] : memref<10240x64xbf16, #tpu.memory_space<hbm>> -> memref<10240x64xbf16, #tpu.memory_space<hbm>>
    tpu.wait_indirect_dma semaphore(%arg11 : memref<!tpu.dma_semaphore, #tpu.memory_space<semaphore_mem>>) src(%dma_wait3A_198 : memref<10240x64xbf16, #tpu.memory_space<hbm>>) dst(%dma_wait3A_192 : memref<128x64xbf16, #tpu.memory_space<vmem>>)
    %dma_start3A_199 = arith.constant 3 : i32
    %dma_start3A_200 = arith.constant 3 : i32
    %dma_start3A_201 = arith.constant 0 : i32
    %dma_start3A_202 = arith.constant 0 : i32
    %dma_start3A_203 = tpu.memref_slice %arg10[%dma_start3A_199, %dma_start3A_201, %dma_start3A_202] : memref<12x128x64xbf16, #tpu.memory_space<vmem>> -> memref<1x128x64xbf16, #tpu.memory_space<vmem>>
    %dma_start3A_204 = tpu.memref_squeeze %dma_start3A_203 : memref<1x128x64xbf16, #tpu.memory_space<vmem>> -> memref<128x64xbf16, #tpu.memory_space<vmem>>
    %dma_start3A_205 = arith.constant 0 : i32
    %dma_start3A_206 = tpu.memref_slice %arg9[%dma_start3A_200, %dma_start3A_205] : memref<80x128xi32, #tpu.memory_space<vmem>> -> memref<1x128xi32, #tpu.memory_space<vmem>>
    %dma_start3A_207 = tpu.memref_squeeze %dma_start3A_206 : memref<1x128xi32, #tpu.memory_space<vmem>> -> memref<128xi32, #tpu.memory_space<vmem>>
    %dma_start3A_208 = arith.constant 0 : i32
    %dma_start3A_209 = arith.constant 0 : i32
    %dma_start3A_210 = tpu.memref_slice %arg7[%dma_start3A_208, %dma_start3A_209] : memref<10240x64xbf16, #tpu.memory_space<vmem_shared>> -> memref<10240x64xbf16, #tpu.memory_space<vmem_shared>>
    tpu.enqueue_indirect_dma source(%dma_start3A_204 : memref<128x64xbf16, #tpu.memory_space<vmem>>) target(%dma_start3A_210 : memref<10240x64xbf16, #tpu.memory_space<vmem_shared>>) offsets(%dma_start3A_207 : memref<128xi32, #tpu.memory_space<vmem>>) semaphore(%arg12 : memref<!tpu.dma_semaphore, #tpu.memory_space<semaphore_mem>>) {add = true}
    %dma_start3A_211 = arith.constant 9 : i32
    %dma_start3A_212 = arith.constant 9 : i32
    %dma_start3A_213 = arith.constant 0 : i32
    %dma_start3A_214 = arith.constant 0 : i32
    %dma_start3A_215 = tpu.memref_slice %arg10[%dma_start3A_212, %dma_start3A_213, %dma_start3A_214] : memref<12x128x64xbf16, #tpu.memory_space<vmem>> -> memref<1x128x64xbf16, #tpu.memory_space<vmem>>
    %dma_start3A_216 = tpu.memref_squeeze %dma_start3A_215 : memref<1x128x64xbf16, #tpu.memory_space<vmem>> -> memref<128x64xbf16, #tpu.memory_space<vmem>>
    %dma_start3A_217 = arith.constant 0 : i32
    %dma_start3A_218 = tpu.memref_slice %arg8[%dma_start3A_211, %dma_start3A_217] : memref<80x128xi32, #tpu.memory_space<vmem>> -> memref<1x128xi32, #tpu.memory_space<vmem>>
    %dma_start3A_219 = tpu.memref_squeeze %dma_start3A_218 : memref<1x128xi32, #tpu.memory_space<vmem>> -> memref<128xi32, #tpu.memory_space<vmem>>
    %dma_start3A_220 = arith.constant 0 : i32
    %dma_start3A_221 = arith.constant 0 : i32
    %dma_start3A_222 = tpu.memref_slice %arg2[%dma_start3A_220, %dma_start3A_221] : memref<10240x64xbf16, #tpu.memory_space<hbm>> -> memref<10240x64xbf16, #tpu.memory_space<hbm>>
    tpu.enqueue_indirect_dma source(%dma_start3A_222 : memref<10240x64xbf16, #tpu.memory_space<hbm>>) target(%dma_start3A_216 : memref<128x64xbf16, #tpu.memory_space<vmem>>) offsets(%dma_start3A_219 : memref<128xi32, #tpu.memory_space<vmem>>) semaphore(%arg11 : memref<!tpu.dma_semaphore, #tpu.memory_space<semaphore_mem>>)
    %dma_wait3A_223 = arith.constant 0 : i32
    %dma_wait3A_224 = arith.constant 4 : i32
    %dma_wait3A_225 = arith.constant 0 : i32
    %dma_wait3A_226 = arith.constant 0 : i32
    %dma_wait3A_227 = tpu.memref_slice %arg10[%dma_wait3A_224, %dma_wait3A_225, %dma_wait3A_226] : memref<12x128x64xbf16, #tpu.memory_space<vmem>> -> memref<1x128x64xbf16, #tpu.memory_space<vmem>>
    %dma_wait3A_228 = tpu.memref_squeeze %dma_wait3A_227 : memref<1x128x64xbf16, #tpu.memory_space<vmem>> -> memref<128x64xbf16, #tpu.memory_space<vmem>>
    %dma_wait3A_229 = arith.constant 0 : i32
    %dma_wait3A_230 = tpu.memref_slice %arg8[%dma_wait3A_223, %dma_wait3A_229] : memref<80x128xi32, #tpu.memory_space<vmem>> -> memref<1x128xi32, #tpu.memory_space<vmem>>
    %dma_wait3A_231 = tpu.memref_squeeze %dma_wait3A_230 : memref<1x128xi32, #tpu.memory_space<vmem>> -> memref<128xi32, #tpu.memory_space<vmem>>
    %dma_wait3A_232 = arith.constant 0 : i32
    %dma_wait3A_233 = arith.constant 0 : i32
    %dma_wait3A_234 = tpu.memref_slice %arg2[%dma_wait3A_232, %dma_wait3A_233] : memref<10240x64xbf16, #tpu.memory_space<hbm>> -> memref<10240x64xbf16, #tpu.memory_space<hbm>>
    tpu.wait_indirect_dma semaphore(%arg11 : memref<!tpu.dma_semaphore, #tpu.memory_space<semaphore_mem>>) src(%dma_wait3A_234 : memref<10240x64xbf16, #tpu.memory_space<hbm>>) dst(%dma_wait3A_228 : memref<128x64xbf16, #tpu.memory_space<vmem>>)
    %dma_start3A_235 = arith.constant 4 : i32
    %dma_start3A_236 = arith.constant 4 : i32
    %dma_start3A_237 = arith.constant 0 : i32
    %dma_start3A_238 = arith.constant 0 : i32
    %dma_start3A_239 = tpu.memref_slice %arg10[%dma_start3A_235, %dma_start3A_237, %dma_start3A_238] : memref<12x128x64xbf16, #tpu.memory_space<vmem>> -> memref<1x128x64xbf16, #tpu.memory_space<vmem>>
    %dma_start3A_240 = tpu.memref_squeeze %dma_start3A_239 : memref<1x128x64xbf16, #tpu.memory_space<vmem>> -> memref<128x64xbf16, #tpu.memory_space<vmem>>
    %dma_start3A_241 = arith.constant 0 : i32
    %dma_start3A_242 = tpu.memref_slice %arg9[%dma_start3A_236, %dma_start3A_241] : memref<80x128xi32, #tpu.memory_space<vmem>> -> memref<1x128xi32, #tpu.memory_space<vmem>>
    %dma_start3A_243 = tpu.memref_squeeze %dma_start3A_242 : memref<1x128xi32, #tpu.memory_space<vmem>> -> memref<128xi32, #tpu.memory_space<vmem>>
    %dma_start3A_244 = arith.constant 0 : i32
    %dma_start3A_245 = arith.constant 0 : i32
    %dma_start3A_246 = tpu.memref_slice %arg7[%dma_start3A_244, %dma_start3A_245] : memref<10240x64xbf16, #tpu.memory_space<vmem_shared>> -> memref<10240x64xbf16, #tpu.memory_space<vmem_shared>>
    tpu.enqueue_indirect_dma source(%dma_start3A_240 : memref<128x64xbf16, #tpu.memory_space<vmem>>) target(%dma_start3A_246 : memref<10240x64xbf16, #tpu.memory_space<vmem_shared>>) offsets(%dma_start3A_243 : memref<128xi32, #tpu.memory_space<vmem>>) semaphore(%arg12 : memref<!tpu.dma_semaphore, #tpu.memory_space<semaphore_mem>>) {add = true}
    %dma_start3A_247 = arith.constant 10 : i32
    %dma_start3A_248 = arith.constant 10 : i32
    %dma_start3A_249 = arith.constant 0 : i32
    %dma_start3A_250 = arith.constant 0 : i32
    %dma_start3A_251 = tpu.memref_slice %arg10[%dma_start3A_248, %dma_start3A_249, %dma_start3A_250] : memref<12x128x64xbf16, #tpu.memory_space<vmem>> -> memref<1x128x64xbf16, #tpu.memory_space<vmem>>
    %dma_start3A_252 = tpu.memref_squeeze %dma_start3A_251 : memref<1x128x64xbf16, #tpu.memory_space<vmem>> -> memref<128x64xbf16, #tpu.memory_space<vmem>>
    %dma_start3A_253 = arith.constant 0 : i32
    %dma_start3A_254 = tpu.memref_slice %arg8[%dma_start3A_247, %dma_start3A_253] : memref<80x128xi32, #tpu.memory_space<vmem>> -> memref<1x128xi32, #tpu.memory_space<vmem>>
    %dma_start3A_255 = tpu.memref_squeeze %dma_start3A_254 : memref<1x128xi32, #tpu.memory_space<vmem>> -> memref<128xi32, #tpu.memory_space<vmem>>
    %dma_start3A_256 = arith.constant 0 : i32
    %dma_start3A_257 = arith.constant 0 : i32
    %dma_start3A_258 = tpu.memref_slice %arg2[%dma_start3A_256, %dma_start3A_257] : memref<10240x64xbf16, #tpu.memory_space<hbm>> -> memref<10240x64xbf16, #tpu.memory_space<hbm>>
    tpu.enqueue_indirect_dma source(%dma_start3A_258 : memref<10240x64xbf16, #tpu.memory_space<hbm>>) target(%dma_start3A_252 : memref<128x64xbf16, #tpu.memory_space<vmem>>) offsets(%dma_start3A_255 : memref<128xi32, #tpu.memory_space<vmem>>) semaphore(%arg11 : memref<!tpu.dma_semaphore, #tpu.memory_space<semaphore_mem>>)
    %dma_wait3A_259 = arith.constant 0 : i32
    %dma_wait3A_260 = arith.constant 5 : i32
    %dma_wait3A_261 = arith.constant 0 : i32
    %dma_wait3A_262 = arith.constant 0 : i32
    %dma_wait3A_263 = tpu.memref_slice %arg10[%dma_wait3A_260, %dma_wait3A_261, %dma_wait3A_262] : memref<12x128x64xbf16, #tpu.memory_space<vmem>> -> memref<1x128x64xbf16, #tpu.memory_space<vmem>>
    %dma_wait3A_264 = tpu.memref_squeeze %dma_wait3A_263 : memref<1x128x64xbf16, #tpu.memory_space<vmem>> -> memref<128x64xbf16, #tpu.memory_space<vmem>>
    %dma_wait3A_265 = arith.constant 0 : i32
    %dma_wait3A_266 = tpu.memref_slice %arg8[%dma_wait3A_259, %dma_wait3A_265] : memref<80x128xi32, #tpu.memory_space<vmem>> -> memref<1x128xi32, #tpu.memory_space<vmem>>
    %dma_wait3A_267 = tpu.memref_squeeze %dma_wait3A_266 : memref<1x128xi32, #tpu.memory_space<vmem>> -> memref<128xi32, #tpu.memory_space<vmem>>
    %dma_wait3A_268 = arith.constant 0 : i32
    %dma_wait3A_269 = arith.constant 0 : i32
    %dma_wait3A_270 = tpu.memref_slice %arg2[%dma_wait3A_268, %dma_wait3A_269] : memref<10240x64xbf16, #tpu.memory_space<hbm>> -> memref<10240x64xbf16, #tpu.memory_space<hbm>>
    tpu.wait_indirect_dma semaphore(%arg11 : memref<!tpu.dma_semaphore, #tpu.memory_space<semaphore_mem>>) src(%dma_wait3A_270 : memref<10240x64xbf16, #tpu.memory_space<hbm>>) dst(%dma_wait3A_264 : memref<128x64xbf16, #tpu.memory_space<vmem>>)
    %dma_start3A_271 = arith.constant 5 : i32
    %dma_start3A_272 = arith.constant 5 : i32
    %dma_start3A_273 = arith.constant 0 : i32
    %dma_start3A_274 = arith.constant 0 : i32
    %dma_start3A_275 = tpu.memref_slice %arg10[%dma_start3A_271, %dma_start3A_273, %dma_start3A_274] : memref<12x128x64xbf16, #tpu.memory_space<vmem>> -> memref<1x128x64xbf16, #tpu.memory_space<vmem>>
    %dma_start3A_276 = tpu.memref_squeeze %dma_start3A_275 : memref<1x128x64xbf16, #tpu.memory_space<vmem>> -> memref<128x64xbf16, #tpu.memory_space<vmem>>
    %dma_start3A_277 = arith.constant 0 : i32
    %dma_start3A_278 = tpu.memref_slice %arg9[%dma_start3A_272, %dma_start3A_277] : memref<80x128xi32, #tpu.memory_space<vmem>> -> memref<1x128xi32, #tpu.memory_space<vmem>>
    %dma_start3A_279 = tpu.memref_squeeze %dma_start3A_278 : memref<1x128xi32, #tpu.memory_space<vmem>> -> memref<128xi32, #tpu.memory_space<vmem>>
    %dma_start3A_280 = arith.constant 0 : i32
    %dma_start3A_281 = arith.constant 0 : i32
    %dma_start3A_282 = tpu.memref_slice %arg7[%dma_start3A_280, %dma_start3A_281] : memref<10240x64xbf16, #tpu.memory_space<vmem_shared>> -> memref<10240x64xbf16, #tpu.memory_space<vmem_shared>>
    tpu.enqueue_indirect_dma source(%dma_start3A_276 : memref<128x64xbf16, #tpu.memory_space<vmem>>) target(%dma_start3A_282 : memref<10240x64xbf16, #tpu.memory_space<vmem_shared>>) offsets(%dma_start3A_279 : memref<128xi32, #tpu.memory_space<vmem>>) semaphore(%arg12 : memref<!tpu.dma_semaphore, #tpu.memory_space<semaphore_mem>>) {add = true}
    %dma_start3A_283 = arith.constant 11 : i32
    %dma_start3A_284 = arith.constant 11 : i32
    %dma_start3A_285 = arith.constant 0 : i32
    %dma_start3A_286 = arith.constant 0 : i32
    %dma_start3A_287 = tpu.memref_slice %arg10[%dma_start3A_284, %dma_start3A_285, %dma_start3A_286] : memref<12x128x64xbf16, #tpu.memory_space<vmem>> -> memref<1x128x64xbf16, #tpu.memory_space<vmem>>
    %dma_start3A_288 = tpu.memref_squeeze %dma_start3A_287 : memref<1x128x64xbf16, #tpu.memory_space<vmem>> -> memref<128x64xbf16, #tpu.memory_space<vmem>>
    %dma_start3A_289 = arith.constant 0 : i32
    %dma_start3A_290 = tpu.memref_slice %arg8[%dma_start3A_283, %dma_start3A_289] : memref<80x128xi32, #tpu.memory_space<vmem>> -> memref<1x128xi32, #tpu.memory_space<vmem>>
    %dma_start3A_291 = tpu.memref_squeeze %dma_start3A_290 : memref<1x128xi32, #tpu.memory_space<vmem>> -> memref<128xi32, #tpu.memory_space<vmem>>
    %dma_start3A_292 = arith.constant 0 : i32
    %dma_start3A_293 = arith.constant 0 : i32
    %dma_start3A_294 = tpu.memref_slice %arg2[%dma_start3A_292, %dma_start3A_293] : memref<10240x64xbf16, #tpu.memory_space<hbm>> -> memref<10240x64xbf16, #tpu.memory_space<hbm>>
    tpu.enqueue_indirect_dma source(%dma_start3A_294 : memref<10240x64xbf16, #tpu.memory_space<hbm>>) target(%dma_start3A_288 : memref<128x64xbf16, #tpu.memory_space<vmem>>) offsets(%dma_start3A_291 : memref<128xi32, #tpu.memory_space<vmem>>) semaphore(%arg11 : memref<!tpu.dma_semaphore, #tpu.memory_space<semaphore_mem>>)
    %scan3A = arith.constant 0 : i32
    %scan3A_295 = arith.constant 6 : i32
    %scan3A_296 = arith.constant 68 : i32
    %scan3A_297 = arith.addi %scan3A_295, %scan3A_296 : i32
    %scan3A_298 = arith.constant 1 : i32
    scf.for %scan3A_593 = %scan3A_295 to %scan3A_297 step %scan3A_298  : i32 {
      %jit3A = arith.constant 12 : i32
      %eq3A = arith.constant 0 : i32
      %eq3A_594 = arith.cmpi eq, %jit3A, %eq3A : i32
      %jit3A_595 = arith.constant 1 : i32
      %select_n3A = arith.select %eq3A_594, %jit3A_595, %jit3A : i32
      %rem3A = arith.remsi %scan3A_593, %select_n3A : i32
      %ne3A = arith.constant 0 : i32
      %ne3A_596 = arith.cmpi ne, %rem3A, %ne3A : i32
      %lt3A = arith.constant 0 : i32
      %lt3A_597 = arith.cmpi slt, %rem3A, %lt3A : i32
      %lt3A_598 = arith.constant 0 : i32
      %lt3A_599 = arith.cmpi slt, %select_n3A, %lt3A_598 : i32
      %ne3A_600 = arith.xori %lt3A_597, %lt3A_599 : i1
      %and3A = arith.andi %ne3A_600, %ne3A_596 : i1
      %add3A_601 = arith.addi %rem3A, %select_n3A : i32
      %select_n3A_602 = arith.select %and3A, %add3A_601, %rem3A : i32
      %dma_wait3A_603 = arith.constant 0 : i32
      %dma_wait3A_604 = arith.constant 0 : i32
      %dma_wait3A_605 = arith.constant 0 : i32
      %dma_wait3A_606 = tpu.memref_slice %arg10[%select_n3A_602, %dma_wait3A_604, %dma_wait3A_605] : memref<12x128x64xbf16, #tpu.memory_space<vmem>> -> memref<1x128x64xbf16, #tpu.memory_space<vmem>>
      %dma_wait3A_607 = tpu.memref_squeeze %dma_wait3A_606 : memref<1x128x64xbf16, #tpu.memory_space<vmem>> -> memref<128x64xbf16, #tpu.memory_space<vmem>>
      %dma_wait3A_608 = arith.constant 0 : i32
      %dma_wait3A_609 = tpu.memref_slice %arg8[%dma_wait3A_603, %dma_wait3A_608] : memref<80x128xi32, #tpu.memory_space<vmem>> -> memref<1x128xi32, #tpu.memory_space<vmem>>
      %dma_wait3A_610 = tpu.memref_squeeze %dma_wait3A_609 : memref<1x128xi32, #tpu.memory_space<vmem>> -> memref<128xi32, #tpu.memory_space<vmem>>
      %dma_wait3A_611 = arith.constant 0 : i32
      %dma_wait3A_612 = arith.constant 0 : i32
      %dma_wait3A_613 = tpu.memref_slice %arg2[%dma_wait3A_611, %dma_wait3A_612] : memref<10240x64xbf16, #tpu.memory_space<hbm>> -> memref<10240x64xbf16, #tpu.memory_space<hbm>>
      tpu.wait_indirect_dma semaphore(%arg11 : memref<!tpu.dma_semaphore, #tpu.memory_space<semaphore_mem>>) src(%dma_wait3A_613 : memref<10240x64xbf16, #tpu.memory_space<hbm>>) dst(%dma_wait3A_607 : memref<128x64xbf16, #tpu.memory_space<vmem>>)
      %dma_start3A_614 = arith.constant 0 : i32
      %dma_start3A_615 = arith.constant 0 : i32
      %dma_start3A_616 = tpu.memref_slice %arg10[%select_n3A_602, %dma_start3A_614, %dma_start3A_615] : memref<12x128x64xbf16, #tpu.memory_space<vmem>> -> memref<1x128x64xbf16, #tpu.memory_space<vmem>>
      %dma_start3A_617 = tpu.memref_squeeze %dma_start3A_616 : memref<1x128x64xbf16, #tpu.memory_space<vmem>> -> memref<128x64xbf16, #tpu.memory_space<vmem>>
      %dma_start3A_618 = arith.constant 0 : i32
      %dma_start3A_619 = tpu.memref_slice %arg9[%scan3A_593, %dma_start3A_618] : memref<80x128xi32, #tpu.memory_space<vmem>> -> memref<1x128xi32, #tpu.memory_space<vmem>>
      %dma_start3A_620 = tpu.memref_squeeze %dma_start3A_619 : memref<1x128xi32, #tpu.memory_space<vmem>> -> memref<128xi32, #tpu.memory_space<vmem>>
      %dma_start3A_621 = arith.constant 0 : i32
      %dma_start3A_622 = arith.constant 0 : i32
      %dma_start3A_623 = tpu.memref_slice %arg7[%dma_start3A_621, %dma_start3A_622] : memref<10240x64xbf16, #tpu.memory_space<vmem_shared>> -> memref<10240x64xbf16, #tpu.memory_space<vmem_shared>>
      tpu.enqueue_indirect_dma source(%dma_start3A_617 : memref<128x64xbf16, #tpu.memory_space<vmem>>) target(%dma_start3A_623 : memref<10240x64xbf16, #tpu.memory_space<vmem_shared>>) offsets(%dma_start3A_620 : memref<128xi32, #tpu.memory_space<vmem>>) semaphore(%arg12 : memref<!tpu.dma_semaphore, #tpu.memory_space<semaphore_mem>>) {add = true}
      %dma_wait3A_624 = arith.constant 0 : i32
      %dma_wait3A_625 = arith.constant 0 : i32
      %dma_wait3A_626 = arith.constant 0 : i32
      %dma_wait3A_627 = arith.constant 0 : i32
      %dma_wait3A_628 = tpu.memref_slice %arg10[%dma_wait3A_624, %dma_wait3A_626, %dma_wait3A_627] : memref<12x128x64xbf16, #tpu.memory_space<vmem>> -> memref<1x128x64xbf16, #tpu.memory_space<vmem>>
      %dma_wait3A_629 = tpu.memref_squeeze %dma_wait3A_628 : memref<1x128x64xbf16, #tpu.memory_space<vmem>> -> memref<128x64xbf16, #tpu.memory_space<vmem>>
      %dma_wait3A_630 = arith.constant 0 : i32
      %dma_wait3A_631 = tpu.memref_slice %arg9[%dma_wait3A_625, %dma_wait3A_630] : memref<80x128xi32, #tpu.memory_space<vmem>> -> memref<1x128xi32, #tpu.memory_space<vmem>>
      %dma_wait3A_632 = tpu.memref_squeeze %dma_wait3A_631 : memref<1x128xi32, #tpu.memory_space<vmem>> -> memref<128xi32, #tpu.memory_space<vmem>>
      %dma_wait3A_633 = arith.constant 0 : i32
      %dma_wait3A_634 = arith.constant 0 : i32
      %dma_wait3A_635 = tpu.memref_slice %arg7[%dma_wait3A_633, %dma_wait3A_634] : memref<10240x64xbf16, #tpu.memory_space<vmem_shared>> -> memref<10240x64xbf16, #tpu.memory_space<vmem_shared>>
      tpu.wait_indirect_dma semaphore(%arg12 : memref<!tpu.dma_semaphore, #tpu.memory_space<semaphore_mem>>) src(%dma_wait3A_629 : memref<128x64xbf16, #tpu.memory_space<vmem>>) dst(%dma_wait3A_635 : memref<10240x64xbf16, #tpu.memory_space<vmem_shared>>)
      %add3A_636 = arith.constant 6 : i32
      %add3A_637 = arith.addi %scan3A_593, %add3A_636 : i32
      %jit3A_638 = arith.constant 12 : i32
      %eq3A_639 = arith.constant 0 : i32
      %eq3A_640 = arith.cmpi eq, %jit3A_638, %eq3A_639 : i32
      %jit3A_641 = arith.constant 1 : i32
      %select_n3A_642 = arith.select %eq3A_640, %jit3A_641, %jit3A_638 : i32
      %rem3A_643 = arith.remsi %add3A_637, %select_n3A_642 : i32
      %ne3A_644 = arith.constant 0 : i32
      %ne3A_645 = arith.cmpi ne, %rem3A_643, %ne3A_644 : i32
      %lt3A_646 = arith.constant 0 : i32
      %lt3A_647 = arith.cmpi slt, %rem3A_643, %lt3A_646 : i32
      %lt3A_648 = arith.constant 0 : i32
      %lt3A_649 = arith.cmpi slt, %select_n3A_642, %lt3A_648 : i32
      %ne3A_650 = arith.xori %lt3A_647, %lt3A_649 : i1
      %and3A_651 = arith.andi %ne3A_650, %ne3A_645 : i1
      %add3A_652 = arith.addi %rem3A_643, %select_n3A_642 : i32
      %select_n3A_653 = arith.select %and3A_651, %add3A_652, %rem3A_643 : i32
      %dma_start3A_654 = arith.constant 0 : i32
      %dma_start3A_655 = arith.constant 0 : i32
      %dma_start3A_656 = tpu.memref_slice %arg10[%select_n3A_653, %dma_start3A_654, %dma_start3A_655] : memref<12x128x64xbf16, #tpu.memory_space<vmem>> -> memref<1x128x64xbf16, #tpu.memory_space<vmem>>
      %dma_start3A_657 = tpu.memref_squeeze %dma_start3A_656 : memref<1x128x64xbf16, #tpu.memory_space<vmem>> -> memref<128x64xbf16, #tpu.memory_space<vmem>>
      %dma_start3A_658 = arith.constant 0 : i32
      %dma_start3A_659 = tpu.memref_slice %arg8[%add3A_637, %dma_start3A_658] : memref<80x128xi32, #tpu.memory_space<vmem>> -> memref<1x128xi32, #tpu.memory_space<vmem>>
      %dma_start3A_660 = tpu.memref_squeeze %dma_start3A_659 : memref<1x128xi32, #tpu.memory_space<vmem>> -> memref<128xi32, #tpu.memory_space<vmem>>
      %dma_start3A_661 = arith.constant 0 : i32
      %dma_start3A_662 = arith.constant 0 : i32
      %dma_start3A_663 = tpu.memref_slice %arg2[%dma_start3A_661, %dma_start3A_662] : memref<10240x64xbf16, #tpu.memory_space<hbm>> -> memref<10240x64xbf16, #tpu.memory_space<hbm>>
      tpu.enqueue_indirect_dma source(%dma_start3A_663 : memref<10240x64xbf16, #tpu.memory_space<hbm>>) target(%dma_start3A_657 : memref<128x64xbf16, #tpu.memory_space<vmem>>) offsets(%dma_start3A_660 : memref<128xi32, #tpu.memory_space<vmem>>) semaphore(%arg11 : memref<!tpu.dma_semaphore, #tpu.memory_space<semaphore_mem>>)
    }
    %scan3A_299 = arith.constant 68 : i32
    %dma_wait3A_300 = arith.constant 0 : i32
    %dma_wait3A_301 = arith.constant 2 : i32
    %dma_wait3A_302 = arith.constant 0 : i32
    %dma_wait3A_303 = arith.constant 0 : i32
    %dma_wait3A_304 = tpu.memref_slice %arg10[%dma_wait3A_301, %dma_wait3A_302, %dma_wait3A_303] : memref<12x128x64xbf16, #tpu.memory_space<vmem>> -> memref<1x128x64xbf16, #tpu.memory_space<vmem>>
    %dma_wait3A_305 = tpu.memref_squeeze %dma_wait3A_304 : memref<1x128x64xbf16, #tpu.memory_space<vmem>> -> memref<128x64xbf16, #tpu.memory_space<vmem>>
    %dma_wait3A_306 = arith.constant 0 : i32
    %dma_wait3A_307 = tpu.memref_slice %arg8[%dma_wait3A_300, %dma_wait3A_306] : memref<80x128xi32, #tpu.memory_space<vmem>> -> memref<1x128xi32, #tpu.memory_space<vmem>>
    %dma_wait3A_308 = tpu.memref_squeeze %dma_wait3A_307 : memref<1x128xi32, #tpu.memory_space<vmem>> -> memref<128xi32, #tpu.memory_space<vmem>>
    %dma_wait3A_309 = arith.constant 0 : i32
    %dma_wait3A_310 = arith.constant 0 : i32
    %dma_wait3A_311 = tpu.memref_slice %arg2[%dma_wait3A_309, %dma_wait3A_310] : memref<10240x64xbf16, #tpu.memory_space<hbm>> -> memref<10240x64xbf16, #tpu.memory_space<hbm>>
    tpu.wait_indirect_dma semaphore(%arg11 : memref<!tpu.dma_semaphore, #tpu.memory_space<semaphore_mem>>) src(%dma_wait3A_311 : memref<10240x64xbf16, #tpu.memory_space<hbm>>) dst(%dma_wait3A_305 : memref<128x64xbf16, #tpu.memory_space<vmem>>)
    %dma_start3A_312 = arith.constant 2 : i32
    %dma_start3A_313 = arith.constant 74 : i32
    %dma_start3A_314 = arith.constant 0 : i32
    %dma_start3A_315 = arith.constant 0 : i32
    %dma_start3A_316 = tpu.memref_slice %arg10[%dma_start3A_312, %dma_start3A_314, %dma_start3A_315] : memref<12x128x64xbf16, #tpu.memory_space<vmem>> -> memref<1x128x64xbf16, #tpu.memory_space<vmem>>
    %dma_start3A_317 = tpu.memref_squeeze %dma_start3A_316 : memref<1x128x64xbf16, #tpu.memory_space<vmem>> -> memref<128x64xbf16, #tpu.memory_space<vmem>>
    %dma_start3A_318 = arith.constant 0 : i32
    %dma_start3A_319 = tpu.memref_slice %arg9[%dma_start3A_313, %dma_start3A_318] : memref<80x128xi32, #tpu.memory_space<vmem>> -> memref<1x128xi32, #tpu.memory_space<vmem>>
    %dma_start3A_320 = tpu.memref_squeeze %dma_start3A_319 : memref<1x128xi32, #tpu.memory_space<vmem>> -> memref<128xi32, #tpu.memory_space<vmem>>
    %dma_start3A_321 = arith.constant 0 : i32
    %dma_start3A_322 = arith.constant 0 : i32
    %dma_start3A_323 = tpu.memref_slice %arg7[%dma_start3A_321, %dma_start3A_322] : memref<10240x64xbf16, #tpu.memory_space<vmem_shared>> -> memref<10240x64xbf16, #tpu.memory_space<vmem_shared>>
    tpu.enqueue_indirect_dma source(%dma_start3A_317 : memref<128x64xbf16, #tpu.memory_space<vmem>>) target(%dma_start3A_323 : memref<10240x64xbf16, #tpu.memory_space<vmem_shared>>) offsets(%dma_start3A_320 : memref<128xi32, #tpu.memory_space<vmem>>) semaphore(%arg12 : memref<!tpu.dma_semaphore, #tpu.memory_space<semaphore_mem>>) {add = true}
    %dma_wait3A_324 = arith.constant 0 : i32
    %dma_wait3A_325 = arith.constant 3 : i32
    %dma_wait3A_326 = arith.constant 0 : i32
    %dma_wait3A_327 = arith.constant 0 : i32
    %dma_wait3A_328 = tpu.memref_slice %arg10[%dma_wait3A_325, %dma_wait3A_326, %dma_wait3A_327] : memref<12x128x64xbf16, #tpu.memory_space<vmem>> -> memref<1x128x64xbf16, #tpu.memory_space<vmem>>
    %dma_wait3A_329 = tpu.memref_squeeze %dma_wait3A_328 : memref<1x128x64xbf16, #tpu.memory_space<vmem>> -> memref<128x64xbf16, #tpu.memory_space<vmem>>
    %dma_wait3A_330 = arith.constant 0 : i32
    %dma_wait3A_331 = tpu.memref_slice %arg8[%dma_wait3A_324, %dma_wait3A_330] : memref<80x128xi32, #tpu.memory_space<vmem>> -> memref<1x128xi32, #tpu.memory_space<vmem>>
    %dma_wait3A_332 = tpu.memref_squeeze %dma_wait3A_331 : memref<1x128xi32, #tpu.memory_space<vmem>> -> memref<128xi32, #tpu.memory_space<vmem>>
    %dma_wait3A_333 = arith.constant 0 : i32
    %dma_wait3A_334 = arith.constant 0 : i32
    %dma_wait3A_335 = tpu.memref_slice %arg2[%dma_wait3A_333, %dma_wait3A_334] : memref<10240x64xbf16, #tpu.memory_space<hbm>> -> memref<10240x64xbf16, #tpu.memory_space<hbm>>
    tpu.wait_indirect_dma semaphore(%arg11 : memref<!tpu.dma_semaphore, #tpu.memory_space<semaphore_mem>>) src(%dma_wait3A_335 : memref<10240x64xbf16, #tpu.memory_space<hbm>>) dst(%dma_wait3A_329 : memref<128x64xbf16, #tpu.memory_space<vmem>>)
    %dma_start3A_336 = arith.constant 3 : i32
    %dma_start3A_337 = arith.constant 75 : i32
    %dma_start3A_338 = arith.constant 0 : i32
    %dma_start3A_339 = arith.constant 0 : i32
    %dma_start3A_340 = tpu.memref_slice %arg10[%dma_start3A_336, %dma_start3A_338, %dma_start3A_339] : memref<12x128x64xbf16, #tpu.memory_space<vmem>> -> memref<1x128x64xbf16, #tpu.memory_space<vmem>>
    %dma_start3A_341 = tpu.memref_squeeze %dma_start3A_340 : memref<1x128x64xbf16, #tpu.memory_space<vmem>> -> memref<128x64xbf16, #tpu.memory_space<vmem>>
    %dma_start3A_342 = arith.constant 0 : i32
    %dma_start3A_343 = tpu.memref_slice %arg9[%dma_start3A_337, %dma_start3A_342] : memref<80x128xi32, #tpu.memory_space<vmem>> -> memref<1x128xi32, #tpu.memory_space<vmem>>
    %dma_start3A_344 = tpu.memref_squeeze %dma_start3A_343 : memref<1x128xi32, #tpu.memory_space<vmem>> -> memref<128xi32, #tpu.memory_space<vmem>>
    %dma_start3A_345 = arith.constant 0 : i32
    %dma_start3A_346 = arith.constant 0 : i32
    %dma_start3A_347 = tpu.memref_slice %arg7[%dma_start3A_345, %dma_start3A_346] : memref<10240x64xbf16, #tpu.memory_space<vmem_shared>> -> memref<10240x64xbf16, #tpu.memory_space<vmem_shared>>
    tpu.enqueue_indirect_dma source(%dma_start3A_341 : memref<128x64xbf16, #tpu.memory_space<vmem>>) target(%dma_start3A_347 : memref<10240x64xbf16, #tpu.memory_space<vmem_shared>>) offsets(%dma_start3A_344 : memref<128xi32, #tpu.memory_space<vmem>>) semaphore(%arg12 : memref<!tpu.dma_semaphore, #tpu.memory_space<semaphore_mem>>) {add = true}
    %dma_wait3A_348 = arith.constant 0 : i32
    %dma_wait3A_349 = arith.constant 4 : i32
    %dma_wait3A_350 = arith.constant 0 : i32
    %dma_wait3A_351 = arith.constant 0 : i32
    %dma_wait3A_352 = tpu.memref_slice %arg10[%dma_wait3A_349, %dma_wait3A_350, %dma_wait3A_351] : memref<12x128x64xbf16, #tpu.memory_space<vmem>> -> memref<1x128x64xbf16, #tpu.memory_space<vmem>>
    %dma_wait3A_353 = tpu.memref_squeeze %dma_wait3A_352 : memref<1x128x64xbf16, #tpu.memory_space<vmem>> -> memref<128x64xbf16, #tpu.memory_space<vmem>>
    %dma_wait3A_354 = arith.constant 0 : i32
    %dma_wait3A_355 = tpu.memref_slice %arg8[%dma_wait3A_348, %dma_wait3A_354] : memref<80x128xi32, #tpu.memory_space<vmem>> -> memref<1x128xi32, #tpu.memory_space<vmem>>
    %dma_wait3A_356 = tpu.memref_squeeze %dma_wait3A_355 : memref<1x128xi32, #tpu.memory_space<vmem>> -> memref<128xi32, #tpu.memory_space<vmem>>
    %dma_wait3A_357 = arith.constant 0 : i32
    %dma_wait3A_358 = arith.constant 0 : i32
    %dma_wait3A_359 = tpu.memref_slice %arg2[%dma_wait3A_357, %dma_wait3A_358] : memref<10240x64xbf16, #tpu.memory_space<hbm>> -> memref<10240x64xbf16, #tpu.memory_space<hbm>>
    tpu.wait_indirect_dma semaphore(%arg11 : memref<!tpu.dma_semaphore, #tpu.memory_space<semaphore_mem>>) src(%dma_wait3A_359 : memref<10240x64xbf16, #tpu.memory_space<hbm>>) dst(%dma_wait3A_353 : memref<128x64xbf16, #tpu.memory_space<vmem>>)
    %dma_start3A_360 = arith.constant 4 : i32
    %dma_start3A_361 = arith.constant 76 : i32
    %dma_start3A_362 = arith.constant 0 : i32
    %dma_start3A_363 = arith.constant 0 : i32
    %dma_start3A_364 = tpu.memref_slice %arg10[%dma_start3A_360, %dma_start3A_362, %dma_start3A_363] : memref<12x128x64xbf16, #tpu.memory_space<vmem>> -> memref<1x128x64xbf16, #tpu.memory_space<vmem>>
    %dma_start3A_365 = tpu.memref_squeeze %dma_start3A_364 : memref<1x128x64xbf16, #tpu.memory_space<vmem>> -> memref<128x64xbf16, #tpu.memory_space<vmem>>
    %dma_start3A_366 = arith.constant 0 : i32
    %dma_start3A_367 = tpu.memref_slice %arg9[%dma_start3A_361, %dma_start3A_366] : memref<80x128xi32, #tpu.memory_space<vmem>> -> memref<1x128xi32, #tpu.memory_space<vmem>>
    %dma_start3A_368 = tpu.memref_squeeze %dma_start3A_367 : memref<1x128xi32, #tpu.memory_space<vmem>> -> memref<128xi32, #tpu.memory_space<vmem>>
    %dma_start3A_369 = arith.constant 0 : i32
    %dma_start3A_370 = arith.constant 0 : i32
    %dma_start3A_371 = tpu.memref_slice %arg7[%dma_start3A_369, %dma_start3A_370] : memref<10240x64xbf16, #tpu.memory_space<vmem_shared>> -> memref<10240x64xbf16, #tpu.memory_space<vmem_shared>>
    tpu.enqueue_indirect_dma source(%dma_start3A_365 : memref<128x64xbf16, #tpu.memory_space<vmem>>) target(%dma_start3A_371 : memref<10240x64xbf16, #tpu.memory_space<vmem_shared>>) offsets(%dma_start3A_368 : memref<128xi32, #tpu.memory_space<vmem>>) semaphore(%arg12 : memref<!tpu.dma_semaphore, #tpu.memory_space<semaphore_mem>>) {add = true}
    %dma_wait3A_372 = arith.constant 0 : i32
    %dma_wait3A_373 = arith.constant 5 : i32
    %dma_wait3A_374 = arith.constant 0 : i32
    %dma_wait3A_375 = arith.constant 0 : i32
    %dma_wait3A_376 = tpu.memref_slice %arg10[%dma_wait3A_373, %dma_wait3A_374, %dma_wait3A_375] : memref<12x128x64xbf16, #tpu.memory_space<vmem>> -> memref<1x128x64xbf16, #tpu.memory_space<vmem>>
    %dma_wait3A_377 = tpu.memref_squeeze %dma_wait3A_376 : memref<1x128x64xbf16, #tpu.memory_space<vmem>> -> memref<128x64xbf16, #tpu.memory_space<vmem>>
    %dma_wait3A_378 = arith.constant 0 : i32
    %dma_wait3A_379 = tpu.memref_slice %arg8[%dma_wait3A_372, %dma_wait3A_378] : memref<80x128xi32, #tpu.memory_space<vmem>> -> memref<1x128xi32, #tpu.memory_space<vmem>>
    %dma_wait3A_380 = tpu.memref_squeeze %dma_wait3A_379 : memref<1x128xi32, #tpu.memory_space<vmem>> -> memref<128xi32, #tpu.memory_space<vmem>>
    %dma_wait3A_381 = arith.constant 0 : i32
    %dma_wait3A_382 = arith.constant 0 : i32
    %dma_wait3A_383 = tpu.memref_slice %arg2[%dma_wait3A_381, %dma_wait3A_382] : memref<10240x64xbf16, #tpu.memory_space<hbm>> -> memref<10240x64xbf16, #tpu.memory_space<hbm>>
    tpu.wait_indirect_dma semaphore(%arg11 : memref<!tpu.dma_semaphore, #tpu.memory_space<semaphore_mem>>) src(%dma_wait3A_383 : memref<10240x64xbf16, #tpu.memory_space<hbm>>) dst(%dma_wait3A_377 : memref<128x64xbf16, #tpu.memory_space<vmem>>)
    %dma_start3A_384 = arith.constant 5 : i32
    %dma_start3A_385 = arith.constant 77 : i32
    %dma_start3A_386 = arith.constant 0 : i32
    %dma_start3A_387 = arith.constant 0 : i32
    %dma_start3A_388 = tpu.memref_slice %arg10[%dma_start3A_384, %dma_start3A_386, %dma_start3A_387] : memref<12x128x64xbf16, #tpu.memory_space<vmem>> -> memref<1x128x64xbf16, #tpu.memory_space<vmem>>
    %dma_start3A_389 = tpu.memref_squeeze %dma_start3A_388 : memref<1x128x64xbf16, #tpu.memory_space<vmem>> -> memref<128x64xbf16, #tpu.memory_space<vmem>>
    %dma_start3A_390 = arith.constant 0 : i32
    %dma_start3A_391 = tpu.memref_slice %arg9[%dma_start3A_385, %dma_start3A_390] : memref<80x128xi32, #tpu.memory_space<vmem>> -> memref<1x128xi32, #tpu.memory_space<vmem>>
    %dma_start3A_392 = tpu.memref_squeeze %dma_start3A_391 : memref<1x128xi32, #tpu.memory_space<vmem>> -> memref<128xi32, #tpu.memory_space<vmem>>
    %dma_start3A_393 = arith.constant 0 : i32
    %dma_start3A_394 = arith.constant 0 : i32
    %dma_start3A_395 = tpu.memref_slice %arg7[%dma_start3A_393, %dma_start3A_394] : memref<10240x64xbf16, #tpu.memory_space<vmem_shared>> -> memref<10240x64xbf16, #tpu.memory_space<vmem_shared>>
    tpu.enqueue_indirect_dma source(%dma_start3A_389 : memref<128x64xbf16, #tpu.memory_space<vmem>>) target(%dma_start3A_395 : memref<10240x64xbf16, #tpu.memory_space<vmem_shared>>) offsets(%dma_start3A_392 : memref<128xi32, #tpu.memory_space<vmem>>) semaphore(%arg12 : memref<!tpu.dma_semaphore, #tpu.memory_space<semaphore_mem>>) {add = true}
    %dma_wait3A_396 = arith.constant 0 : i32
    %dma_wait3A_397 = arith.constant 6 : i32
    %dma_wait3A_398 = arith.constant 0 : i32
    %dma_wait3A_399 = arith.constant 0 : i32
    %dma_wait3A_400 = tpu.memref_slice %arg10[%dma_wait3A_397, %dma_wait3A_398, %dma_wait3A_399] : memref<12x128x64xbf16, #tpu.memory_space<vmem>> -> memref<1x128x64xbf16, #tpu.memory_space<vmem>>
    %dma_wait3A_401 = tpu.memref_squeeze %dma_wait3A_400 : memref<1x128x64xbf16, #tpu.memory_space<vmem>> -> memref<128x64xbf16, #tpu.memory_space<vmem>>
    %dma_wait3A_402 = arith.constant 0 : i32
    %dma_wait3A_403 = tpu.memref_slice %arg8[%dma_wait3A_396, %dma_wait3A_402] : memref<80x128xi32, #tpu.memory_space<vmem>> -> memref<1x128xi32, #tpu.memory_space<vmem>>
    %dma_wait3A_404 = tpu.memref_squeeze %dma_wait3A_403 : memref<1x128xi32, #tpu.memory_space<vmem>> -> memref<128xi32, #tpu.memory_space<vmem>>
    %dma_wait3A_405 = arith.constant 0 : i32
    %dma_wait3A_406 = arith.constant 0 : i32
    %dma_wait3A_407 = tpu.memref_slice %arg2[%dma_wait3A_405, %dma_wait3A_406] : memref<10240x64xbf16, #tpu.memory_space<hbm>> -> memref<10240x64xbf16, #tpu.memory_space<hbm>>
    tpu.wait_indirect_dma semaphore(%arg11 : memref<!tpu.dma_semaphore, #tpu.memory_space<semaphore_mem>>) src(%dma_wait3A_407 : memref<10240x64xbf16, #tpu.memory_space<hbm>>) dst(%dma_wait3A_401 : memref<128x64xbf16, #tpu.memory_space<vmem>>)
    %dma_start3A_408 = arith.constant 6 : i32
    %dma_start3A_409 = arith.constant 78 : i32
    %dma_start3A_410 = arith.constant 0 : i32
    %dma_start3A_411 = arith.constant 0 : i32
    %dma_start3A_412 = tpu.memref_slice %arg10[%dma_start3A_408, %dma_start3A_410, %dma_start3A_411] : memref<12x128x64xbf16, #tpu.memory_space<vmem>> -> memref<1x128x64xbf16, #tpu.memory_space<vmem>>
    %dma_start3A_413 = tpu.memref_squeeze %dma_start3A_412 : memref<1x128x64xbf16, #tpu.memory_space<vmem>> -> memref<128x64xbf16, #tpu.memory_space<vmem>>
    %dma_start3A_414 = arith.constant 0 : i32
    %dma_start3A_415 = tpu.memref_slice %arg9[%dma_start3A_409, %dma_start3A_414] : memref<80x128xi32, #tpu.memory_space<vmem>> -> memref<1x128xi32, #tpu.memory_space<vmem>>
    %dma_start3A_416 = tpu.memref_squeeze %dma_start3A_415 : memref<1x128xi32, #tpu.memory_space<vmem>> -> memref<128xi32, #tpu.memory_space<vmem>>
    %dma_start3A_417 = arith.constant 0 : i32
    %dma_start3A_418 = arith.constant 0 : i32
    %dma_start3A_419 = tpu.memref_slice %arg7[%dma_start3A_417, %dma_start3A_418] : memref<10240x64xbf16, #tpu.memory_space<vmem_shared>> -> memref<10240x64xbf16, #tpu.memory_space<vmem_shared>>
    tpu.enqueue_indirect_dma source(%dma_start3A_413 : memref<128x64xbf16, #tpu.memory_space<vmem>>) target(%dma_start3A_419 : memref<10240x64xbf16, #tpu.memory_space<vmem_shared>>) offsets(%dma_start3A_416 : memref<128xi32, #tpu.memory_space<vmem>>) semaphore(%arg12 : memref<!tpu.dma_semaphore, #tpu.memory_space<semaphore_mem>>) {add = true}
    %dma_wait3A_420 = arith.constant 0 : i32
    %dma_wait3A_421 = arith.constant 7 : i32
    %dma_wait3A_422 = arith.constant 0 : i32
    %dma_wait3A_423 = arith.constant 0 : i32
    %dma_wait3A_424 = tpu.memref_slice %arg10[%dma_wait3A_421, %dma_wait3A_422, %dma_wait3A_423] : memref<12x128x64xbf16, #tpu.memory_space<vmem>> -> memref<1x128x64xbf16, #tpu.memory_space<vmem>>
    %dma_wait3A_425 = tpu.memref_squeeze %dma_wait3A_424 : memref<1x128x64xbf16, #tpu.memory_space<vmem>> -> memref<128x64xbf16, #tpu.memory_space<vmem>>
    %dma_wait3A_426 = arith.constant 0 : i32
    %dma_wait3A_427 = tpu.memref_slice %arg8[%dma_wait3A_420, %dma_wait3A_426] : memref<80x128xi32, #tpu.memory_space<vmem>> -> memref<1x128xi32, #tpu.memory_space<vmem>>
    %dma_wait3A_428 = tpu.memref_squeeze %dma_wait3A_427 : memref<1x128xi32, #tpu.memory_space<vmem>> -> memref<128xi32, #tpu.memory_space<vmem>>
    %dma_wait3A_429 = arith.constant 0 : i32
    %dma_wait3A_430 = arith.constant 0 : i32
    %dma_wait3A_431 = tpu.memref_slice %arg2[%dma_wait3A_429, %dma_wait3A_430] : memref<10240x64xbf16, #tpu.memory_space<hbm>> -> memref<10240x64xbf16, #tpu.memory_space<hbm>>
    tpu.wait_indirect_dma semaphore(%arg11 : memref<!tpu.dma_semaphore, #tpu.memory_space<semaphore_mem>>) src(%dma_wait3A_431 : memref<10240x64xbf16, #tpu.memory_space<hbm>>) dst(%dma_wait3A_425 : memref<128x64xbf16, #tpu.memory_space<vmem>>)
    %dma_start3A_432 = arith.constant 7 : i32
    %dma_start3A_433 = arith.constant 79 : i32
    %dma_start3A_434 = arith.constant 0 : i32
    %dma_start3A_435 = arith.constant 0 : i32
    %dma_start3A_436 = tpu.memref_slice %arg10[%dma_start3A_432, %dma_start3A_434, %dma_start3A_435] : memref<12x128x64xbf16, #tpu.memory_space<vmem>> -> memref<1x128x64xbf16, #tpu.memory_space<vmem>>
    %dma_start3A_437 = tpu.memref_squeeze %dma_start3A_436 : memref<1x128x64xbf16, #tpu.memory_space<vmem>> -> memref<128x64xbf16, #tpu.memory_space<vmem>>
    %dma_start3A_438 = arith.constant 0 : i32
    %dma_start3A_439 = tpu.memref_slice %arg9[%dma_start3A_433, %dma_start3A_438] : memref<80x128xi32, #tpu.memory_space<vmem>> -> memref<1x128xi32, #tpu.memory_space<vmem>>
    %dma_start3A_440 = tpu.memref_squeeze %dma_start3A_439 : memref<1x128xi32, #tpu.memory_space<vmem>> -> memref<128xi32, #tpu.memory_space<vmem>>
    %dma_start3A_441 = arith.constant 0 : i32
    %dma_start3A_442 = arith.constant 0 : i32
    %dma_start3A_443 = tpu.memref_slice %arg7[%dma_start3A_441, %dma_start3A_442] : memref<10240x64xbf16, #tpu.memory_space<vmem_shared>> -> memref<10240x64xbf16, #tpu.memory_space<vmem_shared>>
    tpu.enqueue_indirect_dma source(%dma_start3A_437 : memref<128x64xbf16, #tpu.memory_space<vmem>>) target(%dma_start3A_443 : memref<10240x64xbf16, #tpu.memory_space<vmem_shared>>) offsets(%dma_start3A_440 : memref<128xi32, #tpu.memory_space<vmem>>) semaphore(%arg12 : memref<!tpu.dma_semaphore, #tpu.memory_space<semaphore_mem>>) {add = true}
    %dma_wait3A_444 = arith.constant 0 : i32
    %dma_wait3A_445 = arith.constant 0 : i32
    %dma_wait3A_446 = arith.constant 0 : i32
    %dma_wait3A_447 = arith.constant 0 : i32
    %dma_wait3A_448 = tpu.memref_slice %arg10[%dma_wait3A_444, %dma_wait3A_446, %dma_wait3A_447] : memref<12x128x64xbf16, #tpu.memory_space<vmem>> -> memref<1x128x64xbf16, #tpu.memory_space<vmem>>
    %dma_wait3A_449 = tpu.memref_squeeze %dma_wait3A_448 : memref<1x128x64xbf16, #tpu.memory_space<vmem>> -> memref<128x64xbf16, #tpu.memory_space<vmem>>
    %dma_wait3A_450 = arith.constant 0 : i32
    %dma_wait3A_451 = tpu.memref_slice %arg9[%dma_wait3A_445, %dma_wait3A_450] : memref<80x128xi32, #tpu.memory_space<vmem>> -> memref<1x128xi32, #tpu.memory_space<vmem>>
    %dma_wait3A_452 = tpu.memref_squeeze %dma_wait3A_451 : memref<1x128xi32, #tpu.memory_space<vmem>> -> memref<128xi32, #tpu.memory_space<vmem>>
    %dma_wait3A_453 = arith.constant 0 : i32
    %dma_wait3A_454 = arith.constant 0 : i32
    %dma_wait3A_455 = tpu.memref_slice %arg7[%dma_wait3A_453, %dma_wait3A_454] : memref<10240x64xbf16, #tpu.memory_space<vmem_shared>> -> memref<10240x64xbf16, #tpu.memory_space<vmem_shared>>
    tpu.wait_indirect_dma semaphore(%arg12 : memref<!tpu.dma_semaphore, #tpu.memory_space<semaphore_mem>>) src(%dma_wait3A_449 : memref<128x64xbf16, #tpu.memory_space<vmem>>) dst(%dma_wait3A_455 : memref<10240x64xbf16, #tpu.memory_space<vmem_shared>>)
    %dma_wait3A_456 = arith.constant 0 : i32
    %dma_wait3A_457 = arith.constant 0 : i32
    %dma_wait3A_458 = arith.constant 0 : i32
    %dma_wait3A_459 = arith.constant 0 : i32
    %dma_wait3A_460 = tpu.memref_slice %arg10[%dma_wait3A_456, %dma_wait3A_458, %dma_wait3A_459] : memref<12x128x64xbf16, #tpu.memory_space<vmem>> -> memref<1x128x64xbf16, #tpu.memory_space<vmem>>
    %dma_wait3A_461 = tpu.memref_squeeze %dma_wait3A_460 : memref<1x128x64xbf16, #tpu.memory_space<vmem>> -> memref<128x64xbf16, #tpu.memory_space<vmem>>
    %dma_wait3A_462 = arith.constant 0 : i32
    %dma_wait3A_463 = tpu.memref_slice %arg9[%dma_wait3A_457, %dma_wait3A_462] : memref<80x128xi32, #tpu.memory_space<vmem>> -> memref<1x128xi32, #tpu.memory_space<vmem>>
    %dma_wait3A_464 = tpu.memref_squeeze %dma_wait3A_463 : memref<1x128xi32, #tpu.memory_space<vmem>> -> memref<128xi32, #tpu.memory_space<vmem>>
    %dma_wait3A_465 = arith.constant 0 : i32
    %dma_wait3A_466 = arith.constant 0 : i32
    %dma_wait3A_467 = tpu.memref_slice %arg7[%dma_wait3A_465, %dma_wait3A_466] : memref<10240x64xbf16, #tpu.memory_space<vmem_shared>> -> memref<10240x64xbf16, #tpu.memory_space<vmem_shared>>
    tpu.wait_indirect_dma semaphore(%arg12 : memref<!tpu.dma_semaphore, #tpu.memory_space<semaphore_mem>>) src(%dma_wait3A_461 : memref<128x64xbf16, #tpu.memory_space<vmem>>) dst(%dma_wait3A_467 : memref<10240x64xbf16, #tpu.memory_space<vmem_shared>>)
    %dma_wait3A_468 = arith.constant 0 : i32
    %dma_wait3A_469 = arith.constant 0 : i32
    %dma_wait3A_470 = arith.constant 0 : i32
    %dma_wait3A_471 = arith.constant 0 : i32
    %dma_wait3A_472 = tpu.memref_slice %arg10[%dma_wait3A_468, %dma_wait3A_470, %dma_wait3A_471] : memref<12x128x64xbf16, #tpu.memory_space<vmem>> -> memref<1x128x64xbf16, #tpu.memory_space<vmem>>
    %dma_wait3A_473 = tpu.memref_squeeze %dma_wait3A_472 : memref<1x128x64xbf16, #tpu.memory_space<vmem>> -> memref<128x64xbf16, #tpu.memory_space<vmem>>
    %dma_wait3A_474 = arith.constant 0 : i32
    %dma_wait3A_475 = tpu.memref_slice %arg9[%dma_wait3A_469, %dma_wait3A_474] : memref<80x128xi32, #tpu.memory_space<vmem>> -> memref<1x128xi32, #tpu.memory_space<vmem>>
    %dma_wait3A_476 = tpu.memref_squeeze %dma_wait3A_475 : memref<1x128xi32, #tpu.memory_space<vmem>> -> memref<128xi32, #tpu.memory_space<vmem>>
    %dma_wait3A_477 = arith.constant 0 : i32
    %dma_wait3A_478 = arith.constant 0 : i32
    %dma_wait3A_479 = tpu.memref_slice %arg7[%dma_wait3A_477, %dma_wait3A_478] : memref<10240x64xbf16, #tpu.memory_space<vmem_shared>> -> memref<10240x64xbf16, #tpu.memory_space<vmem_shared>>
    tpu.wait_indirect_dma semaphore(%arg12 : memref<!tpu.dma_semaphore, #tpu.memory_space<semaphore_mem>>) src(%dma_wait3A_473 : memref<128x64xbf16, #tpu.memory_space<vmem>>) dst(%dma_wait3A_479 : memref<10240x64xbf16, #tpu.memory_space<vmem_shared>>)
    %dma_wait3A_480 = arith.constant 0 : i32
    %dma_wait3A_481 = arith.constant 0 : i32
    %dma_wait3A_482 = arith.constant 0 : i32
    %dma_wait3A_483 = arith.constant 0 : i32
    %dma_wait3A_484 = tpu.memref_slice %arg10[%dma_wait3A_480, %dma_wait3A_482, %dma_wait3A_483] : memref<12x128x64xbf16, #tpu.memory_space<vmem>> -> memref<1x128x64xbf16, #tpu.memory_space<vmem>>
    %dma_wait3A_485 = tpu.memref_squeeze %dma_wait3A_484 : memref<1x128x64xbf16, #tpu.memory_space<vmem>> -> memref<128x64xbf16, #tpu.memory_space<vmem>>
    %dma_wait3A_486 = arith.constant 0 : i32
    %dma_wait3A_487 = tpu.memref_slice %arg9[%dma_wait3A_481, %dma_wait3A_486] : memref<80x128xi32, #tpu.memory_space<vmem>> -> memref<1x128xi32, #tpu.memory_space<vmem>>
    %dma_wait3A_488 = tpu.memref_squeeze %dma_wait3A_487 : memref<1x128xi32, #tpu.memory_space<vmem>> -> memref<128xi32, #tpu.memory_space<vmem>>
    %dma_wait3A_489 = arith.constant 0 : i32
    %dma_wait3A_490 = arith.constant 0 : i32
    %dma_wait3A_491 = tpu.memref_slice %arg7[%dma_wait3A_489, %dma_wait3A_490] : memref<10240x64xbf16, #tpu.memory_space<vmem_shared>> -> memref<10240x64xbf16, #tpu.memory_space<vmem_shared>>
    tpu.wait_indirect_dma semaphore(%arg12 : memref<!tpu.dma_semaphore, #tpu.memory_space<semaphore_mem>>) src(%dma_wait3A_485 : memref<128x64xbf16, #tpu.memory_space<vmem>>) dst(%dma_wait3A_491 : memref<10240x64xbf16, #tpu.memory_space<vmem_shared>>)
    %dma_wait3A_492 = arith.constant 0 : i32
    %dma_wait3A_493 = arith.constant 0 : i32
    %dma_wait3A_494 = arith.constant 0 : i32
    %dma_wait3A_495 = arith.constant 0 : i32
    %dma_wait3A_496 = tpu.memref_slice %arg10[%dma_wait3A_492, %dma_wait3A_494, %dma_wait3A_495] : memref<12x128x64xbf16, #tpu.memory_space<vmem>> -> memref<1x128x64xbf16, #tpu.memory_space<vmem>>
    %dma_wait3A_497 = tpu.memref_squeeze %dma_wait3A_496 : memref<1x128x64xbf16, #tpu.memory_space<vmem>> -> memref<128x64xbf16, #tpu.memory_space<vmem>>
    %dma_wait3A_498 = arith.constant 0 : i32
    %dma_wait3A_499 = tpu.memref_slice %arg9[%dma_wait3A_493, %dma_wait3A_498] : memref<80x128xi32, #tpu.memory_space<vmem>> -> memref<1x128xi32, #tpu.memory_space<vmem>>
    %dma_wait3A_500 = tpu.memref_squeeze %dma_wait3A_499 : memref<1x128xi32, #tpu.memory_space<vmem>> -> memref<128xi32, #tpu.memory_space<vmem>>
    %dma_wait3A_501 = arith.constant 0 : i32
    %dma_wait3A_502 = arith.constant 0 : i32
    %dma_wait3A_503 = tpu.memref_slice %arg7[%dma_wait3A_501, %dma_wait3A_502] : memref<10240x64xbf16, #tpu.memory_space<vmem_shared>> -> memref<10240x64xbf16, #tpu.memory_space<vmem_shared>>
    tpu.wait_indirect_dma semaphore(%arg12 : memref<!tpu.dma_semaphore, #tpu.memory_space<semaphore_mem>>) src(%dma_wait3A_497 : memref<128x64xbf16, #tpu.memory_space<vmem>>) dst(%dma_wait3A_503 : memref<10240x64xbf16, #tpu.memory_space<vmem_shared>>)
    %dma_wait3A_504 = arith.constant 0 : i32
    %dma_wait3A_505 = arith.constant 0 : i32
    %dma_wait3A_506 = arith.constant 0 : i32
    %dma_wait3A_507 = arith.constant 0 : i32
    %dma_wait3A_508 = tpu.memref_slice %arg10[%dma_wait3A_504, %dma_wait3A_506, %dma_wait3A_507] : memref<12x128x64xbf16, #tpu.memory_space<vmem>> -> memref<1x128x64xbf16, #tpu.memory_space<vmem>>
    %dma_wait3A_509 = tpu.memref_squeeze %dma_wait3A_508 : memref<1x128x64xbf16, #tpu.memory_space<vmem>> -> memref<128x64xbf16, #tpu.memory_space<vmem>>
    %dma_wait3A_510 = arith.constant 0 : i32
    %dma_wait3A_511 = tpu.memref_slice %arg9[%dma_wait3A_505, %dma_wait3A_510] : memref<80x128xi32, #tpu.memory_space<vmem>> -> memref<1x128xi32, #tpu.memory_space<vmem>>
    %dma_wait3A_512 = tpu.memref_squeeze %dma_wait3A_511 : memref<1x128xi32, #tpu.memory_space<vmem>> -> memref<128xi32, #tpu.memory_space<vmem>>
    %dma_wait3A_513 = arith.constant 0 : i32
    %dma_wait3A_514 = arith.constant 0 : i32
    %dma_wait3A_515 = tpu.memref_slice %arg7[%dma_wait3A_513, %dma_wait3A_514] : memref<10240x64xbf16, #tpu.memory_space<vmem_shared>> -> memref<10240x64xbf16, #tpu.memory_space<vmem_shared>>
    tpu.wait_indirect_dma semaphore(%arg12 : memref<!tpu.dma_semaphore, #tpu.memory_space<semaphore_mem>>) src(%dma_wait3A_509 : memref<128x64xbf16, #tpu.memory_space<vmem>>) dst(%dma_wait3A_515 : memref<10240x64xbf16, #tpu.memory_space<vmem_shared>>)
    %dma_wait3A_516 = arith.constant 0 : i32
    %dma_wait3A_517 = arith.constant 0 : i32
    %dma_wait3A_518 = arith.constant 0 : i32
    %dma_wait3A_519 = arith.constant 0 : i32
    %dma_wait3A_520 = tpu.memref_slice %arg10[%dma_wait3A_516, %dma_wait3A_518, %dma_wait3A_519] : memref<12x128x64xbf16, #tpu.memory_space<vmem>> -> memref<1x128x64xbf16, #tpu.memory_space<vmem>>
    %dma_wait3A_521 = tpu.memref_squeeze %dma_wait3A_520 : memref<1x128x64xbf16, #tpu.memory_space<vmem>> -> memref<128x64xbf16, #tpu.memory_space<vmem>>
    %dma_wait3A_522 = arith.constant 0 : i32
    %dma_wait3A_523 = tpu.memref_slice %arg9[%dma_wait3A_517, %dma_wait3A_522] : memref<80x128xi32, #tpu.memory_space<vmem>> -> memref<1x128xi32, #tpu.memory_space<vmem>>
    %dma_wait3A_524 = tpu.memref_squeeze %dma_wait3A_523 : memref<1x128xi32, #tpu.memory_space<vmem>> -> memref<128xi32, #tpu.memory_space<vmem>>
    %dma_wait3A_525 = arith.constant 0 : i32
    %dma_wait3A_526 = arith.constant 0 : i32
    %dma_wait3A_527 = tpu.memref_slice %arg7[%dma_wait3A_525, %dma_wait3A_526] : memref<10240x64xbf16, #tpu.memory_space<vmem_shared>> -> memref<10240x64xbf16, #tpu.memory_space<vmem_shared>>
    tpu.wait_indirect_dma semaphore(%arg12 : memref<!tpu.dma_semaphore, #tpu.memory_space<semaphore_mem>>) src(%dma_wait3A_521 : memref<128x64xbf16, #tpu.memory_space<vmem>>) dst(%dma_wait3A_527 : memref<10240x64xbf16, #tpu.memory_space<vmem_shared>>)
    %dma_wait3A_528 = arith.constant 0 : i32
    %dma_wait3A_529 = arith.constant 0 : i32
    %dma_wait3A_530 = arith.constant 0 : i32
    %dma_wait3A_531 = arith.constant 0 : i32
    %dma_wait3A_532 = tpu.memref_slice %arg10[%dma_wait3A_528, %dma_wait3A_530, %dma_wait3A_531] : memref<12x128x64xbf16, #tpu.memory_space<vmem>> -> memref<1x128x64xbf16, #tpu.memory_space<vmem>>
    %dma_wait3A_533 = tpu.memref_squeeze %dma_wait3A_532 : memref<1x128x64xbf16, #tpu.memory_space<vmem>> -> memref<128x64xbf16, #tpu.memory_space<vmem>>
    %dma_wait3A_534 = arith.constant 0 : i32
    %dma_wait3A_535 = tpu.memref_slice %arg9[%dma_wait3A_529, %dma_wait3A_534] : memref<80x128xi32, #tpu.memory_space<vmem>> -> memref<1x128xi32, #tpu.memory_space<vmem>>
    %dma_wait3A_536 = tpu.memref_squeeze %dma_wait3A_535 : memref<1x128xi32, #tpu.memory_space<vmem>> -> memref<128xi32, #tpu.memory_space<vmem>>
    %dma_wait3A_537 = arith.constant 0 : i32
    %dma_wait3A_538 = arith.constant 0 : i32
    %dma_wait3A_539 = tpu.memref_slice %arg7[%dma_wait3A_537, %dma_wait3A_538] : memref<10240x64xbf16, #tpu.memory_space<vmem_shared>> -> memref<10240x64xbf16, #tpu.memory_space<vmem_shared>>
    tpu.wait_indirect_dma semaphore(%arg12 : memref<!tpu.dma_semaphore, #tpu.memory_space<semaphore_mem>>) src(%dma_wait3A_533 : memref<128x64xbf16, #tpu.memory_space<vmem>>) dst(%dma_wait3A_539 : memref<10240x64xbf16, #tpu.memory_space<vmem_shared>>)
    %dma_wait3A_540 = arith.constant 0 : i32
    %dma_wait3A_541 = arith.constant 0 : i32
    %dma_wait3A_542 = arith.constant 0 : i32
    %dma_wait3A_543 = arith.constant 0 : i32
    %dma_wait3A_544 = tpu.memref_slice %arg10[%dma_wait3A_540, %dma_wait3A_542, %dma_wait3A_543] : memref<12x128x64xbf16, #tpu.memory_space<vmem>> -> memref<1x128x64xbf16, #tpu.memory_space<vmem>>
    %dma_wait3A_545 = tpu.memref_squeeze %dma_wait3A_544 : memref<1x128x64xbf16, #tpu.memory_space<vmem>> -> memref<128x64xbf16, #tpu.memory_space<vmem>>
    %dma_wait3A_546 = arith.constant 0 : i32
    %dma_wait3A_547 = tpu.memref_slice %arg9[%dma_wait3A_541, %dma_wait3A_546] : memref<80x128xi32, #tpu.memory_space<vmem>> -> memref<1x128xi32, #tpu.memory_space<vmem>>
    %dma_wait3A_548 = tpu.memref_squeeze %dma_wait3A_547 : memref<1x128xi32, #tpu.memory_space<vmem>> -> memref<128xi32, #tpu.memory_space<vmem>>
    %dma_wait3A_549 = arith.constant 0 : i32
    %dma_wait3A_550 = arith.constant 0 : i32
    %dma_wait3A_551 = tpu.memref_slice %arg7[%dma_wait3A_549, %dma_wait3A_550] : memref<10240x64xbf16, #tpu.memory_space<vmem_shared>> -> memref<10240x64xbf16, #tpu.memory_space<vmem_shared>>
    tpu.wait_indirect_dma semaphore(%arg12 : memref<!tpu.dma_semaphore, #tpu.memory_space<semaphore_mem>>) src(%dma_wait3A_545 : memref<128x64xbf16, #tpu.memory_space<vmem>>) dst(%dma_wait3A_551 : memref<10240x64xbf16, #tpu.memory_space<vmem_shared>>)
    %dma_wait3A_552 = arith.constant 0 : i32
    %dma_wait3A_553 = arith.constant 0 : i32
    %dma_wait3A_554 = arith.constant 0 : i32
    %dma_wait3A_555 = arith.constant 0 : i32
    %dma_wait3A_556 = tpu.memref_slice %arg10[%dma_wait3A_552, %dma_wait3A_554, %dma_wait3A_555] : memref<12x128x64xbf16, #tpu.memory_space<vmem>> -> memref<1x128x64xbf16, #tpu.memory_space<vmem>>
    %dma_wait3A_557 = tpu.memref_squeeze %dma_wait3A_556 : memref<1x128x64xbf16, #tpu.memory_space<vmem>> -> memref<128x64xbf16, #tpu.memory_space<vmem>>
    %dma_wait3A_558 = arith.constant 0 : i32
    %dma_wait3A_559 = tpu.memref_slice %arg9[%dma_wait3A_553, %dma_wait3A_558] : memref<80x128xi32, #tpu.memory_space<vmem>> -> memref<1x128xi32, #tpu.memory_space<vmem>>
    %dma_wait3A_560 = tpu.memref_squeeze %dma_wait3A_559 : memref<1x128xi32, #tpu.memory_space<vmem>> -> memref<128xi32, #tpu.memory_space<vmem>>
    %dma_wait3A_561 = arith.constant 0 : i32
    %dma_wait3A_562 = arith.constant 0 : i32
    %dma_wait3A_563 = tpu.memref_slice %arg7[%dma_wait3A_561, %dma_wait3A_562] : memref<10240x64xbf16, #tpu.memory_space<vmem_shared>> -> memref<10240x64xbf16, #tpu.memory_space<vmem_shared>>
    tpu.wait_indirect_dma semaphore(%arg12 : memref<!tpu.dma_semaphore, #tpu.memory_space<semaphore_mem>>) src(%dma_wait3A_557 : memref<128x64xbf16, #tpu.memory_space<vmem>>) dst(%dma_wait3A_563 : memref<10240x64xbf16, #tpu.memory_space<vmem_shared>>)
    %dma_wait3A_564 = arith.constant 0 : i32
    %dma_wait3A_565 = arith.constant 0 : i32
    %dma_wait3A_566 = arith.constant 0 : i32
    %dma_wait3A_567 = arith.constant 0 : i32
    %dma_wait3A_568 = tpu.memref_slice %arg10[%dma_wait3A_564, %dma_wait3A_566, %dma_wait3A_567] : memref<12x128x64xbf16, #tpu.memory_space<vmem>> -> memref<1x128x64xbf16, #tpu.memory_space<vmem>>
    %dma_wait3A_569 = tpu.memref_squeeze %dma_wait3A_568 : memref<1x128x64xbf16, #tpu.memory_space<vmem>> -> memref<128x64xbf16, #tpu.memory_space<vmem>>
    %dma_wait3A_570 = arith.constant 0 : i32
    %dma_wait3A_571 = tpu.memref_slice %arg9[%dma_wait3A_565, %dma_wait3A_570] : memref<80x128xi32, #tpu.memory_space<vmem>> -> memref<1x128xi32, #tpu.memory_space<vmem>>
    %dma_wait3A_572 = tpu.memref_squeeze %dma_wait3A_571 : memref<1x128xi32, #tpu.memory_space<vmem>> -> memref<128xi32, #tpu.memory_space<vmem>>
    %dma_wait3A_573 = arith.constant 0 : i32
    %dma_wait3A_574 = arith.constant 0 : i32
    %dma_wait3A_575 = tpu.memref_slice %arg7[%dma_wait3A_573, %dma_wait3A_574] : memref<10240x64xbf16, #tpu.memory_space<vmem_shared>> -> memref<10240x64xbf16, #tpu.memory_space<vmem_shared>>
    tpu.wait_indirect_dma semaphore(%arg12 : memref<!tpu.dma_semaphore, #tpu.memory_space<semaphore_mem>>) src(%dma_wait3A_569 : memref<128x64xbf16, #tpu.memory_space<vmem>>) dst(%dma_wait3A_575 : memref<10240x64xbf16, #tpu.memory_space<vmem_shared>>)
    %dma_wait3A_576 = arith.constant 0 : i32
    %dma_wait3A_577 = arith.constant 0 : i32
    %dma_wait3A_578 = arith.constant 0 : i32
    %dma_wait3A_579 = arith.constant 0 : i32
    %dma_wait3A_580 = tpu.memref_slice %arg10[%dma_wait3A_576, %dma_wait3A_578, %dma_wait3A_579] : memref<12x128x64xbf16, #tpu.memory_space<vmem>> -> memref<1x128x64xbf16, #tpu.memory_space<vmem>>
    %dma_wait3A_581 = tpu.memref_squeeze %dma_wait3A_580 : memref<1x128x64xbf16, #tpu.memory_space<vmem>> -> memref<128x64xbf16, #tpu.memory_space<vmem>>
    %dma_wait3A_582 = arith.constant 0 : i32
    %dma_wait3A_583 = tpu.memref_slice %arg9[%dma_wait3A_577, %dma_wait3A_582] : memref<80x128xi32, #tpu.memory_space<vmem>> -> memref<1x128xi32, #tpu.memory_space<vmem>>
    %dma_wait3A_584 = tpu.memref_squeeze %dma_wait3A_583 : memref<1x128xi32, #tpu.memory_space<vmem>> -> memref<128xi32, #tpu.memory_space<vmem>>
    %dma_wait3A_585 = arith.constant 0 : i32
    %dma_wait3A_586 = arith.constant 0 : i32
    %dma_wait3A_587 = tpu.memref_slice %arg7[%dma_wait3A_585, %dma_wait3A_586] : memref<10240x64xbf16, #tpu.memory_space<vmem_shared>> -> memref<10240x64xbf16, #tpu.memory_space<vmem_shared>>
    tpu.wait_indirect_dma semaphore(%arg12 : memref<!tpu.dma_semaphore, #tpu.memory_space<semaphore_mem>>) src(%dma_wait3A_581 : memref<128x64xbf16, #tpu.memory_space<vmem>>) dst(%dma_wait3A_587 : memref<10240x64xbf16, #tpu.memory_space<vmem_shared>>)
    %barrier3A_588 = arith.constant 0 : index
    tpu.barrier barrier_id(%barrier3A_588)
    %mul3A_589 = arith.constant 640 : i32
    %mul3A_590 = arith.muli %arg1, %mul3A_589 : i32
    %mul3A_591 = arith.constant 640 : i32
    %mul3A_592 = arith.muli %arg1, %mul3A_591 : i32
    "tpu.region"() ({
      %run_scoped3A = tpu.sem_alloc : memref<!tpu.dma_semaphore, #tpu.memory_space<semaphore_mem>>
      %dma_start3A_593 = arith.constant 0 : i32
      %dma_start3A_594 = tpu.memref_slice %arg6[%arg0, %mul3A_592, %dma_start3A_593] : memref<2x10240x64xbf16, #tpu.memory_space<hbm>> -> memref<1x640x64xbf16, #tpu.memory_space<hbm>>
      %dma_start3A_595 = tpu.memref_squeeze %dma_start3A_594 : memref<1x640x64xbf16, #tpu.memory_space<hbm>> -> memref<640x64xbf16, #tpu.memory_space<hbm>>
      %dma_start3A_596 = arith.constant 0 : i32
      %dma_start3A_597 = tpu.memref_slice %arg7[%mul3A_590, %dma_start3A_596] : memref<10240x64xbf16, #tpu.memory_space<vmem_shared>> -> memref<640x64xbf16, #tpu.memory_space<vmem_shared>>
      tpu.enqueue_dma source(%dma_start3A_597 : memref<640x64xbf16, #tpu.memory_space<vmem_shared>>) target(%dma_start3A_595 : memref<640x64xbf16, #tpu.memory_space<hbm>>) target_semaphore(%run_scoped3A : memref<!tpu.dma_semaphore, #tpu.memory_space<semaphore_mem>>)
      %dma_wait3A_598 = arith.constant 0 : i32
      %dma_wait3A_599 = tpu.memref_slice %arg6[%arg0, %mul3A_592, %dma_wait3A_598] : memref<2x10240x64xbf16, #tpu.memory_space<hbm>> -> memref<1x640x64xbf16, #tpu.memory_space<hbm>>
      %dma_wait3A_600 = tpu.memref_squeeze %dma_wait3A_599 : memref<1x640x64xbf16, #tpu.memory_space<hbm>> -> memref<640x64xbf16, #tpu.memory_space<hbm>>
      %dma_wait3A_601 = arith.constant 0 : i32
      %dma_wait3A_602 = tpu.memref_slice %arg7[%mul3A_590, %dma_wait3A_601] : memref<10240x64xbf16, #tpu.memory_space<vmem_shared>> -> memref<640x64xbf16, #tpu.memory_space<vmem_shared>>
      tpu.wait_dma2 semaphore(%run_scoped3A : memref<!tpu.dma_semaphore, #tpu.memory_space<semaphore_mem>>) src(%dma_wait3A_602 : memref<640x64xbf16, #tpu.memory_space<vmem_shared>>) dst(%dma_wait3A_600 : memref<640x64xbf16, #tpu.memory_space<hbm>>)
      tpu.yield
    }) : () -> ()
    return
  }
}

module attributes {stable_mosaic.version = 14 : i64} {
  func.func @_tc1_body(%arg0: memref<10240x128xf32, #tpu.memory_space<vmem>>, %arg1: memref<128x64xf32, #tpu.memory_space<vmem>>, %arg2: memref<2x5120x2xf32, #tpu.memory_space<vmem>>, %arg3: memref<5120x128xbf16, #tpu.memory_space<vmem>>, %arg4: memref<5120x128xf32, #tpu.memory_space<vmem>>) attributes {dimension_semantics = [], scalar_prefetch = 0 : i64, scratch_operands = 0 : i64, tpu.core_type = #tpu.core_type<tc>} {
    %get3A = arith.constant 0 : index
    %get3A_0 = arith.constant 0 : index
    %get3A_1 = arith.constant 0 : index
    %get3A_2 = vector.load %arg2[%get3A, %get3A_0, %get3A_1] : memref<2x5120x2xf32, #tpu.memory_space<vmem>>, vector<1x5120x2xf32>
    %get3A_3 = vector.shape_cast %get3A_2 : vector<1x5120x2xf32> to vector<5120x2xf32>
    %get3A_4 = arith.constant 1 : index
    %get3A_5 = arith.constant 0 : index
    %get3A_6 = arith.constant 0 : index
    %get3A_7 = vector.load %arg2[%get3A_4, %get3A_5, %get3A_6] : memref<2x5120x2xf32, #tpu.memory_space<vmem>>, vector<1x5120x2xf32>
    %get3A_8 = vector.shape_cast %get3A_7 : vector<1x5120x2xf32> to vector<5120x2xf32>
    %add3A = arith.addf %get3A_3, %get3A_8 : vector<5120x2xf32>
    %add3A_9 = arith.constant 1.000000e+00 : f32
    %add3A_10 = vector.broadcast %add3A_9 : f32 to vector<5120x2xf32>
    %add3A_11 = arith.addf %add3A, %add3A_10 : vector<5120x2xf32>
    %iota3A = tpu.iota {dimensions = array<i32: 0>} : vector<5120x2xi32>
    %iota3A_12 = tpu.iota {dimensions = array<i32: 1>} : vector<5120x2xi32>
    %mul3A = arith.constant 5120 : i32
    %mul3A_13 = vector.broadcast %mul3A : i32 to vector<5120x2xi32>
    %mul3A_14 = arith.muli %iota3A_12, %mul3A_13 : vector<5120x2xi32>
    %add3A_15 = arith.addi %iota3A, %mul3A_14 : vector<5120x2xi32>
    %lt3A = arith.constant 10000 : i32
    %lt3A_16 = vector.broadcast %lt3A : i32 to vector<5120x2xi32>
    %lt3A_17 = arith.cmpi slt, %add3A_15, %lt3A_16 : vector<5120x2xi32>
    %rsqrt3A = math.rsqrt %add3A_11 : vector<5120x2xf32>
    %jit3A = arith.constant 0.000000e+00 : f32
    %broadcast_in_dim3A = vector.broadcast %jit3A : f32 to vector<5120x2xf32>
    %select_n3A = arith.select %lt3A_17, %rsqrt3A, %broadcast_in_dim3A : vector<5120x2xi1>, vector<5120x2xf32>
    %slice3A = vector.extract_strided_slice %select_n3A {offsets = [0, 0], sizes = [5120, 1], strides = [1, 1]} : vector<5120x2xf32> to vector<5120x1xf32>
    %broadcast_in_dim3A_18 = vector.shape_cast %slice3A : vector<5120x1xf32> to vector<5120x1xf32>
    %broadcast_in_dim3A_19 = vector.broadcast %broadcast_in_dim3A_18 : vector<5120x1xf32> to vector<5120x64xf32>
    %slice3A_20 = vector.extract_strided_slice %select_n3A {offsets = [0, 1], sizes = [5120, 1], strides = [1, 1]} : vector<5120x2xf32> to vector<5120x1xf32>
    %broadcast_in_dim3A_21 = vector.shape_cast %slice3A_20 : vector<5120x1xf32> to vector<5120x1xf32>
    %broadcast_in_dim3A_22 = vector.broadcast %broadcast_in_dim3A_21 : vector<5120x1xf32> to vector<5120x64xf32>
    %get3A_23 = arith.constant 0 : index
    %get3A_24 = arith.constant 0 : index
    %get3A_25 = vector.load %arg1[%get3A_23, %get3A_24] : memref<128x64xf32, #tpu.memory_space<vmem>>, vector<128x64xf32>
    %get3A_26 = arith.constant 0 : index
    %get3A_27 = arith.constant 0 : index
    %get3A_28 = vector.load %arg0[%get3A_26, %get3A_27] : memref<10240x128xf32, #tpu.memory_space<vmem>>, vector<5120x128xf32>
    %dot_general3A = arith.constant dense<0.000000e+00> : vector<5120x64xf32>
    %dot_general3A_29 = tpu.matmul %get3A_28, %get3A_25, %dot_general3A {dimension_numbers = #tpu.dot_dimension_numbers<[1], [0], [0], [1], [0, 0, 1, 1], [], []>, transpose_lhs_hint = false} : vector<5120x128xf32>, vector<128x64xf32>, vector<5120x64xf32> -> vector<5120x64xf32>
    %get3A_30 = arith.constant 5120 : index
    %get3A_31 = arith.constant 0 : index
    %get3A_32 = vector.load %arg0[%get3A_30, %get3A_31] : memref<10240x128xf32, #tpu.memory_space<vmem>>, vector<5120x128xf32>
    %dot_general3A_33 = arith.constant dense<0.000000e+00> : vector<5120x64xf32>
    %dot_general3A_34 = tpu.matmul %get3A_32, %get3A_25, %dot_general3A_33 {dimension_numbers = #tpu.dot_dimension_numbers<[1], [0], [0], [1], [0, 0, 1, 1], [], []>, transpose_lhs_hint = false} : vector<5120x128xf32>, vector<128x64xf32>, vector<5120x64xf32> -> vector<5120x64xf32>
    %mul3A_35 = arith.mulf %dot_general3A_29, %broadcast_in_dim3A_19 : vector<5120x64xf32>
    %mul3A_36 = arith.mulf %dot_general3A_34, %broadcast_in_dim3A_22 : vector<5120x64xf32>
    %concatenate3A = tpu.concatenate %mul3A_35, %mul3A_36 in 1 : vector<5120x64xf32>, vector<5120x64xf32> -> vector<5120x128xf32>
    %convert_element_type3A = arith.truncf %concatenate3A : vector<5120x128xf32> to vector<5120x128xbf16>
    %swap3A = arith.constant 0 : index
    %swap3A_37 = arith.constant 0 : index
    %swap3A_38 = vector.load %arg3[%swap3A, %swap3A_37] : memref<5120x128xbf16, #tpu.memory_space<vmem>>, vector<5120x128xbf16>
    tpu.vector_store %arg3[%swap3A, %swap3A_37], %convert_element_type3A {strides = array<i32>} : memref<5120x128xbf16, #tpu.memory_space<vmem>>, vector<5120x128xbf16>,
    %concatenate3A_39 = tpu.concatenate %broadcast_in_dim3A_19, %broadcast_in_dim3A_22 in 1 : vector<5120x64xf32>, vector<5120x64xf32> -> vector<5120x128xf32>
    %swap3A_40 = arith.constant 0 : index
    %swap3A_41 = arith.constant 0 : index
    %swap3A_42 = vector.load %arg4[%swap3A_40, %swap3A_41] : memref<5120x128xf32, #tpu.memory_space<vmem>>, vector<5120x128xf32>
    tpu.vector_store %arg4[%swap3A_40, %swap3A_41], %concatenate3A_39 {strides = array<i32>} : memref<5120x128xf32, #tpu.memory_space<vmem>>, vector<5120x128xf32>,
    return
  }
}

module attributes {stable_mosaic.version = 14 : i64} {
  func.func @_tc2_body(%arg0: memref<2x5120x128xbf16, #tpu.memory_space<vmem>>, %arg1: memref<5120x128xbf16, #tpu.memory_space<vmem>>, %arg2: memref<5120x128xf32, #tpu.memory_space<vmem>>, %arg3: memref<1x128xf32, #tpu.memory_space<vmem>>, %arg4: memref<64x64xf32, #tpu.memory_space<vmem>>, %arg5: memref<5120x128xbf16, #tpu.memory_space<vmem>>) attributes {dimension_semantics = [], scalar_prefetch = 0 : i64, scratch_operands = 0 : i64, tpu.core_type = #tpu.core_type<tc>} {
    %get3A = arith.constant 0 : index
    %get3A_0 = arith.constant 0 : index
    %get3A_1 = vector.load %arg2[%get3A, %get3A_0] : memref<5120x128xf32, #tpu.memory_space<vmem>>, vector<5120x128xf32>
    %get3A_2 = arith.constant 0 : index
    %get3A_3 = arith.constant 0 : index
    %get3A_4 = arith.constant 0 : index
    %get3A_5 = vector.load %arg0[%get3A_2, %get3A_3, %get3A_4] : memref<2x5120x128xbf16, #tpu.memory_space<vmem>>, vector<1x5120x128xbf16>
    %get3A_6 = vector.shape_cast %get3A_5 : vector<1x5120x128xbf16> to vector<5120x128xbf16>
    %convert_element_type3A = arith.extf %get3A_6 : vector<5120x128xbf16> to vector<5120x128xf32>
    %get3A_7 = arith.constant 1 : index
    %get3A_8 = arith.constant 0 : index
    %get3A_9 = arith.constant 0 : index
    %get3A_10 = vector.load %arg0[%get3A_7, %get3A_8, %get3A_9] : memref<2x5120x128xbf16, #tpu.memory_space<vmem>>, vector<1x5120x128xbf16>
    %get3A_11 = vector.shape_cast %get3A_10 : vector<1x5120x128xbf16> to vector<5120x128xbf16>
    %convert_element_type3A_12 = arith.extf %get3A_11 : vector<5120x128xbf16> to vector<5120x128xf32>
    %add3A = arith.addf %convert_element_type3A, %convert_element_type3A_12 : vector<5120x128xf32>
    %get3A_13 = arith.constant 0 : index
    %get3A_14 = arith.constant 0 : index
    %get3A_15 = vector.load %arg1[%get3A_13, %get3A_14] : memref<5120x128xbf16, #tpu.memory_space<vmem>>, vector<5120x128xbf16>
    %convert_element_type3A_16 = arith.extf %get3A_15 : vector<5120x128xbf16> to vector<5120x128xf32>
    %add3A_17 = arith.addf %add3A, %convert_element_type3A_16 : vector<5120x128xf32>
    %mul3A = arith.mulf %add3A_17, %get3A_1 : vector<5120x128xf32>
    %get3A_18 = arith.constant 0 : index
    %get3A_19 = arith.constant 0 : index
    %get3A_20 = vector.load %arg3[%get3A_18, %get3A_19] : memref<1x128xf32, #tpu.memory_space<vmem>>, vector<1x128xf32>
    %add3A_21 = vector.broadcast %get3A_20 : vector<1x128xf32> to vector<5120x128xf32>
    %add3A_22 = arith.addf %mul3A, %add3A_21 : vector<5120x128xf32>
    %max3A = arith.constant 0.000000e+00 : f32
    %max3A_23 = vector.broadcast %max3A : f32 to vector<5120x128xf32>
    %max3A_24 = arith.maximumf %add3A_22, %max3A_23 : vector<5120x128xf32>
    %get3A_25 = arith.constant 0 : index
    %get3A_26 = arith.constant 0 : index
    %get3A_27 = vector.load %arg4[%get3A_25, %get3A_26] : memref<64x64xf32, #tpu.memory_space<vmem>>, vector<64x64xf32>
    %slice3A = vector.extract_strided_slice %max3A_24 {offsets = [0, 0], sizes = [5120, 64], strides = [1, 1]} : vector<5120x128xf32> to vector<5120x64xf32>
    %dot_general3A = arith.constant dense<0.000000e+00> : vector<5120x64xf32>
    %dot_general3A_28 = tpu.matmul %slice3A, %get3A_27, %dot_general3A {dimension_numbers = #tpu.dot_dimension_numbers<[1], [0], [0], [1], [0, 0, 1, 1], [], []>, transpose_lhs_hint = false} : vector<5120x64xf32>, vector<64x64xf32>, vector<5120x64xf32> -> vector<5120x64xf32>
    %slice3A_29 = vector.extract_strided_slice %max3A_24 {offsets = [0, 64], sizes = [5120, 64], strides = [1, 1]} : vector<5120x128xf32> to vector<5120x64xf32>
    %dot_general3A_30 = arith.constant dense<0.000000e+00> : vector<5120x64xf32>
    %dot_general3A_31 = tpu.matmul %slice3A_29, %get3A_27, %dot_general3A_30 {dimension_numbers = #tpu.dot_dimension_numbers<[1], [0], [0], [1], [0, 0, 1, 1], [], []>, transpose_lhs_hint = false} : vector<5120x64xf32>, vector<64x64xf32>, vector<5120x64xf32> -> vector<5120x64xf32>
    %concatenate3A = tpu.concatenate %dot_general3A_28, %dot_general3A_31 in 1 : vector<5120x64xf32>, vector<5120x64xf32> -> vector<5120x128xf32>
    %mul3A_32 = arith.mulf %concatenate3A, %get3A_1 : vector<5120x128xf32>
    %convert_element_type3A_33 = arith.truncf %mul3A_32 : vector<5120x128xf32> to vector<5120x128xbf16>
    %swap3A = arith.constant 0 : index
    %swap3A_34 = arith.constant 0 : index
    %swap3A_35 = vector.load %arg5[%swap3A, %swap3A_34] : memref<5120x128xbf16, #tpu.memory_space<vmem>>, vector<5120x128xbf16>
    tpu.vector_store %arg5[%swap3A, %swap3A_34], %convert_element_type3A_33 {strides = array<i32>} : memref<5120x128xbf16, #tpu.memory_space<vmem>>, vector<5120x128xbf16>,
    return
  }
}

module attributes {stable_mosaic.version = 14 : i64} {
  func.func @_tc3_body(%arg0: memref<2x5120x128xbf16, #tpu.memory_space<vmem>>, %arg1: memref<5120x128xbf16, #tpu.memory_space<vmem>>, %arg2: memref<5120x128xf32, #tpu.memory_space<vmem>>, %arg3: memref<1x64xf32, #tpu.memory_space<vmem>>, %arg4: memref<64x32xf32, #tpu.memory_space<vmem>>, %arg5: memref<1x32xf32, #tpu.memory_space<vmem>>, %arg6: memref<32x2xf32, #tpu.memory_space<vmem>>, %arg7: memref<1x2xf32, #tpu.memory_space<vmem>>, %arg8: memref<1x2xf32, #tpu.memory_space<vmem>>) attributes {dimension_semantics = [], scalar_prefetch = 0 : i64, scratch_operands = 0 : i64, tpu.core_type = #tpu.core_type<tc>} {
    %get3A = arith.constant 0 : index
    %get3A_0 = arith.constant 0 : index
    %get3A_1 = arith.constant 0 : index
    %get3A_2 = vector.load %arg0[%get3A, %get3A_0, %get3A_1] : memref<2x5120x128xbf16, #tpu.memory_space<vmem>>, vector<1x5120x128xbf16>
    %get3A_3 = vector.shape_cast %get3A_2 : vector<1x5120x128xbf16> to vector<5120x128xbf16>
    %convert_element_type3A = arith.extf %get3A_3 : vector<5120x128xbf16> to vector<5120x128xf32>
    %get3A_4 = arith.constant 1 : index
    %get3A_5 = arith.constant 0 : index
    %get3A_6 = arith.constant 0 : index
    %get3A_7 = vector.load %arg0[%get3A_4, %get3A_5, %get3A_6] : memref<2x5120x128xbf16, #tpu.memory_space<vmem>>, vector<1x5120x128xbf16>
    %get3A_8 = vector.shape_cast %get3A_7 : vector<1x5120x128xbf16> to vector<5120x128xbf16>
    %convert_element_type3A_9 = arith.extf %get3A_8 : vector<5120x128xbf16> to vector<5120x128xf32>
    %add3A = arith.addf %convert_element_type3A, %convert_element_type3A_9 : vector<5120x128xf32>
    %get3A_10 = arith.constant 0 : index
    %get3A_11 = arith.constant 0 : index
    %get3A_12 = vector.load %arg1[%get3A_10, %get3A_11] : memref<5120x128xbf16, #tpu.memory_space<vmem>>, vector<5120x128xbf16>
    %convert_element_type3A_13 = arith.extf %get3A_12 : vector<5120x128xbf16> to vector<5120x128xf32>
    %add3A_14 = arith.addf %add3A, %convert_element_type3A_13 : vector<5120x128xf32>
    %get3A_15 = arith.constant 0 : index
    %get3A_16 = arith.constant 0 : index
    %get3A_17 = vector.load %arg2[%get3A_15, %get3A_16] : memref<5120x128xf32, #tpu.memory_space<vmem>>, vector<5120x128xf32>
    %mul3A = arith.mulf %add3A_14, %get3A_17 : vector<5120x128xf32>
    %reduce_sum3A = arith.constant dense<0.000000e+00> : vector<128xf32>
    %reduce_sum3A_18 = vector.multi_reduction <add>, %mul3A, %reduce_sum3A [0] : vector<5120x128xf32> to vector<128xf32>
    %broadcast_in_dim3A = vector.shape_cast %reduce_sum3A_18 : vector<128xf32> to vector<1x128xf32>
    %slice3A = vector.extract_strided_slice %broadcast_in_dim3A {offsets = [0, 0], sizes = [1, 64], strides = [1, 1]} : vector<1x128xf32> to vector<1x64xf32>
    %slice3A_19 = vector.extract_strided_slice %broadcast_in_dim3A {offsets = [0, 64], sizes = [1, 64], strides = [1, 1]} : vector<1x128xf32> to vector<1x64xf32>
    %add3A_20 = arith.addf %slice3A, %slice3A_19 : vector<1x64xf32>
    %mul3A_21 = arith.constant 9.99999974E-5 : f32
    %mul3A_22 = vector.broadcast %mul3A_21 : f32 to vector<1x64xf32>
    %mul3A_23 = arith.mulf %add3A_20, %mul3A_22 : vector<1x64xf32>
    %get3A_24 = arith.constant 0 : index
    %get3A_25 = arith.constant 0 : index
    %get3A_26 = vector.load %arg3[%get3A_24, %get3A_25] : memref<1x64xf32, #tpu.memory_space<vmem>>, vector<1x64xf32>
    %add3A_27 = arith.addf %mul3A_23, %get3A_26 : vector<1x64xf32>
    %get3A_28 = arith.constant 0 : index
    %get3A_29 = arith.constant 0 : index
    %get3A_30 = vector.load %arg4[%get3A_28, %get3A_29] : memref<64x32xf32, #tpu.memory_space<vmem>>, vector<64x32xf32>
    %dot_general3A = arith.constant dense<0.000000e+00> : vector<1x32xf32>
    %dot_general3A_31 = tpu.matmul %add3A_27, %get3A_30, %dot_general3A {dimension_numbers = #tpu.dot_dimension_numbers<[1], [0], [0], [1], [0, 0, 1, 1], [], []>, transpose_lhs_hint = false} : vector<1x64xf32>, vector<64x32xf32>, vector<1x32xf32> -> vector<1x32xf32>
    %get3A_32 = arith.constant 0 : index
    %get3A_33 = arith.constant 0 : index
    %get3A_34 = vector.load %arg5[%get3A_32, %get3A_33] : memref<1x32xf32, #tpu.memory_space<vmem>>, vector<1x32xf32>
    %add3A_35 = arith.addf %dot_general3A_31, %get3A_34 : vector<1x32xf32>
    %max3A = arith.constant 0.000000e+00 : f32
    %max3A_36 = vector.broadcast %max3A : f32 to vector<1x32xf32>
    %max3A_37 = arith.maximumf %add3A_35, %max3A_36 : vector<1x32xf32>
    %get3A_38 = arith.constant 0 : index
    %get3A_39 = arith.constant 0 : index
    %get3A_40 = vector.load %arg6[%get3A_38, %get3A_39] : memref<32x2xf32, #tpu.memory_space<vmem>>, vector<32x2xf32>
    %dot_general3A_41 = arith.constant dense<0.000000e+00> : vector<1x2xf32>
    %dot_general3A_42 = tpu.matmul %max3A_37, %get3A_40, %dot_general3A_41 {dimension_numbers = #tpu.dot_dimension_numbers<[1], [0], [0], [1], [0, 0, 1, 1], [], []>, transpose_lhs_hint = false} : vector<1x32xf32>, vector<32x2xf32>, vector<1x2xf32> -> vector<1x2xf32>
    %get3A_43 = arith.constant 0 : index
    %get3A_44 = arith.constant 0 : index
    %get3A_45 = vector.load %arg7[%get3A_43, %get3A_44] : memref<1x2xf32, #tpu.memory_space<vmem>>, vector<1x2xf32>
    %add3A_46 = arith.addf %dot_general3A_42, %get3A_45 : vector<1x2xf32>
    %swap3A = arith.constant 0 : index
    %swap3A_47 = arith.constant 0 : index
    %swap3A_48 = vector.load %arg8[%swap3A, %swap3A_47] : memref<1x2xf32, #tpu.memory_space<vmem>>, vector<1x2xf32>
    tpu.vector_store %arg8[%swap3A, %swap3A_47], %add3A_46 {strides = array<i32>} : memref<1x2xf32, #tpu.memory_space<vmem>>, vector<1x2xf32>,
    return
  }
}

</mosaic_0001>

<sc_bundles>
// kernel: kernel.11.cloned.1.call-start
scs
__scs_entry_jumppad:
0x0: {  	(pc) =	sbr.rel $0x88, $3  }
0x1: {  	(tag) =	ssettag $0x0;
	lr =	simm.s32 $0x1  }
0x2: {  	[smem:$0x3F97] =	sst lr;
	_ =	strace $0xD0000000  }
0x3: {  	_ = 	snop  }
0x4: {  	_ = 	snop  }
0x5: {  	_ = 	snop  }
0x6: {  	_ = 	snop  }
0x7: {  	_ = 	snop  }
__scs_overlays_trampoline_lowered:
0x8: {  	[smem:$0x3FA6] =	sst s0  }
0x9: {  	[smem:$0x3FA7] =	sst s1  }
0xa: {  	[smem:$0x3FA8] =	sst s2  }
0xb: {  	[smem:$0x3FA9] =	sst s3  }
0xc: {  	[smem:$0x3FAA] =	sst s4  }
0xd: {  	[smem:$0x3FAB] =	sst s5  }
0xe: {  	[smem:$0x3FAC] =	sst s6  }
0xf: {  	[smem:$0x3FAD] =	sst s7  }
0x10: {  	[smem:$0x3FAE] =	sst s8  }
0x11: {  	[smem:$0x3FAF] =	sst s9;
	s0 =	simm.s32 @!p0 $0x0  }
0x12: {  	s1 =	sld [smem:$0x3F95];
	s0 =	simm.s32 @p0 $0x1  }
0x13: {  	[smem:$0x3FB0] =	sst s0;
	s0 =	simm.s32 @!p1 $0x0  }
0x14: {  	s2 =	sld [smem:$0x3F94];
	s0 =	simm.s32 @p1 $0x1  }
0x15: {  	[smem:$0x3FB1] =	sst s0;
	s0 =	simm.s32 @!p2 $0x0  }
0x16: {  	s3 =	sld [smem:$0x3FDB];
	s0 =	simm.s32 @p2 $0x1  }
0x17: {  	s4 =	simm.s32 $0x1BF5;
	[smem:$0x3FB3] =	sst s0  }
0x18: {  	s0 =	sld [smem:$0x3F96];
	_ =	swait.ge [sflag:s4], $0x0  }
0x19: {  	s7 =	sld [smem:$0x3F97]  }
0x1a: {  	s8 =	sadd.s32 $0xFFFFE003, lr  }
0x1b: {  	s9 =	sadd.s32 $0xFFFFFEF7, lr;
	s5 =	simm.s32 $0xFFFFFFFF;
	p2 =	slt.u32 s8, $0xFFFFF086  }
0x1c: {  	p1 =	slt.u32 s9, $0xF7A;
	s5 =	simm.s32 @!p2 $0x0  }
0x1d: {  	s5 =	simm.s32 @p1 $0x1;
	p0 =	seq.s32 s7, s2  }
0x1e: {  	s7 =	smul.u32 @!p0 $0xF7A, s2;
	p2 =	seq.s32 @!p0 s5, $0x0  }
0x1f: {  	s9 =	smul.u32 $0xF7A, s1;
	s8 =	simm.s32 @!p0 $0x1BF5;
	p2 =	por !p2, p0  }
0x20: {  	[sflag:s8] =	ssyncset.s32 @!p0 $0xFFFFF086;
	s6 =	sadd.s32 @!p0 s3, s7;
	s7 =	simm.s32 @!p0 $0x108  }
0x21: {  	s3 =	sadd.s32 s3, s9;
	s6 =	sadd.s32 @!p0 $0x88, s6;
	s7 =	simm.s32 @p2 $0x1082  }
0x22: {  	[simem:s7], [sflag:s8] =	dma.local @!p0 [hbm:s6], $0xF7A  }
0x23: {  	s9 =	sor.u32 $0xD0000000, s2;
	s6 =	simm.s32 $0x108;
	_ =	swait.ge @!p0 [sflag:s8], $0x0  }
0x24: {  	s3 =	sadd.s32 $0x88, s3;
	s6 =	simm.s32 @!p1 $0x1082;
	[sflag:s4] =	ssyncset.s32 $0xFFFFF086  }
0x25: {  	[simem:s6], [sflag:s4] =	dma.local [hbm:s3], $0xF7A  }
0x26: {  	[smem:$0x3F97] =	sst s1;
	(tag) =	ssettag s2;
	_ =	strace s9  }
0x27: {  	s1 =	sld [smem:$0x3FA7]  }
0x28: {  	s2 =	sld [smem:$0x3FA8]  }
0x29: {  	s4 =	sld [smem:$0x3FAA]  }
0x2a: {  	p0 =	seq.s32 s5, $0x0;
	s5 =	sld [smem:$0x3FAB]  }
0x2b: {  	s6 =	sld [smem:$0x3FAC]  }
0x2c: {  	s7 =	sld [smem:$0x3FAD]  }
0x2d: {  	s3 =	simm.s32 $0x108;
	s8 =	sld [smem:$0x3FAE]  }
0x2e: {  	s3 =	simm.s32 @!p0 $0x1082;
	s9 =	sld [smem:$0x3FAF]  }
0x2f: {  	lr =	sadd.s32 s0, s3;
	s0 =	sld [smem:$0x3FA6]  }
0x30: {  	s3 =	sld [smem:$0x3FA9]  }
0x31: {  	[smem:$0x3FB2] =	sst s10  }
0x32: {  	s10 =	sld [smem:$0x3FB0];
	_ =	sdelay $0x3  }
0x33: {  	p0 =	seq.s32 s10, $0x1;
	s10 =	sld [smem:$0x3FB2];
	_ =	sdelay $0x3  }
0x34: {  	[smem:$0x3FB2] =	sst s10  }
0x35: {  	s10 =	sld [smem:$0x3FB1];
	_ =	sdelay $0x3  }
0x36: {  	p1 =	seq.s32 s10, $0x1;
	s10 =	sld [smem:$0x3FB2];
	_ =	sdelay $0x3  }
0x37: {  	[smem:$0x3FB2] =	sst s10  }
0x38: {  	s10 =	sld [smem:$0x3FB3]  }
0x39: {  	_ = 	snop;
	(pc) =	sbr.ind lr, $3  }
0x3a: {  	_ = 	snop  }
0x3b: {  	_ = 	snop  }
0x3c: {  	p2 =	seq.s32 s10, $0x1;
	s10 =	sld [smem:$0x3FB2]  }
0x3d: {  	_ =	shalt  }
0x3e: {  	_ =	shalt  }
0x3f: {  	_ =	shalt  }
0x40: {  	_ =	shalt  }
0x41: {  	_ =	shalt  }
0x42: {  	_ =	shalt  }
0x43: {  	_ =	shalt  }
0x44: {  	_ =	shalt  }
0x45: {  	_ =	shalt  }
0x46: {  	_ =	shalt  }
0x47: {  	_ =	shalt  }
0x48: {  	_ =	shalt  }
0x49: {  	_ =	shalt  }
0x4a: {  	_ =	shalt  }
0x4b: {  	_ =	shalt  }
0x4c: {  	_ =	shalt  }
0x4d: {  	_ =	shalt  }
0x4e: {  	_ =	shalt  }
0x4f: {  	_ =	shalt  }
0x50: {  	_ =	shalt  }
0x51: {  	_ =	shalt  }
0x52: {  	_ =	shalt  }
0x53: {  	_ =	shalt  }
0x54: {  	_ =	shalt  }
0x55: {  	_ =	shalt  }
0x56: {  	_ =	shalt  }
0x57: {  	_ =	shalt  }
0x58: {  	_ =	shalt  }
0x59: {  	_ =	shalt  }
0x5a: {  	_ =	shalt  }
0x5b: {  	_ =	shalt  }
0x5c: {  	_ =	shalt  }
0x5d: {  	_ =	shalt  }
0x5e: {  	_ =	shalt  }
0x5f: {  	_ =	shalt  }
0x60: {  	_ =	shalt  }
0x61: {  	_ =	shalt  }
0x62: {  	_ =	shalt  }
0x63: {  	_ =	shalt  }
0x64: {  	_ =	shalt  }
0x65: {  	_ =	shalt  }
0x66: {  	_ =	shalt  }
0x67: {  	_ =	shalt  }
0x68: {  	_ =	shalt  }
0x69: {  	_ =	shalt  }
0x6a: {  	_ =	shalt  }
0x6b: {  	_ =	shalt  }
0x6c: {  	_ =	shalt  }
0x6d: {  	_ =	shalt  }
0x6e: {  	_ =	shalt  }
0x6f: {  	_ =	shalt  }
0x70: {  	_ =	shalt  }
0x71: {  	_ =	shalt  }
0x72: {  	_ =	shalt  }
0x73: {  	_ =	shalt  }
0x74: {  	_ =	shalt  }
0x75: {  	_ =	shalt  }
0x76: {  	_ =	shalt  }
0x77: {  	_ =	shalt  }
0x78: {  	_ =	shalt  }
0x79: {  	_ =	shalt  }
0x7a: {  	_ =	shalt  }
0x7b: {  	_ =	shalt  }
0x7c: {  	_ =	shalt  }
0x7d: {  	_ =	shalt  }
0x7e: {  	_ =	shalt  }
0x7f: {  	_ =	shalt  }
0x80: {  	_ =	shalt  }
0x81: {  	_ =	shalt  }
0x82: {  	_ =	shalt  }
0x83: {  	_ =	shalt  }
0x84: {  	_ =	shalt  }
0x85: {  	_ =	shalt  }
0x86: {  	_ =	shalt  }
0x87: {  	_ =	shalt  }
.Lfunc_end0:
.L_simem_size_0:
called_computation.1_lowered:
.L_overlay_start_0:
0x88: {  	s2 =	sld [smem:$0x3FD9]  }
0x89: {  	s3 =	sld [smem:$0x3FFE];
	_ =	sdelay $0x1  }
0x8a: {  	s1 =	srdreg.scid  }
0x8b: {  	s0 =	sand.u32 $0x1, s1  }
0x8c: {  	s16 =	sshll.u32 s0, $0xA;
	s2 =	sadd.s32 s3, s2  }
0x8d: {  	s2 =	sadd.s32 s2, s16  }
0x8e: {  	[smem:$0x3FBE] =	sst s2  }
0x8f: {  	_ = 	snop  }
0x90: {  	(tm) =	ssettm $0x1  }
0x91: {  	s17 =	sld [smem:$0x3FFB];
	_ =	sdelay $0x3  }
0x92: {  	_ =	strace s17  }
0x93: {  	s2 =	sld [smem:$0x3FFC];
	_ =	sdelay $0x3  }
0x94: {  	_ =	strace s2  }
0x95: {  	s2 =	sld [smem:$0x3FFD];
	_ =	sdelay $0x3  }
0x96: {  	_ =	strace s2  }
0x97: {  	_ =	strace $0x8FFFFFFF  }
0x98: {  	s18 =	sld [smem:$0x3FDB];
	_ =	sdelay $0x1  }
0x99: {  	s19 =	simm.s32 $_scs_section_size  }
0x9a: {  	s4 =	simm.s32 $_size__tile_overlayer_lowered;
	s5 =	simm.s32 $_tile_overlayer_lowered  }
0x9b: {  	s22 =	simm.s32 $0x1BFF;
	s21 =	sshll.u32 s5, $0x1;
	s2 =	sadd.s32 s19, s18  }
0x9c: {  	s6 =	simm.s32 $0x0;
	s20 =	sshll.u32 s4, $0x1;
	s4 =	sadd.s32 s21, s2  }
0x9d: {  	[timem:s6], [sflag:s22] =	dma.local [hbm:s4], s20  }
0x9e: {  	_ =	swait.ge [sflag:s22], s20  }
0x9f: {  	s3 =	ssub.s32 $0x0, s20;
	[sflag:s22] =	ssyncset.done $0x0  }
0xa0: {  	[sflag:s22] =	ssyncadd.s32 s3;
	_ =	sdelay $0x1  }
0xa1: {  	s23 =	simm.s32 $0x1B8B  }
0xa2: {  	_ =	swait.ge [sflag:s23], $0x1  }
0xa3: {  	[sflag:s23] =	ssyncset.done $0x0  }
0xa4: {  	s25 =	simm.s32 $0x1B8E;
	s24 =	sld [smem:$0x3FFE];
	[sflag:s23] =	ssyncadd.s32 $0xFFFFFFFF  }
0xa5: {  	s26 =	simm.s32 $execute0_lowered;
	[smem:$0x3FD2] =	sst s25  }
0xa6: {  	s4 =	sshll.u32 s26, $0x1;
	_ =	strace $0x80000049;
	[dreg:$0x1] =	wrdreg $0xFFFFFFFF  }
0xa7: {  	s28 =	simm.s32 $_size_execute0_lowered;
	s2 =	sadd.s32 s2, s4;
	[dreg:$0x0] =	wrdreg $0x0  }
0xa8: {  	s4 =	sshll.u32 s28, $0x1;
	[dreg:$0x2] =	wrdreg s2  }
0xa9: {  	[dreg:$0x3] =	wrdreg s4  }
0xaa: {  	[dreg:$0x4] =	wrdreg $0xC0  }
0xab: {  	_ =	task [dreg:s6], $0x5FFFF  }
0xac: {  	[dreg:$0x1] =	wrdreg $0xFFFFFFFF  }
0xad: {  	[dreg:$0x0] =	wrdreg $0x60  }
0xae: {  	[dreg:$0x2] =	wrdreg s24  }
0xaf: {  	[dreg:$0x3] =	wrdreg $0x0  }
0xb0: {  	[dreg:$0x4] =	wrdreg $0x9  }
0xb1: {  	_ =	task.clear_ibuf [dreg:s6], $0x5FFFF;
	_ =	strace $0x90000049  }
0xb2: {  	s29 =	simm.s32 $0x9;
	_ =	strace $0x8000004B  }
0xb3: {  	_ =	swait.ge [sflag:s29], $0x1  }
0xb4: {  	[sflag:s29] =	ssyncadd.s32 $0xFFFFFFFF  }
0xb5: {  	_ =	strace $0x9000004B  }
0xb6: {  	_ =	sfence  }
0xb7: {  	s30 =	sld [smem:$0x0];
	_ =	sdelay $0x2  }
0xb8: {  	s31 =	sshll.u32 s1, $0xD;
	s1 =	sshrl.u32 s1, $0x2  }
0xb9: {  	s3 =	sand.u32 $0x4000, s31;
	s1 =	sadd.s32 s1, s30  }
0xba: {  	s0 =	sor.u32 s3, s0;
	s1 =	sshll.u32 s1, $0x11  }
0xbb: {  	s0 =	sor.u32 s1, s0  }
0xbc: {  	s0 =	sadd.s32 $0x8F2B, s0  }
0xbd: {  	[sflag:s0] =	ssyncadd.remote.s32 $0x1  }
0xbe: {  	_ =	sfence.sel $0xFFFF  }
0xbf: {  	[dreg:$0x0] =	wrdreg $0xFFFFFFFF;
	(pc) =	sbr.abs _section_cstart, $3  }
0xc0: {  	[dreg:$0x1] =	wrdreg $0xFFFFFFFF  }
0xc1: {  	_ =	task.clear_ibuf [dreg:s6], $0x2FFFF;
	_ =	strace $0x9FFFFFFF  }
0xc2: {  	(tm) =	ssettm $0x7FFFFFFF  }
0xc3: {  	_ =	shalt  }
tec
execute0_lowered:
.L_overlay_start_1:
0x0: {  	(tag) =	ssettag $0x1  }
0x1: {  	s0 =	srdreg.scid;
	s3 =	rddreg [dreg:$0x0]  }
0x2: {  	s10 =	stileid.u32;
	s2 =	rddreg [dreg:$0x1]  }
0x3: {  	s4 =	simm.s32 $0x0;
	s11 =	simm.s32 $0x3;
	s12 =	simm.s32 $0x7800  }
0x4: {  	s15 =	simm.s32 $0x80;
	s16 =	simm.s32 $0xA000;
	s18 =	simm.s32 $0xB000  }
0x5: {  	s20 =	simm.s32 $0xC000;
	s22 =	simm.s32 $0xD000;
	s24 =	simm.s32 $0xE000  }
0x6: {  	s28 =	simm.s32 $0x1;
	s30 =	simm.s32 $0x10000;
	s25 =	simm.s32 $0x2  }
0x7: {  	s23 =	simm.s32 $0x0;
	s0 =	sand.u32 $0x1, s0;
	s5 =	smul.u32 $0xA000, s10  }
0x8: {  	[smem:$0x7FF] =	sst s4;
	s4 =	sadd.s32 $0x21000, s3;
	s31 =	sshll.u32 s10, $0x6  }
0x9: {  	s1 =	sshll.u32 s0, $0x4;
	s6 =	smul.u32 $0xA0000, s0;
	_ =	strace $0x8000004A  }
0xa: {  	s0 =	ssub.s32 $0x2, s0;
	s13 =	sor.u32 $0x1C03, s31;
	s1 =	sor.u32 s10, s1  }
0xb: {  	s7 =	sshrl.u32 s5, $0x4;
	s8 =	sshrl.u32 s0, $0x1;
	s29 =	sshrl.u32 s5, $0x1  }
0xc: {  	s1 =	smul.u32 $0x500, s1;
	s6 =	sadd.s32 s5, s6;
	s7 =	sadd.s32 s7, s3  }
0xd: {  	s0 =	ssub.s32 s0, s8;
	s6 =	sshrl.u32 s6, $0x4;
	s7 =	sadd.s32 $0x17000, s7  }
0xe: {  	s9 =	smax.u32 s0, $0x1;
	s0 =	simm.s32 $0x11000;
	s1 =	sadd.s32 s1, s3  }
0xf: {  	s3 =	sadd.s32 s6, s3;
	s26 =	sadd.s32 $0x2000, s1;
	s1 =	sadd.s32 $0xC000, s1  }
0x10: {  	s8 =	sadd.s32 $0x2B000, s3;
	[dreg:$0x4] =	wrdreg s1;
	s1 =	sadd.s32 s29, s2  }
0x11: {  	[dreg:$0x3] =	wrdreg s26;
	s26 =	simm.s32 $0xF000;
	s14 =	sshrl.u32 s1, $0x3  }
.LBB2_1:
0x12: {  	s1 =	simm.s32 $0x0;
	s3 =	rddreg [dreg:$0x3];
	s5 =	simm.s32 $0x5000  }
0x13: {  	[tilespmem:s5], [sflag:$0x3] =	stream.linear.gather [hbm4b:s3+s1], $0x2800, $0x38;
	[tilespmem:$0x16000] =	vst v63  }
0x14: {  	_ =	swait.ge [sflag:s11], $0x2800  }
0x15: {  	[sflag:s11] =	ssyncset.done $0x0  }
0x16: {  	s6 =	rddreg [dreg:$0x4];
	[sflag:s11] =	ssyncadd.s32 $0xFFFFD800  }
0x17: {  	[tilespmem:s12], [sflag:$0x3] =	stream.linear.gather [hbm4b:s6+s1], $0x2800, $0x38;
	[tilespmem:$0x16000] =	vst v63  }
0x18: {  	_ =	swait.ge [sflag:s11], $0x2800  }
0x19: {  	[sflag:s11] =	ssyncset.done $0x0  }
0x1a: {  	[sflag:s11] =	ssyncadd.s32 $0xFFFFD800  }
0x1b: {  	[spmem:s14], [sflag:s13] =	dma.local [hbm:s7], $0xA00  }
0x1c: {  	_ =	swait.ge [sflag:s11], $0xA00  }
0x1d: {  	[sflag:s11] =	ssyncset.done $0x0  }
0x1e: {  	[sflag:s11] =	ssyncadd.s32 $0xFFFFF600  }
0x1f: {  	[bflag:$0x0] =	sbarrier.arrive $0xFFFF  }
0x20: {  	[tilespmem:s16], [sflag:$0x1] =	stream.indirect.gather [hbm4b:s4+s15], $0x20, s5, s15, $0xb8;
	[tilespmem:$0x16000] =	vst v63  }
0x21: {  	s10 =	simm.s32 $0x5080  }
0x22: {  	[tilespmem:s18], [sflag:$0x1] =	stream.indirect.gather [hbm4b:s4+s15], $0x20, s10, s15, $0xb8;
	[tilespmem:$0x16000] =	vst v63  }
0x23: {  	s17 =	simm.s32 $0x5100  }
0x24: {  	[tilespmem:s20], [sflag:$0x1] =	stream.indirect.gather [hbm4b:s4+s15], $0x20, s17, s15, $0xb8;
	[tilespmem:$0x16000] =	vst v63  }
0x25: {  	s19 =	simm.s32 $0x5180  }
0x26: {  	[tilespmem:s22], [sflag:$0x1] =	stream.indirect.gather [hbm4b:s4+s15], $0x20, s19, s15, $0xb8;
	[tilespmem:$0x16000] =	vst v63  }
0x27: {  	s21 =	simm.s32 $0x5200  }
0x28: {  	[tilespmem:s24], [sflag:$0x1] =	stream.indirect.gather [hbm4b:s4+s15], $0x20, s21, s15, $0xb8;
	[tilespmem:$0x16000] =	vst v63  }
0x29: {  	s3 =	simm.s32 $0x5280  }
0x2a: {  	[tilespmem:s26], [sflag:$0x1] =	stream.indirect.gather [hbm4b:s4+s15], $0x20, s3, s15, $0xb8;
	[tilespmem:$0x16000] =	vst v63  }
0x2b: {  	_ =	swait.ge [sflag:s28], $0x1000  }
0x2c: {  	[sflag:s28] =	ssyncset.done $0x0  }
0x2d: {  	[sflag:s28] =	ssyncadd.s32 $0xFFFFF000  }
0x2e: {  	[spmem:s2] =	stream.indirect.scatter.add.bf16 [tilespmem:s16], [sflag:$0x2], $0x20, s12, s15, $0xb8;
	[tilespmem:$0x16000] =	vst v63  }
0x2f: {  	s5 =	simm.s32 $0x5300  }
0x30: {  	[tilespmem:s30], [sflag:$0x1] =	stream.indirect.gather [hbm4b:s4+s15], $0x20, s5, s15, $0xb8;
	[tilespmem:$0x16000] =	vst v63  }
0x31: {  	_ =	swait.ge [sflag:s28], $0x1000  }
0x32: {  	[sflag:s28] =	ssyncset.done $0x0  }
0x33: {  	s6 =	simm.s32 $0x7880;
	[sflag:s28] =	ssyncadd.s32 $0xFFFFF000  }
0x34: {  	[spmem:s2] =	stream.indirect.scatter.add.bf16 [tilespmem:s18], [sflag:$0x2], $0x20, s6, s15, $0xb8;
	[tilespmem:$0x16000] =	vst v63  }
0x35: {  	s10 =	simm.s32 $0x5380  }
0x36: {  	[tilespmem:s0], [sflag:$0x1] =	stream.indirect.gather [hbm4b:s4+s15], $0x20, s10, s15, $0xb8;
	[tilespmem:$0x16000] =	vst v63  }
0x37: {  	_ =	swait.ge [sflag:s28], $0x1000  }
0x38: {  	[sflag:s28] =	ssyncset.done $0x0  }
0x39: {  	s17 =	simm.s32 $0x7900;
	[sflag:s28] =	ssyncadd.s32 $0xFFFFF000  }
0x3a: {  	[spmem:s2] =	stream.indirect.scatter.add.bf16 [tilespmem:s20], [sflag:$0x2], $0x20, s17, s15, $0xb8;
	[tilespmem:$0x16000] =	vst v63  }
0x3b: {  	s19 =	simm.s32 $0x5400;
	s21 =	simm.s32 $0x12000  }
0x3c: {  	[tilespmem:s21], [sflag:$0x1] =	stream.indirect.gather [hbm4b:s4+s15], $0x20, s19, s15, $0xb8;
	[tilespmem:$0x16000] =	vst v63  }
0x3d: {  	_ =	swait.ge [sflag:s28], $0x1000  }
0x3e: {  	[sflag:s28] =	ssyncset.done $0x0  }
0x3f: {  	s3 =	simm.s32 $0x7980;
	[sflag:s28] =	ssyncadd.s32 $0xFFFFF000  }
0x40: {  	[spmem:s2] =	stream.indirect.scatter.add.bf16 [tilespmem:s22], [sflag:$0x2], $0x20, s3, s15, $0xb8;
	[tilespmem:$0x16000] =	vst v63  }
0x41: {  	s5 =	simm.s32 $0x5480;
	s6 =	simm.s32 $0x13000  }
0x42: {  	[tilespmem:s6], [sflag:$0x1] =	stream.indirect.gather [hbm4b:s4+s15], $0x20, s5, s15, $0xb8;
	[tilespmem:$0x16000] =	vst v63  }
0x43: {  	s29 =	simm.s32 $0x5600;
	s31 =	simm.s32 $0xD;
	_ =	swait.ge [sflag:s28], $0x1000  }
0x44: {  	s10 =	simm.s32 $0x7A00;
	s3 =	simm.s32 $0xC;
	[sflag:s28] =	ssyncset.done $0x0  }
0x45: {  	s17 =	simm.s32 $0x5500;
	s1 =	smul.u32 $0xAB, s3;
	[sflag:s28] =	ssyncadd.s32 $0xFFFFF000  }
0x46: {  	[spmem:s2] =	stream.indirect.scatter.add.bf16 [tilespmem:s24], [sflag:$0x2], $0x20, s10, s15, $0xb8;
	[tilespmem:$0x16000] =	vst v63  }
0x47: {  	s19 =	simm.s32 $0x14000;
	s10 =	sadd.s32 $0xFFFFFBFE, s1;
	s1 =	sshrl.u32 s1, $0xB  }
0x48: {  	s21 =	simm.s32 $0x7A80;
	s3 =	sshrl.u32 s10, $0xB;
	s1 =	sand.u32 $0x1F, s1  }
0x49: {  	[tilespmem:s19], [sflag:$0x1] =	stream.indirect.gather [hbm4b:s4+s15], $0x20, s17, s15, $0xb8;
	[tilespmem:$0x16000] =	vst v63  }
0x4a: {  	s5 =	simm.s32 $0x5580;
	s3 =	sand.u32 $0x1F, s3;
	s1 =	smul.u32 $0xC, s1  }
0x4b: {  	s6 =	simm.s32 $0x15000;
	_ =	swait.ge [sflag:s28], $0x1000;
	s3 =	smul.u32 $0xC, s3  }
0x4c: {  	s17 =	simm.s32 $0x7B00;
	[sflag:s28] =	ssyncset.done $0x0;
	s1 =	ssub.s32 $0xC, s1  }
0x4d: {  	[sflag:s28] =	ssyncadd.s32 $0xFFFFF000;
	s3 =	ssub.s32 $0xC, s3;
	s1 =	sand.u32 $0xFF, s1  }
0x4e: {  	[spmem:s2] =	stream.indirect.scatter.add.bf16 [tilespmem:s26], [sflag:$0x2], $0x20, s21, s15, $0xb8;
	[tilespmem:$0x16000] =	vst v63  }
0x4f: {  	s19 =	smul.u32 $0xAB, s31;
	s3 =	sadd.s32 $0xFFFFFFFA, s3;
	s1 =	sshll.u32 s1, $0xC  }
0x50: {  	[tilespmem:s6], [sflag:$0x1] =	stream.indirect.gather [hbm4b:s4+s15], $0x20, s5, s15, $0xb8;
	[tilespmem:$0x16000] =	vst v63  }
0x51: {  	s21 =	sshrl.u32 s19, $0xB;
	s3 =	sand.u32 $0xFF, s3;
	_ =	swait.ge [sflag:s28], $0x1000  }
0x52: {  	s19 =	sadd.s32 $0xFFFFFBFE, s19;
	s3 =	sshll.u32 s3, $0xC;
	[sflag:s28] =	ssyncset.done $0x0  }
0x53: {  	s21 =	sand.u32 $0x1F, s21;
	s3 =	sadd.s32 $0xA000, s3;
	[sflag:s28] =	ssyncadd.s32 $0xFFFFF000  }
0x54: {  	[spmem:s2] =	stream.indirect.scatter.add.bf16 [tilespmem:s3], [sflag:$0x2], $0x20, s17, s15, $0xb8;
	[tilespmem:$0x16000] =	vst v63  }
0x55: {  	s5 =	sshrl.u32 s19, $0xB;
	s21 =	smul.u32 $0xC, s21;
	_ =	swait.ge [sflag:s25], $0x1000  }
0x56: {  	s19 =	simm.s32 $0x5600;
	s3 =	simm.s32 $0xE;
	[sflag:s25] =	ssyncset.done $0x0  }
0x57: {  	s17 =	sadd.s32 $0xA000, s1;
	s1 =	simm.s32 $0x7B80;
	[sflag:s25] =	ssyncadd.s32 $0xFFFFF000  }
.LBB2_2:
0x58: {  	s5 =	sand.u32 $0x1F, s5  }
0x59: {  	s29 =	sadd.s32 $0x80, s29;
	s6 =	smov.u32 s3;
	s10 =	sadd.s32 $0x1, s3  }
0x5a: {  	p0 =	sne.s32 s3, $0x4F;
	s3 =	smul.u32 $0xC, s5;
	s5 =	ssub.s32 s31, s21  }
0x5b: {  	[tilespmem:s17], [sflag:$0x1] =	stream.indirect.gather [hbm4b:s4+s15], $0x20, s19, s15, $0xb8;
	[tilespmem:$0x16000] =	vst v63  }
0x5c: {  	s5 =	sand.u32 $0xFF, s5;
	s3 =	ssub.s32 s31, s3;
	s31 =	smov.u32 s6  }
0x5d: {  	s19 =	smov.u32 s29;
	s5 =	sshll.u32 s5, $0xC;
	s3 =	sadd.s32 $0xFFFFFFFA, s3  }
0x5e: {  	s17 =	sadd.s32 $0xA000, s5;
	s3 =	sand.u32 $0xFF, s3;
	_ =	swait.ge [sflag:s28], $0x1000  }
0x5f: {  	s5 =	smul.u32 $0xAB, s31;
	s3 =	sshll.u32 s3, $0xC;
	[sflag:s28] =	ssyncset.done $0x0  }
0x60: {  	s3 =	sadd.s32 $0xA000, s3;
	[sflag:s28] =	ssyncadd.s32 $0xFFFFF000  }
0x61: {  	[spmem:s2] =	stream.indirect.scatter.add.bf16 [tilespmem:s3], [sflag:$0x2], $0x20, s1, s15, $0xb8;
	[tilespmem:$0x16000] =	vst v63  }
.Ltmp0:
0x62: {  	_ = 	snop;
	(pc) =	sbr.rel @p0 .LBB2_2-.Ltmp0, $4  }
0x63: {  	s3 =	sshrl.u32 s5, $0xB  }
0x64: {  	s1 =	sadd.s32 $0x80, s1;
	s5 =	sadd.s32 $0xFFFFFBFE, s5;
	_ =	swait.ge [sflag:s25], $0x1000  }
0x65: {  	s3 =	sand.u32 $0x1F, s3;
	s5 =	sshrl.u32 s5, $0xB;
	[sflag:s25] =	ssyncset.done $0x0  }
0x66: {  	s21 =	smul.u32 $0xC, s3;
	s3 =	smov.u32 s10;
	[sflag:s25] =	ssyncadd.s32 $0xFFFFF000  }
0x67: {  	s3 =	sand.u32 $0x1F, s5  }
0x68: {  	s3 =	smul.u32 $0xC, s3  }
0x69: {  	[tilespmem:s17], [sflag:$0x1] =	stream.indirect.gather [hbm4b:s4+s15], $0x20, s19, s15, $0xb8;
	[tilespmem:$0x16000] =	vst v63  }
0x6a: {  	s3 =	ssub.s32 s31, s3  }
0x6b: {  	s3 =	sadd.s32 $0xFFFFFFFA, s3  }
0x6c: {  	_ =	swait.ge [sflag:s28], $0x1000;
	s3 =	sand.u32 $0xFF, s3  }
0x6d: {  	[sflag:s28] =	ssyncset.done $0x0;
	s3 =	sshll.u32 s3, $0xC  }
0x6e: {  	s5 =	ssub.s32 s31, s21;
	[sflag:s28] =	ssyncadd.s32 $0xFFFFF000;
	s3 =	sadd.s32 $0xA000, s3  }
0x6f: {  	[spmem:s2] =	stream.indirect.scatter.add.bf16 [tilespmem:s3], [sflag:$0x2], $0x20, s1, s15, $0xb8;
	[tilespmem:$0x16000] =	vst v63  }
0x70: {  	s1 =	sand.u32 $0xFF, s5;
	_ =	swait.ge [sflag:s25], $0x1000  }
0x71: {  	s1 =	sshll.u32 s1, $0xC;
	[sflag:s25] =	ssyncset.done $0x0  }
0x72: {  	s6 =	sadd.s32 $0x80, s29;
	s1 =	sadd.s32 $0xA000, s1;
	[sflag:s25] =	ssyncadd.s32 $0xFFFFF000  }
0x73: {  	[tilespmem:s1], [sflag:$0x1] =	stream.indirect.gather [hbm4b:s4+s15], $0x20, s6, s15, $0xb8;
	[tilespmem:$0x16000] =	vst v63  }
0x74: {  	_ =	swait.ge [sflag:s28], $0x1000  }
0x75: {  	[sflag:s28] =	ssyncset.done $0x0  }
0x76: {  	s10 =	simm.s32 $0x9D00;
	[sflag:s28] =	ssyncadd.s32 $0xFFFFF000  }
0x77: {  	[spmem:s2] =	stream.indirect.scatter.add.bf16 [tilespmem:s20], [sflag:$0x2], $0x20, s10, s15, $0xb8;
	[tilespmem:$0x16000] =	vst v63  }
0x78: {  	_ =	swait.ge [sflag:s28], $0x1000  }
0x79: {  	[sflag:s28] =	ssyncset.done $0x0  }
0x7a: {  	s17 =	simm.s32 $0x9D80;
	[sflag:s28] =	ssyncadd.s32 $0xFFFFF000  }
0x7b: {  	[spmem:s2] =	stream.indirect.scatter.add.bf16 [tilespmem:s22], [sflag:$0x2], $0x20, s17, s15, $0xb8;
	[tilespmem:$0x16000] =	vst v63  }
0x7c: {  	_ =	swait.ge [sflag:s28], $0x1000  }
0x7d: {  	[sflag:s28] =	ssyncset.done $0x0  }
0x7e: {  	s19 =	simm.s32 $0x9E00;
	[sflag:s28] =	ssyncadd.s32 $0xFFFFF000  }
0x7f: {  	[spmem:s2] =	stream.indirect.scatter.add.bf16 [tilespmem:s24], [sflag:$0x2], $0x20, s19, s15, $0xb8;
	[tilespmem:$0x16000] =	vst v63  }
0x80: {  	_ =	swait.ge [sflag:s28], $0x1000  }
0x81: {  	[sflag:s28] =	ssyncset.done $0x0  }
0x82: {  	s21 =	simm.s32 $0x9E80;
	[sflag:s28] =	ssyncadd.s32 $0xFFFFF000  }
0x83: {  	[spmem:s2] =	stream.indirect.scatter.add.bf16 [tilespmem:s26], [sflag:$0x2], $0x20, s21, s15, $0xb8;
	[tilespmem:$0x16000] =	vst v63  }
0x84: {  	_ =	swait.ge [sflag:s28], $0x1000  }
0x85: {  	[sflag:s28] =	ssyncset.done $0x0  }
0x86: {  	s29 =	simm.s32 $0x9F00;
	[sflag:s28] =	ssyncadd.s32 $0xFFFFF000  }
0x87: {  	[spmem:s2] =	stream.indirect.scatter.add.bf16 [tilespmem:s30], [sflag:$0x2], $0x20, s29, s15, $0xb8;
	[tilespmem:$0x16000] =	vst v63  }
0x88: {  	_ =	swait.ge [sflag:s28], $0x1000  }
0x89: {  	[sflag:s28] =	ssyncset.done $0x0  }
0x8a: {  	s31 =	simm.s32 $0x9F80;
	[sflag:s28] =	ssyncadd.s32 $0xFFFFF000  }
0x8b: {  	[spmem:s2] =	stream.indirect.scatter.add.bf16 [tilespmem:s0], [sflag:$0x2], $0x20, s31, s15, $0xb8;
	[tilespmem:$0x16000] =	vst v63  }
0x8c: {  	_ =	swait.ge [sflag:s25], $0x1000  }
0x8d: {  	[sflag:s25] =	ssyncset.done $0x0  }
0x8e: {  	[sflag:s25] =	ssyncadd.s32 $0xFFFFF000  }
0x8f: {  	_ =	swait.ge [sflag:s25], $0x1000  }
0x90: {  	[sflag:s25] =	ssyncset.done $0x0  }
0x91: {  	[sflag:s25] =	ssyncadd.s32 $0xFFFFF000  }
0x92: {  	_ =	swait.ge [sflag:s25], $0x1000  }
0x93: {  	[sflag:s25] =	ssyncset.done $0x0  }
0x94: {  	[sflag:s25] =	ssyncadd.s32 $0xFFFFF000  }
0x95: {  	_ =	swait.ge [sflag:s25], $0x1000  }
0x96: {  	[sflag:s25] =	ssyncset.done $0x0  }
0x97: {  	[sflag:s25] =	ssyncadd.s32 $0xFFFFF000  }
0x98: {  	_ =	swait.ge [sflag:s25], $0x1000  }
0x99: {  	[sflag:s25] =	ssyncset.done $0x0  }
0x9a: {  	[sflag:s25] =	ssyncadd.s32 $0xFFFFF000  }
0x9b: {  	_ =	swait.ge [sflag:s25], $0x1000  }
0x9c: {  	[sflag:s25] =	ssyncset.done $0x0  }
0x9d: {  	[sflag:s25] =	ssyncadd.s32 $0xFFFFF000  }
0x9e: {  	_ =	swait.ge [sflag:s25], $0x1000  }
0x9f: {  	[sflag:s25] =	ssyncset.done $0x0  }
0xa0: {  	[sflag:s25] =	ssyncadd.s32 $0xFFFFF000  }
0xa1: {  	_ =	swait.ge [sflag:s25], $0x1000  }
0xa2: {  	[sflag:s25] =	ssyncset.done $0x0  }
0xa3: {  	[sflag:s25] =	ssyncadd.s32 $0xFFFFF000  }
0xa4: {  	_ =	swait.ge [sflag:s25], $0x1000  }
0xa5: {  	[sflag:s25] =	ssyncset.done $0x0  }
0xa6: {  	[sflag:s25] =	ssyncadd.s32 $0xFFFFF000  }
0xa7: {  	_ =	swait.ge [sflag:s25], $0x1000  }
0xa8: {  	[sflag:s25] =	ssyncset.done $0x0  }
0xa9: {  	[sflag:s25] =	ssyncadd.s32 $0xFFFFF000  }
0xaa: {  	_ =	swait.ge [sflag:s25], $0x1000  }
0xab: {  	[sflag:s25] =	ssyncset.done $0x0  }
0xac: {  	[sflag:s25] =	ssyncadd.s32 $0xFFFFF000  }
0xad: {  	_ =	swait.ge [sflag:s25], $0x1000  }
0xae: {  	s23 =	sadd.s32 $0x1, s23;
	[sflag:s25] =	ssyncset.done $0x0  }
0xaf: {  	p0 =	sne.s32 s23, s9;
	[sflag:s25] =	ssyncadd.s32 $0xFFFFF000  }
.Ltmp1:
0xb0: {  	[bflag:$0x0] =	sbarrier.arrive $0xFFFF;
	(pc) =	sbr.rel @p0 .LBB2_1-.Ltmp1, $4  }
0xb1: {  	[hbm:s8], [sflag:s13] =	dma.local [spmem:s14], $0xA00  }
0xb2: {  	_ =	swait.ge [sflag:s11], $0xA00  }
0xb3: {  	[sflag:s11] =	ssyncset.done $0x0  }
0xb4: {  	[sflag:s11] =	ssyncadd.s32 $0xFFFFF600  }
0xb5: {  	_ =	sfence.sel $0x180000  }
0xb6: {  	[bflag:$0x0] =	sbarrier.arrive $0xFFFF  }
0xb7: {  	_ =	strace $0x9000004A  }
0xb8: {  	s0 =	stileid.u32;
	[bflag:$0x2] =	sbarrier.arrive $0xFFFF  }
0xb9: {  	p0 =	sne.s32 s0, $0x0;
	s0 =	rddreg [dreg:$0x2]  }
0xba: {  	s0 =	sadd.s32 @!p0 $0x100000, s0  }
0xbb: {  	[sflag:s0] =	ssyncadd.tile.s32 @!p0 $0x1;
	_ =	shalt  }
.Lfunc_end2:
_tile_overlayer_lowered:
.L_overlay_start_2:
0xbc: {  	(tag) =	ssettag $0x2  }
0xbd: {  	s0 =	rddreg [dreg:$0x0];
	s2 =	stileid.u32  }
0xbe: {  	s1 =	rddreg [dreg:$0x1];
	p0 =	sne.s32 s2, $0x0  }
0xbf: {  	s3 =	rddreg [dreg:$0x2];
	[bflag:$0x3] =	sbarrier.arrive $0xFFFF;
	s2 =	simm.s32 @!p0 $0x1C03  }
0xc0: {  	[timem:s3], [sflag:s2] =	dma.local @!p0 [hbm:s0], s1  }
0xc1: {  	s0 =	simm.s32 @!p0 $0x3  }
0xc2: {  	_ =	swait.ge @!p0 [sflag:s0], s1  }
0xc3: {  	s1 =	ssub.s32 @!p0 $0x0, s1;
	[sflag:s0] =	ssyncset.done @!p0 $0x0  }
0xc4: {  	[sflag:s0] =	ssyncadd.s32 @!p0 s1  }
0xc5: {  	[bflag:$0x3] =	sbarrier.arrive $0xFFFF  }
0xc6: {  	_ =	shalt  }

// kernel: kernel.14.cloned.1.call-start
scs
__scs_entry_jumppad:
0x0: {  	(pc) =	sbr.rel $0x88, $3  }
0x1: {  	(tag) =	ssettag $0x0;
	lr =	simm.s32 $0x1  }
0x2: {  	[smem:$0x3F97] =	sst lr;
	_ =	strace $0xD0000000  }
0x3: {  	_ = 	snop  }
0x4: {  	_ = 	snop  }
0x5: {  	_ = 	snop  }
0x6: {  	_ = 	snop  }
0x7: {  	_ = 	snop  }
__scs_overlays_trampoline_lowered:
0x8: {  	[smem:$0x3FA6] =	sst s0  }
0x9: {  	[smem:$0x3FA7] =	sst s1  }
0xa: {  	[smem:$0x3FA8] =	sst s2  }
0xb: {  	[smem:$0x3FA9] =	sst s3  }
0xc: {  	[smem:$0x3FAA] =	sst s4  }
0xd: {  	[smem:$0x3FAB] =	sst s5  }
0xe: {  	[smem:$0x3FAC] =	sst s6  }
0xf: {  	[smem:$0x3FAD] =	sst s7  }
0x10: {  	[smem:$0x3FAE] =	sst s8  }
0x11: {  	[smem:$0x3FAF] =	sst s9;
	s0 =	simm.s32 @!p0 $0x0  }
0x12: {  	s1 =	sld [smem:$0x3F95];
	s0 =	simm.s32 @p0 $0x1  }
0x13: {  	[smem:$0x3FB0] =	sst s0;
	s0 =	simm.s32 @!p1 $0x0  }
0x14: {  	s2 =	sld [smem:$0x3F94];
	s0 =	simm.s32 @p1 $0x1  }
0x15: {  	[smem:$0x3FB1] =	sst s0;
	s0 =	simm.s32 @!p2 $0x0  }
0x16: {  	s3 =	sld [smem:$0x3FDB];
	s0 =	simm.s32 @p2 $0x1  }
0x17: {  	s4 =	simm.s32 $0x1BF5;
	[smem:$0x3FB3] =	sst s0  }
0x18: {  	s0 =	sld [smem:$0x3F96];
	_ =	swait.ge [sflag:s4], $0x0  }
0x19: {  	s7 =	sld [smem:$0x3F97]  }
0x1a: {  	s8 =	sadd.s32 $0xFFFFE003, lr  }
0x1b: {  	s9 =	sadd.s32 $0xFFFFFEF7, lr;
	s5 =	simm.s32 $0xFFFFFFFF;
	p2 =	slt.u32 s8, $0xFFFFF086  }
0x1c: {  	p1 =	slt.u32 s9, $0xF7A;
	s5 =	simm.s32 @!p2 $0x0  }
0x1d: {  	s5 =	simm.s32 @p1 $0x1;
	p0 =	seq.s32 s7, s2  }
0x1e: {  	s7 =	smul.u32 @!p0 $0xF7A, s2;
	p2 =	seq.s32 @!p0 s5, $0x0  }
0x1f: {  	s9 =	smul.u32 $0xF7A, s1;
	s8 =	simm.s32 @!p0 $0x1BF5;
	p2 =	por !p2, p0  }
0x20: {  	[sflag:s8] =	ssyncset.s32 @!p0 $0xFFFFF086;
	s6 =	sadd.s32 @!p0 s3, s7;
	s7 =	simm.s32 @!p0 $0x108  }
0x21: {  	s3 =	sadd.s32 s3, s9;
	s6 =	sadd.s32 @!p0 $0x88, s6;
	s7 =	simm.s32 @p2 $0x1082  }
0x22: {  	[simem:s7], [sflag:s8] =	dma.local @!p0 [hbm:s6], $0xF7A  }
0x23: {  	s9 =	sor.u32 $0xD0000000, s2;
	s6 =	simm.s32 $0x108;
	_ =	swait.ge @!p0 [sflag:s8], $0x0  }
0x24: {  	s3 =	sadd.s32 $0x88, s3;
	s6 =	simm.s32 @!p1 $0x1082;
	[sflag:s4] =	ssyncset.s32 $0xFFFFF086  }
0x25: {  	[simem:s6], [sflag:s4] =	dma.local [hbm:s3], $0xF7A  }
0x26: {  	[smem:$0x3F97] =	sst s1;
	(tag) =	ssettag s2;
	_ =	strace s9  }
0x27: {  	s1 =	sld [smem:$0x3FA7]  }
0x28: {  	s2 =	sld [smem:$0x3FA8]  }
0x29: {  	s4 =	sld [smem:$0x3FAA]  }
0x2a: {  	p0 =	seq.s32 s5, $0x0;
	s5 =	sld [smem:$0x3FAB]  }
0x2b: {  	s6 =	sld [smem:$0x3FAC]  }
0x2c: {  	s7 =	sld [smem:$0x3FAD]  }
0x2d: {  	s3 =	simm.s32 $0x108;
	s8 =	sld [smem:$0x3FAE]  }
0x2e: {  	s3 =	simm.s32 @!p0 $0x1082;
	s9 =	sld [smem:$0x3FAF]  }
0x2f: {  	lr =	sadd.s32 s0, s3;
	s0 =	sld [smem:$0x3FA6]  }
0x30: {  	s3 =	sld [smem:$0x3FA9]  }
0x31: {  	[smem:$0x3FB2] =	sst s10  }
0x32: {  	s10 =	sld [smem:$0x3FB0];
	_ =	sdelay $0x3  }
0x33: {  	p0 =	seq.s32 s10, $0x1;
	s10 =	sld [smem:$0x3FB2];
	_ =	sdelay $0x3  }
0x34: {  	[smem:$0x3FB2] =	sst s10  }
0x35: {  	s10 =	sld [smem:$0x3FB1];
	_ =	sdelay $0x3  }
0x36: {  	p1 =	seq.s32 s10, $0x1;
	s10 =	sld [smem:$0x3FB2];
	_ =	sdelay $0x3  }
0x37: {  	[smem:$0x3FB2] =	sst s10  }
0x38: {  	s10 =	sld [smem:$0x3FB3]  }
0x39: {  	_ = 	snop;
	(pc) =	sbr.ind lr, $3  }
0x3a: {  	_ = 	snop  }
0x3b: {  	_ = 	snop  }
0x3c: {  	p2 =	seq.s32 s10, $0x1;
	s10 =	sld [smem:$0x3FB2]  }
0x3d: {  	_ =	shalt  }
0x3e: {  	_ =	shalt  }
0x3f: {  	_ =	shalt  }
0x40: {  	_ =	shalt  }
0x41: {  	_ =	shalt  }
0x42: {  	_ =	shalt  }
0x43: {  	_ =	shalt  }
0x44: {  	_ =	shalt  }
0x45: {  	_ =	shalt  }
0x46: {  	_ =	shalt  }
0x47: {  	_ =	shalt  }
0x48: {  	_ =	shalt  }
0x49: {  	_ =	shalt  }
0x4a: {  	_ =	shalt  }
0x4b: {  	_ =	shalt  }
0x4c: {  	_ =	shalt  }
0x4d: {  	_ =	shalt  }
0x4e: {  	_ =	shalt  }
0x4f: {  	_ =	shalt  }
0x50: {  	_ =	shalt  }
0x51: {  	_ =	shalt  }
0x52: {  	_ =	shalt  }
0x53: {  	_ =	shalt  }
0x54: {  	_ =	shalt  }
0x55: {  	_ =	shalt  }
0x56: {  	_ =	shalt  }
0x57: {  	_ =	shalt  }
0x58: {  	_ =	shalt  }
0x59: {  	_ =	shalt  }
0x5a: {  	_ =	shalt  }
0x5b: {  	_ =	shalt  }
0x5c: {  	_ =	shalt  }
0x5d: {  	_ =	shalt  }
0x5e: {  	_ =	shalt  }
0x5f: {  	_ =	shalt  }
0x60: {  	_ =	shalt  }
0x61: {  	_ =	shalt  }
0x62: {  	_ =	shalt  }
0x63: {  	_ =	shalt  }
0x64: {  	_ =	shalt  }
0x65: {  	_ =	shalt  }
0x66: {  	_ =	shalt  }
0x67: {  	_ =	shalt  }
0x68: {  	_ =	shalt  }
0x69: {  	_ =	shalt  }
0x6a: {  	_ =	shalt  }
0x6b: {  	_ =	shalt  }
0x6c: {  	_ =	shalt  }
0x6d: {  	_ =	shalt  }
0x6e: {  	_ =	shalt  }
0x6f: {  	_ =	shalt  }
0x70: {  	_ =	shalt  }
0x71: {  	_ =	shalt  }
0x72: {  	_ =	shalt  }
0x73: {  	_ =	shalt  }
0x74: {  	_ =	shalt  }
0x75: {  	_ =	shalt  }
0x76: {  	_ =	shalt  }
0x77: {  	_ =	shalt  }
0x78: {  	_ =	shalt  }
0x79: {  	_ =	shalt  }
0x7a: {  	_ =	shalt  }
0x7b: {  	_ =	shalt  }
0x7c: {  	_ =	shalt  }
0x7d: {  	_ =	shalt  }
0x7e: {  	_ =	shalt  }
0x7f: {  	_ =	shalt  }
0x80: {  	_ =	shalt  }
0x81: {  	_ =	shalt  }
0x82: {  	_ =	shalt  }
0x83: {  	_ =	shalt  }
0x84: {  	_ =	shalt  }
0x85: {  	_ =	shalt  }
0x86: {  	_ =	shalt  }
0x87: {  	_ =	shalt  }
.Lfunc_end0:
.L_simem_size_0:
called_computation.2_lowered:
.L_overlay_start_0:
0x88: {  	s2 =	sld [smem:$0x3FD9]  }
0x89: {  	s3 =	sld [smem:$0x3FFE];
	_ =	sdelay $0x1  }
0x8a: {  	s1 =	srdreg.scid  }
0x8b: {  	s0 =	sand.u32 $0x1, s1  }
0x8c: {  	s16 =	sshll.u32 s0, $0xA;
	s2 =	sadd.s32 s3, s2  }
0x8d: {  	s2 =	sadd.s32 s2, s16  }
0x8e: {  	[smem:$0x3FBE] =	sst s2  }
0x8f: {  	_ = 	snop  }
0x90: {  	(tm) =	ssettm $0x1  }
0x91: {  	s17 =	sld [smem:$0x3FFB];
	_ =	sdelay $0x3  }
0x92: {  	_ =	strace s17  }
0x93: {  	s2 =	sld [smem:$0x3FFC];
	_ =	sdelay $0x3  }
0x94: {  	_ =	strace s2  }
0x95: {  	s2 =	sld [smem:$0x3FFD];
	_ =	sdelay $0x3  }
0x96: {  	_ =	strace s2  }
0x97: {  	_ =	strace $0x8FFFFFFF  }
0x98: {  	s18 =	sld [smem:$0x3FDB];
	_ =	sdelay $0x1  }
0x99: {  	s19 =	simm.s32 $_scs_section_size  }
0x9a: {  	s4 =	simm.s32 $_size__tile_overlayer_lowered;
	s5 =	simm.s32 $_tile_overlayer_lowered  }
0x9b: {  	s22 =	simm.s32 $0x1BFF;
	s21 =	sshll.u32 s5, $0x1;
	s2 =	sadd.s32 s19, s18  }
0x9c: {  	s6 =	simm.s32 $0x0;
	s20 =	sshll.u32 s4, $0x1;
	s4 =	sadd.s32 s21, s2  }
0x9d: {  	[timem:s6], [sflag:s22] =	dma.local [hbm:s4], s20  }
0x9e: {  	_ =	swait.ge [sflag:s22], s20  }
0x9f: {  	s3 =	ssub.s32 $0x0, s20;
	[sflag:s22] =	ssyncset.done $0x0  }
0xa0: {  	[sflag:s22] =	ssyncadd.s32 s3;
	_ =	sdelay $0x1  }
0xa1: {  	s23 =	simm.s32 $0x1B8B  }
0xa2: {  	_ =	swait.ge [sflag:s23], $0x1  }
0xa3: {  	[sflag:s23] =	ssyncset.done $0x0  }
0xa4: {  	s25 =	simm.s32 $0x1B8E;
	s24 =	sld [smem:$0x3FFE];
	[sflag:s23] =	ssyncadd.s32 $0xFFFFFFFF  }
0xa5: {  	s26 =	simm.s32 $execute0_lowered;
	[smem:$0x3FD2] =	sst s25  }
0xa6: {  	s4 =	sshll.u32 s26, $0x1;
	_ =	strace $0x8000004C;
	[dreg:$0x1] =	wrdreg $0xFFFFFFFF  }
0xa7: {  	s28 =	simm.s32 $_size_execute0_lowered;
	s2 =	sadd.s32 s2, s4;
	[dreg:$0x0] =	wrdreg $0x0  }
0xa8: {  	s4 =	sshll.u32 s28, $0x1;
	[dreg:$0x2] =	wrdreg s2  }
0xa9: {  	[dreg:$0x3] =	wrdreg s4  }
0xaa: {  	[dreg:$0x4] =	wrdreg $0xC0  }
0xab: {  	_ =	task [dreg:s6], $0x5FFFF  }
0xac: {  	[dreg:$0x1] =	wrdreg $0xFFFFFFFF  }
0xad: {  	[dreg:$0x0] =	wrdreg $0x60  }
0xae: {  	[dreg:$0x2] =	wrdreg s24  }
0xaf: {  	[dreg:$0x3] =	wrdreg $0x0  }
0xb0: {  	[dreg:$0x4] =	wrdreg $0x9  }
0xb1: {  	_ =	task.clear_ibuf [dreg:s6], $0x5FFFF;
	_ =	strace $0x9000004C  }
0xb2: {  	s29 =	simm.s32 $0x9;
	_ =	strace $0x8000004E  }
0xb3: {  	_ =	swait.ge [sflag:s29], $0x1  }
0xb4: {  	[sflag:s29] =	ssyncadd.s32 $0xFFFFFFFF  }
0xb5: {  	_ =	strace $0x9000004E  }
0xb6: {  	_ =	sfence  }
0xb7: {  	s30 =	sld [smem:$0x0];
	_ =	sdelay $0x2  }
0xb8: {  	s31 =	sshll.u32 s1, $0xD;
	s1 =	sshrl.u32 s1, $0x2  }
0xb9: {  	s3 =	sand.u32 $0x4000, s31;
	s1 =	sadd.s32 s1, s30  }
0xba: {  	s0 =	sor.u32 s3, s0;
	s1 =	sshll.u32 s1, $0x11  }
0xbb: {  	s0 =	sor.u32 s1, s0  }
0xbc: {  	s0 =	sadd.s32 $0x8F2B, s0  }
0xbd: {  	[sflag:s0] =	ssyncadd.remote.s32 $0x1  }
0xbe: {  	_ =	sfence.sel $0xFFFF  }
0xbf: {  	[dreg:$0x0] =	wrdreg $0xFFFFFFFF;
	(pc) =	sbr.abs _section_cstart, $3  }
0xc0: {  	[dreg:$0x1] =	wrdreg $0xFFFFFFFF  }
0xc1: {  	_ =	task.clear_ibuf [dreg:s6], $0x2FFFF;
	_ =	strace $0x9FFFFFFF  }
0xc2: {  	(tm) =	ssettm $0x7FFFFFFF  }
0xc3: {  	_ =	shalt  }
tec
execute0_lowered:
.L_overlay_start_1:
0x0: {  	(tag) =	ssettag $0x1  }
0x1: {  	s0 =	srdreg.scid;
	s3 =	rddreg [dreg:$0x0]  }
0x2: {  	s10 =	stileid.u32;
	s2 =	rddreg [dreg:$0x1]  }
0x3: {  	s4 =	simm.s32 $0x0;
	s11 =	simm.s32 $0x3;
	s12 =	simm.s32 $0x7800  }
0x4: {  	s15 =	simm.s32 $0x80;
	s16 =	simm.s32 $0xA000;
	s18 =	simm.s32 $0xB000  }
0x5: {  	s20 =	simm.s32 $0xC000;
	s22 =	simm.s32 $0xD000;
	s24 =	simm.s32 $0xE000  }
0x6: {  	s28 =	simm.s32 $0x1;
	s30 =	simm.s32 $0x10000;
	s25 =	simm.s32 $0x2  }
0x7: {  	s23 =	simm.s32 $0x0;
	s0 =	sand.u32 $0x1, s0;
	s5 =	smul.u32 $0xA000, s10  }
0x8: {  	[smem:$0x7FF] =	sst s4;
	s4 =	sadd.s32 $0x21000, s3;
	s31 =	sshll.u32 s10, $0x6  }
0x9: {  	s1 =	sshll.u32 s0, $0x4;
	s6 =	smul.u32 $0xA0000, s0;
	_ =	strace $0x8000004D  }
0xa: {  	s0 =	ssub.s32 $0x2, s0;
	s13 =	sor.u32 $0x1C03, s31;
	s1 =	sor.u32 s10, s1  }
0xb: {  	s7 =	sshrl.u32 s5, $0x4;
	s8 =	sshrl.u32 s0, $0x1;
	s29 =	sshrl.u32 s5, $0x1  }
0xc: {  	s1 =	smul.u32 $0x500, s1;
	s6 =	sadd.s32 s5, s6;
	s7 =	sadd.s32 s7, s3  }
0xd: {  	s0 =	ssub.s32 s0, s8;
	s6 =	sshrl.u32 s6, $0x4;
	s7 =	sadd.s32 $0x17000, s7  }
0xe: {  	s9 =	smax.u32 s0, $0x1;
	s0 =	simm.s32 $0x11000;
	s1 =	sadd.s32 s1, s3  }
0xf: {  	s3 =	sadd.s32 s6, s3;
	s26 =	sadd.s32 $0x2000, s1;
	s1 =	sadd.s32 $0xC000, s1  }
0x10: {  	s8 =	sadd.s32 $0x2B000, s3;
	[dreg:$0x4] =	wrdreg s1;
	s1 =	sadd.s32 s29, s2  }
0x11: {  	[dreg:$0x3] =	wrdreg s26;
	s26 =	simm.s32 $0xF000;
	s14 =	sshrl.u32 s1, $0x3  }
.LBB2_1:
0x12: {  	s1 =	simm.s32 $0x0;
	s3 =	rddreg [dreg:$0x3];
	s5 =	simm.s32 $0x5000  }
0x13: {  	[tilespmem:s5], [sflag:$0x3] =	stream.linear.gather [hbm4b:s3+s1], $0x2800, $0x38;
	[tilespmem:$0x16000] =	vst v63  }
0x14: {  	_ =	swait.ge [sflag:s11], $0x2800  }
0x15: {  	[sflag:s11] =	ssyncset.done $0x0  }
0x16: {  	s6 =	rddreg [dreg:$0x4];
	[sflag:s11] =	ssyncadd.s32 $0xFFFFD800  }
0x17: {  	[tilespmem:s12], [sflag:$0x3] =	stream.linear.gather [hbm4b:s6+s1], $0x2800, $0x38;
	[tilespmem:$0x16000] =	vst v63  }
0x18: {  	_ =	swait.ge [sflag:s11], $0x2800  }
0x19: {  	[sflag:s11] =	ssyncset.done $0x0  }
0x1a: {  	[sflag:s11] =	ssyncadd.s32 $0xFFFFD800  }
0x1b: {  	[spmem:s14], [sflag:s13] =	dma.local [hbm:s7], $0xA00  }
0x1c: {  	_ =	swait.ge [sflag:s11], $0xA00  }
0x1d: {  	[sflag:s11] =	ssyncset.done $0x0  }
0x1e: {  	[sflag:s11] =	ssyncadd.s32 $0xFFFFF600  }
0x1f: {  	[bflag:$0x0] =	sbarrier.arrive $0xFFFF  }
0x20: {  	[tilespmem:s16], [sflag:$0x1] =	stream.indirect.gather [hbm4b:s4+s15], $0x20, s5, s15, $0xb8;
	[tilespmem:$0x16000] =	vst v63  }
0x21: {  	s10 =	simm.s32 $0x5080  }
0x22: {  	[tilespmem:s18], [sflag:$0x1] =	stream.indirect.gather [hbm4b:s4+s15], $0x20, s10, s15, $0xb8;
	[tilespmem:$0x16000] =	vst v63  }
0x23: {  	s17 =	simm.s32 $0x5100  }
0x24: {  	[tilespmem:s20], [sflag:$0x1] =	stream.indirect.gather [hbm4b:s4+s15], $0x20, s17, s15, $0xb8;
	[tilespmem:$0x16000] =	vst v63  }
0x25: {  	s19 =	simm.s32 $0x5180  }
0x26: {  	[tilespmem:s22], [sflag:$0x1] =	stream.indirect.gather [hbm4b:s4+s15], $0x20, s19, s15, $0xb8;
	[tilespmem:$0x16000] =	vst v63  }
0x27: {  	s21 =	simm.s32 $0x5200  }
0x28: {  	[tilespmem:s24], [sflag:$0x1] =	stream.indirect.gather [hbm4b:s4+s15], $0x20, s21, s15, $0xb8;
	[tilespmem:$0x16000] =	vst v63  }
0x29: {  	s3 =	simm.s32 $0x5280  }
0x2a: {  	[tilespmem:s26], [sflag:$0x1] =	stream.indirect.gather [hbm4b:s4+s15], $0x20, s3, s15, $0xb8;
	[tilespmem:$0x16000] =	vst v63  }
0x2b: {  	_ =	swait.ge [sflag:s28], $0x1000  }
0x2c: {  	[sflag:s28] =	ssyncset.done $0x0  }
0x2d: {  	[sflag:s28] =	ssyncadd.s32 $0xFFFFF000  }
0x2e: {  	[spmem:s2] =	stream.indirect.scatter.add.bf16 [tilespmem:s16], [sflag:$0x2], $0x20, s12, s15, $0xb8;
	[tilespmem:$0x16000] =	vst v63  }
0x2f: {  	s5 =	simm.s32 $0x5300  }
0x30: {  	[tilespmem:s30], [sflag:$0x1] =	stream.indirect.gather [hbm4b:s4+s15], $0x20, s5, s15, $0xb8;
	[tilespmem:$0x16000] =	vst v63  }
0x31: {  	_ =	swait.ge [sflag:s28], $0x1000  }
0x32: {  	[sflag:s28] =	ssyncset.done $0x0  }
0x33: {  	s6 =	simm.s32 $0x7880;
	[sflag:s28] =	ssyncadd.s32 $0xFFFFF000  }
0x34: {  	[spmem:s2] =	stream.indirect.scatter.add.bf16 [tilespmem:s18], [sflag:$0x2], $0x20, s6, s15, $0xb8;
	[tilespmem:$0x16000] =	vst v63  }
0x35: {  	s10 =	simm.s32 $0x5380  }
0x36: {  	[tilespmem:s0], [sflag:$0x1] =	stream.indirect.gather [hbm4b:s4+s15], $0x20, s10, s15, $0xb8;
	[tilespmem:$0x16000] =	vst v63  }
0x37: {  	_ =	swait.ge [sflag:s28], $0x1000  }
0x38: {  	[sflag:s28] =	ssyncset.done $0x0  }
0x39: {  	s17 =	simm.s32 $0x7900;
	[sflag:s28] =	ssyncadd.s32 $0xFFFFF000  }
0x3a: {  	[spmem:s2] =	stream.indirect.scatter.add.bf16 [tilespmem:s20], [sflag:$0x2], $0x20, s17, s15, $0xb8;
	[tilespmem:$0x16000] =	vst v63  }
0x3b: {  	s19 =	simm.s32 $0x5400;
	s21 =	simm.s32 $0x12000  }
0x3c: {  	[tilespmem:s21], [sflag:$0x1] =	stream.indirect.gather [hbm4b:s4+s15], $0x20, s19, s15, $0xb8;
	[tilespmem:$0x16000] =	vst v63  }
0x3d: {  	_ =	swait.ge [sflag:s28], $0x1000  }
0x3e: {  	[sflag:s28] =	ssyncset.done $0x0  }
0x3f: {  	s3 =	simm.s32 $0x7980;
	[sflag:s28] =	ssyncadd.s32 $0xFFFFF000  }
0x40: {  	[spmem:s2] =	stream.indirect.scatter.add.bf16 [tilespmem:s22], [sflag:$0x2], $0x20, s3, s15, $0xb8;
	[tilespmem:$0x16000] =	vst v63  }
0x41: {  	s5 =	simm.s32 $0x5480;
	s6 =	simm.s32 $0x13000  }
0x42: {  	[tilespmem:s6], [sflag:$0x1] =	stream.indirect.gather [hbm4b:s4+s15], $0x20, s5, s15, $0xb8;
	[tilespmem:$0x16000] =	vst v63  }
0x43: {  	s29 =	simm.s32 $0x5600;
	s31 =	simm.s32 $0xD;
	_ =	swait.ge [sflag:s28], $0x1000  }
0x44: {  	s10 =	simm.s32 $0x7A00;
	s3 =	simm.s32 $0xC;
	[sflag:s28] =	ssyncset.done $0x0  }
0x45: {  	s17 =	simm.s32 $0x5500;
	s1 =	smul.u32 $0xAB, s3;
	[sflag:s28] =	ssyncadd.s32 $0xFFFFF000  }
0x46: {  	[spmem:s2] =	stream.indirect.scatter.add.bf16 [tilespmem:s24], [sflag:$0x2], $0x20, s10, s15, $0xb8;
	[tilespmem:$0x16000] =	vst v63  }
0x47: {  	s19 =	simm.s32 $0x14000;
	s10 =	sadd.s32 $0xFFFFFBFE, s1;
	s1 =	sshrl.u32 s1, $0xB  }
0x48: {  	s21 =	simm.s32 $0x7A80;
	s3 =	sshrl.u32 s10, $0xB;
	s1 =	sand.u32 $0x1F, s1  }
0x49: {  	[tilespmem:s19], [sflag:$0x1] =	stream.indirect.gather [hbm4b:s4+s15], $0x20, s17, s15, $0xb8;
	[tilespmem:$0x16000] =	vst v63  }
0x4a: {  	s5 =	simm.s32 $0x5580;
	s3 =	sand.u32 $0x1F, s3;
	s1 =	smul.u32 $0xC, s1  }
0x4b: {  	s6 =	simm.s32 $0x15000;
	_ =	swait.ge [sflag:s28], $0x1000;
	s3 =	smul.u32 $0xC, s3  }
0x4c: {  	s17 =	simm.s32 $0x7B00;
	[sflag:s28] =	ssyncset.done $0x0;
	s1 =	ssub.s32 $0xC, s1  }
0x4d: {  	[sflag:s28] =	ssyncadd.s32 $0xFFFFF000;
	s3 =	ssub.s32 $0xC, s3;
	s1 =	sand.u32 $0xFF, s1  }
0x4e: {  	[spmem:s2] =	stream.indirect.scatter.add.bf16 [tilespmem:s26], [sflag:$0x2], $0x20, s21, s15, $0xb8;
	[tilespmem:$0x16000] =	vst v63  }
0x4f: {  	s19 =	smul.u32 $0xAB, s31;
	s3 =	sadd.s32 $0xFFFFFFFA, s3;
	s1 =	sshll.u32 s1, $0xC  }
0x50: {  	[tilespmem:s6], [sflag:$0x1] =	stream.indirect.gather [hbm4b:s4+s15], $0x20, s5, s15, $0xb8;
	[tilespmem:$0x16000] =	vst v63  }
0x51: {  	s21 =	sshrl.u32 s19, $0xB;
	s3 =	sand.u32 $0xFF, s3;
	_ =	swait.ge [sflag:s28], $0x1000  }
0x52: {  	s19 =	sadd.s32 $0xFFFFFBFE, s19;
	s3 =	sshll.u32 s3, $0xC;
	[sflag:s28] =	ssyncset.done $0x0  }
0x53: {  	s21 =	sand.u32 $0x1F, s21;
	s3 =	sadd.s32 $0xA000, s3;
	[sflag:s28] =	ssyncadd.s32 $0xFFFFF000  }
0x54: {  	[spmem:s2] =	stream.indirect.scatter.add.bf16 [tilespmem:s3], [sflag:$0x2], $0x20, s17, s15, $0xb8;
	[tilespmem:$0x16000] =	vst v63  }
0x55: {  	s5 =	sshrl.u32 s19, $0xB;
	s21 =	smul.u32 $0xC, s21;
	_ =	swait.ge [sflag:s25], $0x1000  }
0x56: {  	s19 =	simm.s32 $0x5600;
	s3 =	simm.s32 $0xE;
	[sflag:s25] =	ssyncset.done $0x0  }
0x57: {  	s17 =	sadd.s32 $0xA000, s1;
	s1 =	simm.s32 $0x7B80;
	[sflag:s25] =	ssyncadd.s32 $0xFFFFF000  }
.LBB2_2:
0x58: {  	s5 =	sand.u32 $0x1F, s5  }
0x59: {  	s29 =	sadd.s32 $0x80, s29;
	s6 =	smov.u32 s3;
	s10 =	sadd.s32 $0x1, s3  }
0x5a: {  	p0 =	sne.s32 s3, $0x4F;
	s3 =	smul.u32 $0xC, s5;
	s5 =	ssub.s32 s31, s21  }
0x5b: {  	[tilespmem:s17], [sflag:$0x1] =	stream.indirect.gather [hbm4b:s4+s15], $0x20, s19, s15, $0xb8;
	[tilespmem:$0x16000] =	vst v63  }
0x5c: {  	s5 =	sand.u32 $0xFF, s5;
	s3 =	ssub.s32 s31, s3;
	s31 =	smov.u32 s6  }
0x5d: {  	s19 =	smov.u32 s29;
	s5 =	sshll.u32 s5, $0xC;
	s3 =	sadd.s32 $0xFFFFFFFA, s3  }
0x5e: {  	s17 =	sadd.s32 $0xA000, s5;
	s3 =	sand.u32 $0xFF, s3;
	_ =	swait.ge [sflag:s28], $0x1000  }
0x5f: {  	s5 =	smul.u32 $0xAB, s31;
	s3 =	sshll.u32 s3, $0xC;
	[sflag:s28] =	ssyncset.done $0x0  }
0x60: {  	s3 =	sadd.s32 $0xA000, s3;
	[sflag:s28] =	ssyncadd.s32 $0xFFFFF000  }
0x61: {  	[spmem:s2] =	stream.indirect.scatter.add.bf16 [tilespmem:s3], [sflag:$0x2], $0x20, s1, s15, $0xb8;
	[tilespmem:$0x16000] =	vst v63  }
.Ltmp0:
0x62: {  	_ = 	snop;
	(pc) =	sbr.rel @p0 .LBB2_2-.Ltmp0, $4  }
0x63: {  	s3 =	sshrl.u32 s5, $0xB  }
0x64: {  	s1 =	sadd.s32 $0x80, s1;
	s5 =	sadd.s32 $0xFFFFFBFE, s5;
	_ =	swait.ge [sflag:s25], $0x1000  }
0x65: {  	s3 =	sand.u32 $0x1F, s3;
	s5 =	sshrl.u32 s5, $0xB;
	[sflag:s25] =	ssyncset.done $0x0  }
0x66: {  	s21 =	smul.u32 $0xC, s3;
	s3 =	smov.u32 s10;
	[sflag:s25] =	ssyncadd.s32 $0xFFFFF000  }
0x67: {  	s3 =	sand.u32 $0x1F, s5  }
0x68: {  	s3 =	smul.u32 $0xC, s3  }
0x69: {  	[tilespmem:s17], [sflag:$0x1] =	stream.indirect.gather [hbm4b:s4+s15], $0x20, s19, s15, $0xb8;
	[tilespmem:$0x16000] =	vst v63  }
0x6a: {  	s3 =	ssub.s32 s31, s3  }
0x6b: {  	s3 =	sadd.s32 $0xFFFFFFFA, s3  }
0x6c: {  	_ =	swait.ge [sflag:s28], $0x1000;
	s3 =	sand.u32 $0xFF, s3  }
0x6d: {  	[sflag:s28] =	ssyncset.done $0x0;
	s3 =	sshll.u32 s3, $0xC  }
0x6e: {  	s5 =	ssub.s32 s31, s21;
	[sflag:s28] =	ssyncadd.s32 $0xFFFFF000;
	s3 =	sadd.s32 $0xA000, s3  }
0x6f: {  	[spmem:s2] =	stream.indirect.scatter.add.bf16 [tilespmem:s3], [sflag:$0x2], $0x20, s1, s15, $0xb8;
	[tilespmem:$0x16000] =	vst v63  }
0x70: {  	s1 =	sand.u32 $0xFF, s5;
	_ =	swait.ge [sflag:s25], $0x1000  }
0x71: {  	s1 =	sshll.u32 s1, $0xC;
	[sflag:s25] =	ssyncset.done $0x0  }
0x72: {  	s6 =	sadd.s32 $0x80, s29;
	s1 =	sadd.s32 $0xA000, s1;
	[sflag:s25] =	ssyncadd.s32 $0xFFFFF000  }
0x73: {  	[tilespmem:s1], [sflag:$0x1] =	stream.indirect.gather [hbm4b:s4+s15], $0x20, s6, s15, $0xb8;
	[tilespmem:$0x16000] =	vst v63  }
0x74: {  	_ =	swait.ge [sflag:s28], $0x1000  }
0x75: {  	[sflag:s28] =	ssyncset.done $0x0  }
0x76: {  	s10 =	simm.s32 $0x9D00;
	[sflag:s28] =	ssyncadd.s32 $0xFFFFF000  }
0x77: {  	[spmem:s2] =	stream.indirect.scatter.add.bf16 [tilespmem:s20], [sflag:$0x2], $0x20, s10, s15, $0xb8;
	[tilespmem:$0x16000] =	vst v63  }
0x78: {  	_ =	swait.ge [sflag:s28], $0x1000  }
0x79: {  	[sflag:s28] =	ssyncset.done $0x0  }
0x7a: {  	s17 =	simm.s32 $0x9D80;
	[sflag:s28] =	ssyncadd.s32 $0xFFFFF000  }
0x7b: {  	[spmem:s2] =	stream.indirect.scatter.add.bf16 [tilespmem:s22], [sflag:$0x2], $0x20, s17, s15, $0xb8;
	[tilespmem:$0x16000] =	vst v63  }
0x7c: {  	_ =	swait.ge [sflag:s28], $0x1000  }
0x7d: {  	[sflag:s28] =	ssyncset.done $0x0  }
0x7e: {  	s19 =	simm.s32 $0x9E00;
	[sflag:s28] =	ssyncadd.s32 $0xFFFFF000  }
0x7f: {  	[spmem:s2] =	stream.indirect.scatter.add.bf16 [tilespmem:s24], [sflag:$0x2], $0x20, s19, s15, $0xb8;
	[tilespmem:$0x16000] =	vst v63  }
0x80: {  	_ =	swait.ge [sflag:s28], $0x1000  }
0x81: {  	[sflag:s28] =	ssyncset.done $0x0  }
0x82: {  	s21 =	simm.s32 $0x9E80;
	[sflag:s28] =	ssyncadd.s32 $0xFFFFF000  }
0x83: {  	[spmem:s2] =	stream.indirect.scatter.add.bf16 [tilespmem:s26], [sflag:$0x2], $0x20, s21, s15, $0xb8;
	[tilespmem:$0x16000] =	vst v63  }
0x84: {  	_ =	swait.ge [sflag:s28], $0x1000  }
0x85: {  	[sflag:s28] =	ssyncset.done $0x0  }
0x86: {  	s29 =	simm.s32 $0x9F00;
	[sflag:s28] =	ssyncadd.s32 $0xFFFFF000  }
0x87: {  	[spmem:s2] =	stream.indirect.scatter.add.bf16 [tilespmem:s30], [sflag:$0x2], $0x20, s29, s15, $0xb8;
	[tilespmem:$0x16000] =	vst v63  }
0x88: {  	_ =	swait.ge [sflag:s28], $0x1000  }
0x89: {  	[sflag:s28] =	ssyncset.done $0x0  }
0x8a: {  	s31 =	simm.s32 $0x9F80;
	[sflag:s28] =	ssyncadd.s32 $0xFFFFF000  }
0x8b: {  	[spmem:s2] =	stream.indirect.scatter.add.bf16 [tilespmem:s0], [sflag:$0x2], $0x20, s31, s15, $0xb8;
	[tilespmem:$0x16000] =	vst v63  }
0x8c: {  	_ =	swait.ge [sflag:s25], $0x1000  }
0x8d: {  	[sflag:s25] =	ssyncset.done $0x0  }
0x8e: {  	[sflag:s25] =	ssyncadd.s32 $0xFFFFF000  }
0x8f: {  	_ =	swait.ge [sflag:s25], $0x1000  }
0x90: {  	[sflag:s25] =	ssyncset.done $0x0  }
0x91: {  	[sflag:s25] =	ssyncadd.s32 $0xFFFFF000  }
0x92: {  	_ =	swait.ge [sflag:s25], $0x1000  }
0x93: {  	[sflag:s25] =	ssyncset.done $0x0  }
0x94: {  	[sflag:s25] =	ssyncadd.s32 $0xFFFFF000  }
0x95: {  	_ =	swait.ge [sflag:s25], $0x1000  }
0x96: {  	[sflag:s25] =	ssyncset.done $0x0  }
0x97: {  	[sflag:s25] =	ssyncadd.s32 $0xFFFFF000  }
0x98: {  	_ =	swait.ge [sflag:s25], $0x1000  }
0x99: {  	[sflag:s25] =	ssyncset.done $0x0  }
0x9a: {  	[sflag:s25] =	ssyncadd.s32 $0xFFFFF000  }
0x9b: {  	_ =	swait.ge [sflag:s25], $0x1000  }
0x9c: {  	[sflag:s25] =	ssyncset.done $0x0  }
0x9d: {  	[sflag:s25] =	ssyncadd.s32 $0xFFFFF000  }
0x9e: {  	_ =	swait.ge [sflag:s25], $0x1000  }
0x9f: {  	[sflag:s25] =	ssyncset.done $0x0  }
0xa0: {  	[sflag:s25] =	ssyncadd.s32 $0xFFFFF000  }
0xa1: {  	_ =	swait.ge [sflag:s25], $0x1000  }
0xa2: {  	[sflag:s25] =	ssyncset.done $0x0  }
0xa3: {  	[sflag:s25] =	ssyncadd.s32 $0xFFFFF000  }
0xa4: {  	_ =	swait.ge [sflag:s25], $0x1000  }
0xa5: {  	[sflag:s25] =	ssyncset.done $0x0  }
0xa6: {  	[sflag:s25] =	ssyncadd.s32 $0xFFFFF000  }
0xa7: {  	_ =	swait.ge [sflag:s25], $0x1000  }
0xa8: {  	[sflag:s25] =	ssyncset.done $0x0  }
0xa9: {  	[sflag:s25] =	ssyncadd.s32 $0xFFFFF000  }
0xaa: {  	_ =	swait.ge [sflag:s25], $0x1000  }
0xab: {  	[sflag:s25] =	ssyncset.done $0x0  }
0xac: {  	[sflag:s25] =	ssyncadd.s32 $0xFFFFF000  }
0xad: {  	_ =	swait.ge [sflag:s25], $0x1000  }
0xae: {  	s23 =	sadd.s32 $0x1, s23;
	[sflag:s25] =	ssyncset.done $0x0  }
0xaf: {  	p0 =	sne.s32 s23, s9;
	[sflag:s25] =	ssyncadd.s32 $0xFFFFF000  }
.Ltmp1:
0xb0: {  	[bflag:$0x0] =	sbarrier.arrive $0xFFFF;
	(pc) =	sbr.rel @p0 .LBB2_1-.Ltmp1, $4  }
0xb1: {  	[hbm:s8], [sflag:s13] =	dma.local [spmem:s14], $0xA00  }
0xb2: {  	_ =	swait.ge [sflag:s11], $0xA00  }
0xb3: {  	[sflag:s11] =	ssyncset.done $0x0  }
0xb4: {  	[sflag:s11] =	ssyncadd.s32 $0xFFFFF600  }
0xb5: {  	_ =	sfence.sel $0x180000  }
0xb6: {  	[bflag:$0x0] =	sbarrier.arrive $0xFFFF  }
0xb7: {  	_ =	strace $0x9000004D  }
0xb8: {  	s0 =	stileid.u32;
	[bflag:$0x2] =	sbarrier.arrive $0xFFFF  }
0xb9: {  	p0 =	sne.s32 s0, $0x0;
	s0 =	rddreg [dreg:$0x2]  }
0xba: {  	s0 =	sadd.s32 @!p0 $0x100000, s0  }
0xbb: {  	[sflag:s0] =	ssyncadd.tile.s32 @!p0 $0x1;
	_ =	shalt  }
.Lfunc_end2:
_tile_overlayer_lowered:
.L_overlay_start_2:
0xbc: {  	(tag) =	ssettag $0x2  }
0xbd: {  	s0 =	rddreg [dreg:$0x0];
	s2 =	stileid.u32  }
0xbe: {  	s1 =	rddreg [dreg:$0x1];
	p0 =	sne.s32 s2, $0x0  }
0xbf: {  	s3 =	rddreg [dreg:$0x2];
	[bflag:$0x3] =	sbarrier.arrive $0xFFFF;
	s2 =	simm.s32 @!p0 $0x1C03  }
0xc0: {  	[timem:s3], [sflag:s2] =	dma.local @!p0 [hbm:s0], s1  }
0xc1: {  	s0 =	simm.s32 @!p0 $0x3  }
0xc2: {  	_ =	swait.ge @!p0 [sflag:s0], s1  }
0xc3: {  	s1 =	ssub.s32 @!p0 $0x0, s1;
	[sflag:s0] =	ssyncset.done @!p0 $0x0  }
0xc4: {  	[sflag:s0] =	ssyncadd.s32 @!p0 s1  }
0xc5: {  	[bflag:$0x3] =	sbarrier.arrive $0xFFFF  }
0xc6: {  	_ =	shalt  }

// kernel: kernel.8.cloned.1.call-start
scs
__scs_entry_jumppad:
0x0: {  	(pc) =	sbr.rel $0x88, $3  }
0x1: {  	(tag) =	ssettag $0x0;
	lr =	simm.s32 $0x1  }
0x2: {  	[smem:$0x3F97] =	sst lr;
	_ =	strace $0xD0000000  }
0x3: {  	_ = 	snop  }
0x4: {  	_ = 	snop  }
0x5: {  	_ = 	snop  }
0x6: {  	_ = 	snop  }
0x7: {  	_ = 	snop  }
__scs_overlays_trampoline_lowered:
0x8: {  	[smem:$0x3FA6] =	sst s0  }
0x9: {  	[smem:$0x3FA7] =	sst s1  }
0xa: {  	[smem:$0x3FA8] =	sst s2  }
0xb: {  	[smem:$0x3FA9] =	sst s3  }
0xc: {  	[smem:$0x3FAA] =	sst s4  }
0xd: {  	[smem:$0x3FAB] =	sst s5  }
0xe: {  	[smem:$0x3FAC] =	sst s6  }
0xf: {  	[smem:$0x3FAD] =	sst s7  }
0x10: {  	[smem:$0x3FAE] =	sst s8  }
0x11: {  	[smem:$0x3FAF] =	sst s9;
	s0 =	simm.s32 @!p0 $0x0  }
0x12: {  	s1 =	sld [smem:$0x3F95];
	s0 =	simm.s32 @p0 $0x1  }
0x13: {  	[smem:$0x3FB0] =	sst s0;
	s0 =	simm.s32 @!p1 $0x0  }
0x14: {  	s2 =	sld [smem:$0x3F94];
	s0 =	simm.s32 @p1 $0x1  }
0x15: {  	[smem:$0x3FB1] =	sst s0;
	s0 =	simm.s32 @!p2 $0x0  }
0x16: {  	s3 =	sld [smem:$0x3FDB];
	s0 =	simm.s32 @p2 $0x1  }
0x17: {  	s4 =	simm.s32 $0x1BF5;
	[smem:$0x3FB3] =	sst s0  }
0x18: {  	s0 =	sld [smem:$0x3F96];
	_ =	swait.ge [sflag:s4], $0x0  }
0x19: {  	s7 =	sld [smem:$0x3F97]  }
0x1a: {  	s8 =	sadd.s32 $0xFFFFE003, lr  }
0x1b: {  	s9 =	sadd.s32 $0xFFFFFEF7, lr;
	s5 =	simm.s32 $0xFFFFFFFF;
	p2 =	slt.u32 s8, $0xFFFFF086  }
0x1c: {  	p1 =	slt.u32 s9, $0xF7A;
	s5 =	simm.s32 @!p2 $0x0  }
0x1d: {  	s5 =	simm.s32 @p1 $0x1;
	p0 =	seq.s32 s7, s2  }
0x1e: {  	s7 =	smul.u32 @!p0 $0xF7A, s2;
	p2 =	seq.s32 @!p0 s5, $0x0  }
0x1f: {  	s9 =	smul.u32 $0xF7A, s1;
	s8 =	simm.s32 @!p0 $0x1BF5;
	p2 =	por !p2, p0  }
0x20: {  	[sflag:s8] =	ssyncset.s32 @!p0 $0xFFFFF086;
	s6 =	sadd.s32 @!p0 s3, s7;
	s7 =	simm.s32 @!p0 $0x108  }
0x21: {  	s3 =	sadd.s32 s3, s9;
	s6 =	sadd.s32 @!p0 $0x88, s6;
	s7 =	simm.s32 @p2 $0x1082  }
0x22: {  	[simem:s7], [sflag:s8] =	dma.local @!p0 [hbm:s6], $0xF7A  }
0x23: {  	s9 =	sor.u32 $0xD0000000, s2;
	s6 =	simm.s32 $0x108;
	_ =	swait.ge @!p0 [sflag:s8], $0x0  }
0x24: {  	s3 =	sadd.s32 $0x88, s3;
	s6 =	simm.s32 @!p1 $0x1082;
	[sflag:s4] =	ssyncset.s32 $0xFFFFF086  }
0x25: {  	[simem:s6], [sflag:s4] =	dma.local [hbm:s3], $0xF7A  }
0x26: {  	[smem:$0x3F97] =	sst s1;
	(tag) =	ssettag s2;
	_ =	strace s9  }
0x27: {  	s1 =	sld [smem:$0x3FA7]  }
0x28: {  	s2 =	sld [smem:$0x3FA8]  }
0x29: {  	s4 =	sld [smem:$0x3FAA]  }
0x2a: {  	p0 =	seq.s32 s5, $0x0;
	s5 =	sld [smem:$0x3FAB]  }
0x2b: {  	s6 =	sld [smem:$0x3FAC]  }
0x2c: {  	s7 =	sld [smem:$0x3FAD]  }
0x2d: {  	s3 =	simm.s32 $0x108;
	s8 =	sld [smem:$0x3FAE]  }
0x2e: {  	s3 =	simm.s32 @!p0 $0x1082;
	s9 =	sld [smem:$0x3FAF]  }
0x2f: {  	lr =	sadd.s32 s0, s3;
	s0 =	sld [smem:$0x3FA6]  }
0x30: {  	s3 =	sld [smem:$0x3FA9]  }
0x31: {  	[smem:$0x3FB2] =	sst s10  }
0x32: {  	s10 =	sld [smem:$0x3FB0];
	_ =	sdelay $0x3  }
0x33: {  	p0 =	seq.s32 s10, $0x1;
	s10 =	sld [smem:$0x3FB2];
	_ =	sdelay $0x3  }
0x34: {  	[smem:$0x3FB2] =	sst s10  }
0x35: {  	s10 =	sld [smem:$0x3FB1];
	_ =	sdelay $0x3  }
0x36: {  	p1 =	seq.s32 s10, $0x1;
	s10 =	sld [smem:$0x3FB2];
	_ =	sdelay $0x3  }
0x37: {  	[smem:$0x3FB2] =	sst s10  }
0x38: {  	s10 =	sld [smem:$0x3FB3]  }
0x39: {  	_ = 	snop;
	(pc) =	sbr.ind lr, $3  }
0x3a: {  	_ = 	snop  }
0x3b: {  	_ = 	snop  }
0x3c: {  	p2 =	seq.s32 s10, $0x1;
	s10 =	sld [smem:$0x3FB2]  }
0x3d: {  	_ =	shalt  }
0x3e: {  	_ =	shalt  }
0x3f: {  	_ =	shalt  }
0x40: {  	_ =	shalt  }
0x41: {  	_ =	shalt  }
0x42: {  	_ =	shalt  }
0x43: {  	_ =	shalt  }
0x44: {  	_ =	shalt  }
0x45: {  	_ =	shalt  }
0x46: {  	_ =	shalt  }
0x47: {  	_ =	shalt  }
0x48: {  	_ =	shalt  }
0x49: {  	_ =	shalt  }
0x4a: {  	_ =	shalt  }
0x4b: {  	_ =	shalt  }
0x4c: {  	_ =	shalt  }
0x4d: {  	_ =	shalt  }
0x4e: {  	_ =	shalt  }
0x4f: {  	_ =	shalt  }
0x50: {  	_ =	shalt  }
0x51: {  	_ =	shalt  }
0x52: {  	_ =	shalt  }
0x53: {  	_ =	shalt  }
0x54: {  	_ =	shalt  }
0x55: {  	_ =	shalt  }
0x56: {  	_ =	shalt  }
0x57: {  	_ =	shalt  }
0x58: {  	_ =	shalt  }
0x59: {  	_ =	shalt  }
0x5a: {  	_ =	shalt  }
0x5b: {  	_ =	shalt  }
0x5c: {  	_ =	shalt  }
0x5d: {  	_ =	shalt  }
0x5e: {  	_ =	shalt  }
0x5f: {  	_ =	shalt  }
0x60: {  	_ =	shalt  }
0x61: {  	_ =	shalt  }
0x62: {  	_ =	shalt  }
0x63: {  	_ =	shalt  }
0x64: {  	_ =	shalt  }
0x65: {  	_ =	shalt  }
0x66: {  	_ =	shalt  }
0x67: {  	_ =	shalt  }
0x68: {  	_ =	shalt  }
0x69: {  	_ =	shalt  }
0x6a: {  	_ =	shalt  }
0x6b: {  	_ =	shalt  }
0x6c: {  	_ =	shalt  }
0x6d: {  	_ =	shalt  }
0x6e: {  	_ =	shalt  }
0x6f: {  	_ =	shalt  }
0x70: {  	_ =	shalt  }
0x71: {  	_ =	shalt  }
0x72: {  	_ =	shalt  }
0x73: {  	_ =	shalt  }
0x74: {  	_ =	shalt  }
0x75: {  	_ =	shalt  }
0x76: {  	_ =	shalt  }
0x77: {  	_ =	shalt  }
0x78: {  	_ =	shalt  }
0x79: {  	_ =	shalt  }
0x7a: {  	_ =	shalt  }
0x7b: {  	_ =	shalt  }
0x7c: {  	_ =	shalt  }
0x7d: {  	_ =	shalt  }
0x7e: {  	_ =	shalt  }
0x7f: {  	_ =	shalt  }
0x80: {  	_ =	shalt  }
0x81: {  	_ =	shalt  }
0x82: {  	_ =	shalt  }
0x83: {  	_ =	shalt  }
0x84: {  	_ =	shalt  }
0x85: {  	_ =	shalt  }
0x86: {  	_ =	shalt  }
0x87: {  	_ =	shalt  }
.Lfunc_end0:
.L_simem_size_0:
called_computation_lowered:
.L_overlay_start_0:
0x88: {  	s2 =	sld [smem:$0x3FD9]  }
0x89: {  	s3 =	sld [smem:$0x3FFE];
	_ =	sdelay $0x1  }
0x8a: {  	s1 =	srdreg.scid  }
0x8b: {  	s0 =	sand.u32 $0x1, s1  }
0x8c: {  	s16 =	sshll.u32 s0, $0xA;
	s2 =	sadd.s32 s3, s2  }
0x8d: {  	s2 =	sadd.s32 s2, s16  }
0x8e: {  	[smem:$0x3FBE] =	sst s2  }
0x8f: {  	_ = 	snop  }
0x90: {  	(tm) =	ssettm $0x1  }
0x91: {  	s17 =	sld [smem:$0x3FFB];
	_ =	sdelay $0x3  }
0x92: {  	_ =	strace s17  }
0x93: {  	s2 =	sld [smem:$0x3FFC];
	_ =	sdelay $0x3  }
0x94: {  	_ =	strace s2  }
0x95: {  	s2 =	sld [smem:$0x3FFD];
	_ =	sdelay $0x3  }
0x96: {  	_ =	strace s2  }
0x97: {  	_ =	strace $0x8FFFFFFF  }
0x98: {  	s18 =	sld [smem:$0x3FDB];
	_ =	sdelay $0x1  }
0x99: {  	s19 =	simm.s32 $_scs_section_size  }
0x9a: {  	s4 =	simm.s32 $_size__tile_overlayer_lowered;
	s5 =	simm.s32 $_tile_overlayer_lowered  }
0x9b: {  	s22 =	simm.s32 $0x1BFF;
	s21 =	sshll.u32 s5, $0x1;
	s2 =	sadd.s32 s19, s18  }
0x9c: {  	s6 =	simm.s32 $0x0;
	s20 =	sshll.u32 s4, $0x1;
	s4 =	sadd.s32 s21, s2  }
0x9d: {  	[timem:s6], [sflag:s22] =	dma.local [hbm:s4], s20  }
0x9e: {  	_ =	swait.ge [sflag:s22], s20  }
0x9f: {  	s3 =	ssub.s32 $0x0, s20;
	[sflag:s22] =	ssyncset.done $0x0  }
0xa0: {  	[sflag:s22] =	ssyncadd.s32 s3;
	_ =	sdelay $0x1  }
0xa1: {  	s23 =	simm.s32 $0x1B8B  }
0xa2: {  	_ =	swait.ge [sflag:s23], $0x1  }
0xa3: {  	[sflag:s23] =	ssyncset.done $0x0  }
0xa4: {  	s25 =	simm.s32 $0x1B8E;
	s24 =	sld [smem:$0x3FFE];
	[sflag:s23] =	ssyncadd.s32 $0xFFFFFFFF  }
0xa5: {  	s26 =	simm.s32 $execute0_lowered;
	[smem:$0x3FD2] =	sst s25  }
0xa6: {  	s4 =	sshll.u32 s26, $0x1;
	_ =	strace $0x80000046;
	[dreg:$0x1] =	wrdreg $0xFFFFFFFF  }
0xa7: {  	s28 =	simm.s32 $_size_execute0_lowered;
	s2 =	sadd.s32 s2, s4;
	[dreg:$0x0] =	wrdreg $0x0  }
0xa8: {  	s4 =	sshll.u32 s28, $0x1;
	[dreg:$0x2] =	wrdreg s2  }
0xa9: {  	[dreg:$0x3] =	wrdreg s4  }
0xaa: {  	[dreg:$0x4] =	wrdreg $0xC0  }
0xab: {  	_ =	task [dreg:s6], $0x5FFFF  }
0xac: {  	[dreg:$0x1] =	wrdreg $0xFFFFFFFF  }
0xad: {  	[dreg:$0x0] =	wrdreg $0x60  }
0xae: {  	[dreg:$0x2] =	wrdreg s24  }
0xaf: {  	[dreg:$0x3] =	wrdreg $0x0  }
0xb0: {  	[dreg:$0x4] =	wrdreg $0x9  }
0xb1: {  	_ =	task.clear_ibuf [dreg:s6], $0x5FFFF;
	_ =	strace $0x90000046  }
0xb2: {  	s29 =	simm.s32 $0x9;
	_ =	strace $0x80000048  }
0xb3: {  	_ =	swait.ge [sflag:s29], $0x1  }
0xb4: {  	[sflag:s29] =	ssyncadd.s32 $0xFFFFFFFF  }
0xb5: {  	_ =	strace $0x90000048  }
0xb6: {  	_ =	sfence  }
0xb7: {  	s30 =	sld [smem:$0x0];
	_ =	sdelay $0x2  }
0xb8: {  	s31 =	sshll.u32 s1, $0xD;
	s1 =	sshrl.u32 s1, $0x2  }
0xb9: {  	s3 =	sand.u32 $0x4000, s31;
	s1 =	sadd.s32 s1, s30  }
0xba: {  	s0 =	sor.u32 s3, s0;
	s1 =	sshll.u32 s1, $0x11  }
0xbb: {  	s0 =	sor.u32 s1, s0  }
0xbc: {  	s0 =	sadd.s32 $0x8F2B, s0  }
0xbd: {  	[sflag:s0] =	ssyncadd.remote.s32 $0x1  }
0xbe: {  	_ =	sfence.sel $0xFFFF  }
0xbf: {  	[dreg:$0x0] =	wrdreg $0xFFFFFFFF;
	(pc) =	sbr.abs _section_cstart, $3  }
0xc0: {  	[dreg:$0x1] =	wrdreg $0xFFFFFFFF  }
0xc1: {  	_ =	task.clear_ibuf [dreg:s6], $0x2FFFF;
	_ =	strace $0x9FFFFFFF  }
0xc2: {  	(tm) =	ssettm $0x7FFFFFFF  }
0xc3: {  	_ =	shalt  }
tec
execute0_lowered:
.L_overlay_start_1:
0x0: {  	(tag) =	ssettag $0x1  }
0x1: {  	s5 =	rddreg [dreg:$0x0]  }
0x2: {  	s0 =	srdreg.scid;
	s2 =	rddreg [dreg:$0x1];
	s3 =	simm.s32 $0x0  }
0x3: {  	s12 =	simm.s32 $0x80;
	s13 =	simm.s32 $0x2A80;
	s14 =	simm.s32 $0x1  }
0x4: {  	s15 =	simm.s32 $0x0;
	s4 =	sand.u32 $0x1, s0;
	s0 =	stileid.u32  }
0x5: {  	[smem:$0x7FF] =	sst s3;
	s1 =	sshll.u32 s4, $0x4;
	s7 =	smul.u32 $0x280, s0  }
0x6: {  	s8 =	smul.u32 $0x2800, s4;
	s4 =	ssub.s32 $0x2, s4;
	s1 =	sor.u32 s0, s1  }
0x7: {  	s31 =	sshll.u32 s0, $0x6;
	s30 =	sshrl.u32 s4, $0x1;
	s6 =	smul.u32 $0x500, s1  }
0x8: {  	s1 =	rddreg [dreg:$0x2];
	_ =	strace $0x80000047;
	s8 =	sadd.s32 s7, s8  }
0x9: {  	s9 =	sshrl.u32 s7, $0x3;
	s10 =	ssub.s32 s4, s30;
	s11 =	sadd.s32 s7, s2  }
0xa: {  	s8 =	sshrl.u32 s8, $0x3;
	s9 =	sadd.s32 s9, s5;
	s7 =	smax.u32 s10, $0x1  }
0xb: {  	s10 =	sor.u32 $0x1C02, s31;
	s11 =	sshrl.u32 s11, $0x3;
	s6 =	sadd.s32 s6, s5  }
0xc: {  	s8 =	sadd.s32 s8, s5;
	s5 =	sadd.s32 $0x16000, s9;
	s9 =	simm.s32 $0x2  }
0xd: {  	v0 =	vimm.f32 $1.000000000e+00;
	s4 =	sadd.s32 $0xC000, s6;
	s6 =	sadd.s32 $0x16600, s8;
	s8 =	simm.s32 $0x280  }
.LBB2_1:
0xe: {  	[tilespmem:$0x2A80] =	vst v0  }
0xf: {  	[tilespmem:$0x2A90] =	vst v0  }
0x10: {  	[tilespmem:$0x2AA0] =	vst v0  }
0x11: {  	[tilespmem:$0x2AB0] =	vst v0  }
0x12: {  	[tilespmem:$0x2AC0] =	vst v0  }
0x13: {  	[tilespmem:$0x2AD0] =	vst v0  }
0x14: {  	[tilespmem:$0x2AE0] =	vst v0  }
0x15: {  	[tilespmem:$0x2AF0] =	vst v0  }
0x16: {  	[tilespmem:s8], [sflag:$0x2] =	stream.linear.gather [hbm4b:s4+s3], $0x2800, $0x38;
	[tilespmem:$0x2B00] =	vst v63  }
0x17: {  	_ =	swait.ge [sflag:s9], $0x2800  }
0x18: {  	[sflag:s9] =	ssyncset.done $0x0  }
0x19: {  	[sflag:s9] =	ssyncadd.s32 $0xFFFFD800  }
0x1a: {  	[spmem:s11], [sflag:s10] =	dma.local [hbm:s5], $0x50  }
0x1b: {  	_ =	swait.ge [sflag:s9], $0x50  }
0x1c: {  	[sflag:s9] =	ssyncset.done $0x0  }
0x1d: {  	[sflag:s9] =	ssyncadd.s32 $0xFFFFFFB0  }
0x1e: {  	s16 =	simm.s32 $0x0;
	[bflag:$0x0] =	sbarrier.arrive $0xFFFF  }
.LBB2_2:
0x1f: {  	p0 =	sne.s32 s16, $0x9E00  }
.Ltmp0:
0x20: {  	_ = 	snop;
	(pc) =	sbr.rel @p0 .LBB2_2-.Ltmp0, $4  }
0x21: {  	_ = 	snop  }
0x22: {  	s17 =	sshra.s32 s16, $0x2  }
0x23: {  	s16 =	sadd.s32 $0x200, s16;
	s17 =	sadd.s32 $0x280, s17  }
0x24: {  	[spmem:s2] =	stream.indirect.scatter.add.f32 [tilespmem:s13], [sflag:$0x1], $0x1, s17, s12, $0xb8;
	[tilespmem:$0x2B00] =	vst v63  }
0x25: {  	_ =	swait.ge [sflag:s14], $0x80  }
0x26: {  	s16 =	simm.s32 $0x4F;
	[sflag:s14] =	ssyncset.done $0x0  }
.LBB2_4:
0x27: {  	p0 =	sne.s32 s16, $0x1;
	s16 =	sadd.s32 $0xFFFFFFFF, s16;
	[sflag:s14] =	ssyncadd.s32 $0xFFFFFF80  }
.Ltmp1:
0x28: {  	(pc) =	sbr.rel @p0 .LBB2_4-.Ltmp1, $3  }
0x29: {  	_ =	sdelay $0x1  }
0x2a: {  	_ =	swait.ge [sflag:s14], $0x80  }
0x2b: {  	[sflag:s14] =	ssyncset.done $0x0  }
0x2c: {  	s15 =	sadd.s32 $0x1, s15  }
0x2d: {  	[sflag:s14] =	ssyncadd.s32 $0xFFFFFF80;
	p0 =	sne.s32 s15, s7  }
.Ltmp2:
0x2e: {  	[bflag:$0x0] =	sbarrier.arrive $0xFFFF;
	(pc) =	sbr.rel @p0 .LBB2_1-.Ltmp2, $4  }
0x2f: {  	[hbm:s6], [sflag:s10] =	dma.local [spmem:s11], $0x50  }
0x30: {  	_ =	swait.ge [sflag:s9], $0x50  }
0x31: {  	[sflag:s9] =	ssyncset.done $0x0  }
0x32: {  	[sflag:s9] =	ssyncadd.s32 $0xFFFFFFB0  }
0x33: {  	_ =	sfence.sel $0x180000  }
0x34: {  	[bflag:$0x0] =	sbarrier.arrive $0xFFFF  }
0x35: {  	p0 =	sne.s32 s0, $0x0;
	_ =	strace $0x90000047  }
0x36: {  	s0 =	sadd.s32 @!p0 $0x100000, s1;
	[bflag:$0x2] =	sbarrier.arrive $0xFFFF  }
0x37: {  	[sflag:s0] =	ssyncadd.tile.s32 @!p0 $0x1;
	_ =	shalt  }
.Lfunc_end2:
_tile_overlayer_lowered:
.L_overlay_start_2:
0x38: {  	(tag) =	ssettag $0x2  }
0x39: {  	s0 =	rddreg [dreg:$0x0];
	s2 =	stileid.u32  }
0x3a: {  	s1 =	rddreg [dreg:$0x1];
	p0 =	sne.s32 s2, $0x0  }
0x3b: {  	s3 =	rddreg [dreg:$0x2];
	[bflag:$0x3] =	sbarrier.arrive $0xFFFF;
	s2 =	simm.s32 @!p0 $0x1C02  }
0x3c: {  	[timem:s3], [sflag:s2] =	dma.local @!p0 [hbm:s0], s1  }
0x3d: {  	s0 =	simm.s32 @!p0 $0x2  }
0x3e: {  	_ =	swait.ge @!p0 [sflag:s0], s1  }
0x3f: {  	s1 =	ssub.s32 @!p0 $0x0, s1;
	[sflag:s0] =	ssyncset.done @!p0 $0x0  }
0x40: {  	[sflag:s0] =	ssyncadd.s32 @!p0 s1  }
0x41: {  	[bflag:$0x3] =	sbarrier.arrive $0xFFFF  }
0x42: {  	_ =	shalt  }

</sc_bundles>
